<compile_context>
chip_gen: v7x
topology: tpu7x:2x2x1
jax: 0.10.2.dev20260603
libtpu: 0.0.44.dev20260713+nightly
codegen_flags: <defaults>
</compile_context>

<pallas_src>
import functools

import jax
import jax.numpy as jnp
from jax import lax
from jax.experimental import pallas as pl
from jax.experimental.pallas import tpu as pltpu
from jax.experimental.pallas import tpu_sc as plsc

N_NODES = 10000
D = 128
G = 64
N_GA = 6

NC, NS = 2, 16
NW = NC * NS
CHUNK = 128
K = 79
E_PAD = NW * K * CHUNK
ROWS_PAD = 10240
RPS = ROWS_PAD // NS
ROW_BLK = 640
N_BLKS = ROWS_PAD // ROW_BLK


def _sc_agg_body(x_hbm, ed_hbm, out_hbm,
                 ed_v, src_c, dst_c, buf_a, buf_b, acc, sem_a, sem_b):
    c = lax.axis_index("c")
    s = lax.axis_index("s")
    wid = c * NS + s
    pltpu.sync_copy(ed_hbm.at[wid], ed_v)

    zeros = jnp.zeros((16,), jnp.float32)

    def _zrow(r, carry):
        for j in range(D // 16):
            buf_a[r, pl.ds(j * 16, 16)] = zeros
        return carry

    lax.fori_loop(0, CHUNK, _zrow, 0)
    for k in range(RPS // CHUNK):
        pltpu.sync_copy(buf_a, acc.at[pl.ds(s * RPS + k * CHUNK, CHUNK)])
    plsc.subcore_barrier()

    def _unpack(j, p):
        for q in range(CHUNK // 16):
            v = ed_v[j, pl.ds(q * 16, 16)]
            src_c[p, pl.ds(q * 16, 16)] = v & 0xFFFF
            dst_c[p, pl.ds(q * 16, 16)] = v >> 16

    def _gather(j, p, buf, sem):
        _unpack(j, p)
        pltpu.async_copy(x_hbm.at[src_c.at[p]], buf, sem)

    def _wait(p, buf, sem):
        pltpu.make_async_copy(x_hbm.at[src_c.at[p]], buf, sem).wait()

    def _scatter(p, buf):
        pltpu.sync_copy(buf, acc.at[dst_c.at[p]], add=True)

    _gather(0, 0, buf_a, sem_a)

    def _step(t, carry):
        j = 2 * t
        _gather(j + 1, 1, buf_b, sem_b)
        _wait(0, buf_a, sem_a)
        _scatter(0, buf_a)
        _gather(j + 2, 0, buf_a, sem_a)
        _wait(1, buf_b, sem_b)
        _scatter(1, buf_b)
        return carry

    lax.fori_loop(0, (K - 1) // 2, _step, 0)
    _wait(0, buf_a, sem_a)
    _scatter(0, buf_a)

    plsc.subcore_barrier()
    pltpu.sync_copy(acc.at[pl.ds(s * RPS, RPS)],
                    out_hbm.at[c].at[pl.ds(s * RPS, RPS)])


@functools.cache
def _sc_agg_kernel():
    return pl.kernel(
        _sc_agg_body,
        out_type=jax.ShapeDtypeStruct((NC, ROWS_PAD, D), jnp.float32),
        mesh=plsc.VectorSubcoreMesh(core_axis_name="c", subcore_axis_name="s",
                                    num_cores=NC, num_subcores=NS),
        scratch_types=[
            pltpu.VMEM((K, CHUNK), jnp.int32),
            pltpu.VMEM((2, CHUNK), jnp.int32),
            pltpu.VMEM((2, CHUNK), jnp.int32),
            pltpu.VMEM((CHUNK, D), jnp.float32),
            pltpu.VMEM((CHUNK, D), jnp.float32),
            pltpu.VMEM_SHARED((ROWS_PAD, D), jnp.float32),
            pltpu.SemaphoreType.DMA,
            pltpu.SemaphoreType.DMA,
        ],
    )


def _sc_agg(x_p, ed_p):
    return _sc_agg_kernel()(x_p, ed_p)


def _mlp1_body(x_ref, a0_ref, a1_ref, w1_ref, b1_ref, w2_ref, b2_ref, o_ref):
    h = x_ref[...] + a0_ref[...] + a1_ref[...]
    t = jnp.dot(h, w1_ref[...], preferred_element_type=jnp.float32)
    t = jnp.maximum(t + b1_ref[...], 0.0)
    o = jnp.dot(t, w2_ref[...], preferred_element_type=jnp.float32)
    o_ref[...] = jnp.maximum(o + b2_ref[...], 0.0)


_row_spec = pl.BlockSpec((ROW_BLK, D), lambda i: (i, 0))
_w_spec = pl.BlockSpec((D, D), lambda i: (0, 0))
_b_spec = pl.BlockSpec((1, D), lambda i: (0, 0))

_mlp1 = pl.pallas_call(
    _mlp1_body,
    grid=(N_BLKS,),
    in_specs=[_row_spec, _row_spec, _row_spec,
              _w_spec, _b_spec, _w_spec, _b_spec],
    out_specs=_row_spec,
    out_shape=jax.ShapeDtypeStruct((ROWS_PAD, D), jnp.float32),
)


def _final_body(x_ref, a0_ref, a1_ref, w1_ref, b1_ref, w2_ref, b2_ref,
                bat_ref, ga_ref, wf1a_ref, wf1b_ref, bf1_ref, wf2_ref,
                bf2_ref, o_ref, pool_acc, cnt_acc):
    i = pl.program_id(0)
    h = x_ref[...] + a0_ref[...] + a1_ref[...]
    t = jnp.dot(h, w1_ref[...], preferred_element_type=jnp.float32)
    t = jnp.maximum(t + b1_ref[...], 0.0)
    h2 = jnp.dot(t, w2_ref[...], preferred_element_type=jnp.float32)
    h2 = h2 + b2_ref[...]

    b = bat_ref[0, 0, :]
    onehot = (b[:, None] == lax.broadcasted_iota(jnp.int32, (ROW_BLK, G), 1)
              ).astype(jnp.float32)
    dn = (((0,), (0,)), ((), ()))
    pool_blk = lax.dot_general(onehot, h2, dn,
                               preferred_element_type=jnp.float32)
    cnt_blk = lax.dot_general(onehot, jnp.ones((ROW_BLK, D), jnp.float32),
                              dn, preferred_element_type=jnp.float32)

    @pl.when(i == 0)
    def _():
        pool_acc[...] = pool_blk
        cnt_acc[...] = cnt_blk

    @pl.when(i > 0)
    def _():
        pool_acc[...] += pool_blk
        cnt_acc[...] += cnt_blk

    @pl.when(i == pl.num_programs(0) - 1)
    def _():
        mean = pool_acc[...] / jnp.maximum(cnt_acc[...], 1.0)
        z = jnp.dot(mean, wf1a_ref[...], preferred_element_type=jnp.float32)
        z = z + jnp.dot(ga_ref[...], wf1b_ref[...],
                        preferred_element_type=jnp.float32)
        z = jnp.maximum(z + bf1_ref[...], 0.0)
        o = jnp.dot(z, wf2_ref[...], preferred_element_type=jnp.float32)
        o_ref[...] = o + bf2_ref[...]


_final = pl.pallas_call(
    _final_body,
    grid=(N_BLKS,),
    in_specs=[_row_spec, _row_spec, _row_spec,
              _w_spec, _b_spec, _w_spec, _b_spec,
              pl.BlockSpec((1, 1, ROW_BLK), lambda i: (i, 0, 0)),
              pl.BlockSpec((G, N_GA), lambda i: (0, 0)),
              _w_spec,
              pl.BlockSpec((N_GA, D), lambda i: (0, 0)),
              _b_spec,
              pl.BlockSpec((D, 1), lambda i: (0, 0)),
              pl.BlockSpec((1, 1), lambda i: (0, 0))],
    out_specs=pl.BlockSpec((G, 1), lambda i: (0, 0)),
    out_shape=jax.ShapeDtypeStruct((G, 1), jnp.float32),
    scratch_shapes=[pltpu.VMEM((G, D), jnp.float32),
                    pltpu.VMEM((G, D), jnp.float32)],
)


def kernel(x, edge_index, batch, graph_attr, W1a, b1a, W2a, b2a,
           W1b, b1b, W2b, b2b, Wf1, bf1, Wf2, bf2):
    x = x.astype(jnp.float32)
    src = edge_index[0].astype(jnp.int32)
    dst = edge_index[1].astype(jnp.int32)
    n_pad = E_PAD - src.shape[0]
    pad_src = jnp.arange(n_pad, dtype=jnp.int32) % N_NODES
    src_p = jnp.concatenate([src, pad_src])
    pad_dst = N_NODES + (jnp.arange(n_pad, dtype=jnp.int32) % (ROWS_PAD - N_NODES))
    dst_p = jnp.concatenate([dst, pad_dst])
    ed_p = (src_p | (dst_p << 16)).reshape(NW, K, CHUNK)
    x_p = jnp.zeros((ROWS_PAD, D), jnp.float32).at[:N_NODES].set(x)
    bat_p = jnp.full((ROWS_PAD,), G, jnp.int32).at[:N_NODES].set(
        batch.astype(jnp.int32)).reshape(N_BLKS, 1, ROW_BLK)

    agg1 = _sc_agg(x_p, ed_p)
    h1 = _mlp1(x_p, agg1[0], agg1[1],
               W1a, b1a.reshape(1, D), W2a, b2a.reshape(1, D))
    agg2 = _sc_agg(h1, ed_p)
    z = _final(h1, agg2[0], agg2[1],
               W1b, b1b.reshape(1, D), W2b, b2b.reshape(1, D),
               bat_p, graph_attr, Wf1[:D], Wf1[D:], bf1.reshape(1, D),
               Wf2, bf2.reshape(1, 1))
    return z

# --- scband reference (transcript-rebuilt; emitter-appended) ---
"""Pipeline reference for scband-ginmodel-58437325029805 (READ-ONLY COPY).

The authoritative reference and input builder live on the scoring server;
editing this copy changes nothing except your own understanding.
"""

import jax, jax.numpy as jnp
import numpy as np

N_NODES = 10000
N_EDGES = 320000
D_FEAT = 128
HIDDEN = 128
OUT_DIM = 1
N_GRAPH_ATTR = 6
N_GRAPHS = 64
EPS = 0.0


def setup_inputs(seed: int = 0) -> dict:
    key = jax.random.key(seed)
    ks = jax.random.split(key, 16)
    x = jax.random.normal(ks[0], (N_NODES, D_FEAT), dtype=jnp.float32)
    edge_index = jax.random.randint(ks[1], (2, N_EDGES), 0, N_NODES, dtype=jnp.int64) if jax.config.jax_enable_x64 else jax.random.randint(ks[1], (2, N_EDGES), 0, N_NODES).astype(jnp.int32)
    batch = jnp.sort(jax.random.randint(ks[2], (N_NODES,), 0, N_GRAPHS)).astype(jnp.int32)
    graph_attr = jax.random.normal(ks[3], (N_GRAPHS, N_GRAPH_ATTR), dtype=jnp.float32)
    s = 0.02
    params = {
        'W1a': jax.random.normal(ks[4], (D_FEAT, HIDDEN), dtype=jnp.float32) * s,
        'b1a': jnp.zeros((HIDDEN,), dtype=jnp.float32),
        'W2a': jax.random.normal(ks[5], (HIDDEN, HIDDEN), dtype=jnp.float32) * s,
        'b2a': jnp.zeros((HIDDEN,), dtype=jnp.float32),
        'W1b': jax.random.normal(ks[6], (HIDDEN, HIDDEN), dtype=jnp.float32) * s,
        'b1b': jnp.zeros((HIDDEN,), dtype=jnp.float32),
        'W2b': jax.random.normal(ks[7], (HIDDEN, HIDDEN), dtype=jnp.float32) * s,
        'b2b': jnp.zeros((HIDDEN,), dtype=jnp.float32),
        'Wf1': jax.random.normal(ks[8], (HIDDEN + N_GRAPH_ATTR, HIDDEN), dtype=jnp.float32) * s,
        'bf1': jnp.zeros((HIDDEN,), dtype=jnp.float32),
        'Wf2': jax.random.normal(ks[9], (HIDDEN, OUT_DIM), dtype=jnp.float32) * s,
        'bf2': jnp.zeros((OUT_DIM,), dtype=jnp.float32),
    }
    out = {'x': x, 'edge_index': edge_index, 'batch': batch, 'graph_attr': graph_attr}
    out.update(params)
    return out


def _gin_conv(x, src, dst, W1, b1, W2, b2):
    # sum-aggregate neighbor messages: agg[dst] += x[src]
    agg = jax.ops.segment_sum(jnp.take(x, src, axis=0), dst, num_segments=N_NODES)
    h = (1.0 + EPS) * x + agg
    h = jnp.maximum(h @ W1 + b1, 0.0)
    h = h @ W2 + b2
    return h


def reference(x, edge_index, batch, graph_attr, W1a, b1a, W2a, b2a, W1b, b1b, W2b, b2b, Wf1, bf1, Wf2, bf2):
    src = edge_index[0]
    dst = edge_index[1]
    h = _gin_conv(x, src, dst, W1a, b1a, W2a, b2a)
    h = jnp.maximum(h, 0.0)
    h = _gin_conv(h, src, dst, W1b, b1b, W2b, b2b)
    # global mean pool over batch ids
    seg_sum = jax.ops.segment_sum(h, batch, num_segments=N_GRAPHS)
    counts = jax.ops.segment_sum(jnp.ones((N_NODES,), dtype=h.dtype), batch, num_segments=N_GRAPHS)
    pooled = seg_sum / jnp.maximum(counts, 1.0)[:, None]
    ga = graph_attr.reshape(-1, N_GRAPH_ATTR)
    z = jnp.concatenate([pooled, ga], axis=1)
    z = jnp.maximum(z @ Wf1 + bf1, 0.0)
    z = z @ Wf2 + bf2
    return z

if __name__ == "__main__":
    import jax
    _d = setup_inputs()
    print(jax.jit(kernel)(*tuple(_d.values())))

</pallas_src>

<mosaic_0001>
#map = affine_map<(d0, d1) -> (0, 0)>
#map1 = affine_map<(d0, d1) -> (0, 0, 0)>
module attributes {stable_mosaic.version = 14 : i64} {
  func.func @_sc_agg_body(%arg0: i32, %arg1: i32, %arg2: memref<10240x128xf32, #tpu.memory_space<hbm>>, %arg3: memref<32x79x128xi32, #tpu.memory_space<hbm>>, %arg4: memref<2x10240x128xf32, #tpu.memory_space<hbm>>, %arg5: memref<79x128xi32, #tpu.memory_space<vmem>>, %arg6: memref<2x128xi32, #tpu.memory_space<vmem>>, %arg7: memref<2x128xi32, #tpu.memory_space<vmem>>, %arg8: memref<128x128xf32, #tpu.memory_space<vmem>>, %arg9: memref<128x128xf32, #tpu.memory_space<vmem>>, %arg10: memref<10240x128xf32, #tpu.memory_space<vmem_shared>>, %arg11: memref<!tpu.dma_semaphore, #tpu.memory_space<semaphore_mem>>, %arg12: memref<!tpu.dma_semaphore, #tpu.memory_space<semaphore_mem>>) attributes {dimension_semantics = [#tpu.dimension_semantics<core_parallel>, #tpu.dimension_semantics<subcore_parallel>], iteration_bounds = array<i64: 2, 16>, scalar_prefetch = 0 : i64, scratch_operands = 8 : i64, tpu.core_type = #tpu.core_type<sc_vector_subcore>, window_params = [{transform_indices = #map}, {transform_indices = #map1}, {transform_indices = #map1}]} {
    %mul3A = arith.constant 16 : i32
    %mul3A_0 = arith.muli %arg0, %mul3A : i32
    %add3A = arith.addi %mul3A_0, %arg1 : i32
    "tpu.region"() ({
      %run_scoped3A_230 = tpu.sem_alloc : memref<!tpu.dma_semaphore, #tpu.memory_space<semaphore_mem>>
      %dma_start3A_231 = arith.constant 0 : i32
      %dma_start3A_232 = arith.constant 0 : i32
      %dma_start3A_233 = tpu.memref_slice %arg3[%add3A, %dma_start3A_231, %dma_start3A_232] : memref<32x79x128xi32, #tpu.memory_space<hbm>> -> memref<1x79x128xi32, #tpu.memory_space<hbm>>
      %dma_start3A_234 = tpu.memref_squeeze %dma_start3A_233 : memref<1x79x128xi32, #tpu.memory_space<hbm>> -> memref<79x128xi32, #tpu.memory_space<hbm>>
      %dma_start3A_235 = arith.constant 0 : i32
      %dma_start3A_236 = arith.constant 0 : i32
      %dma_start3A_237 = tpu.memref_slice %arg3[%add3A, %dma_start3A_235, %dma_start3A_236] : memref<32x79x128xi32, #tpu.memory_space<hbm>> -> memref<1x79x128xi32, #tpu.memory_space<hbm>>
      %dma_start3A_238 = tpu.memref_squeeze %dma_start3A_237 : memref<1x79x128xi32, #tpu.memory_space<hbm>> -> memref<79x128xi32, #tpu.memory_space<hbm>>
      tpu.enqueue_dma source(%dma_start3A_238 : memref<79x128xi32, #tpu.memory_space<hbm>>) target(%arg5 : memref<79x128xi32, #tpu.memory_space<vmem>>) target_semaphore(%run_scoped3A_230 : memref<!tpu.dma_semaphore, #tpu.memory_space<semaphore_mem>>)
      %dma_wait3A_239 = arith.constant 0 : i32
      %dma_wait3A_240 = arith.constant 0 : i32
      %dma_wait3A_241 = tpu.memref_slice %arg3[%add3A, %dma_wait3A_239, %dma_wait3A_240] : memref<32x79x128xi32, #tpu.memory_space<hbm>> -> memref<1x79x128xi32, #tpu.memory_space<hbm>>
      %dma_wait3A_242 = tpu.memref_squeeze %dma_wait3A_241 : memref<1x79x128xi32, #tpu.memory_space<hbm>> -> memref<79x128xi32, #tpu.memory_space<hbm>>
      %dma_wait3A_243 = arith.constant 0 : i32
      %dma_wait3A_244 = arith.constant 0 : i32
      %dma_wait3A_245 = tpu.memref_slice %arg3[%add3A, %dma_wait3A_243, %dma_wait3A_244] : memref<32x79x128xi32, #tpu.memory_space<hbm>> -> memref<1x79x128xi32, #tpu.memory_space<hbm>>
      %dma_wait3A_246 = tpu.memref_squeeze %dma_wait3A_245 : memref<1x79x128xi32, #tpu.memory_space<hbm>> -> memref<79x128xi32, #tpu.memory_space<hbm>>
      tpu.wait_dma2 semaphore(%run_scoped3A_230 : memref<!tpu.dma_semaphore, #tpu.memory_space<semaphore_mem>>) src(%dma_wait3A_246 : memref<79x128xi32, #tpu.memory_space<hbm>>) dst(%arg5 : memref<79x128xi32, #tpu.memory_space<vmem>>)
      tpu.yield
    }) : () -> ()
    %broadcast_in_dim3A = arith.constant 0.000000e+00 : f32
    %broadcast_in_dim3A_1 = vector.broadcast %broadcast_in_dim3A : f32 to vector<16xf32>
    %scan3A = arith.constant 0 : i32
    %scan3A_2 = arith.constant 0 : i32
    %scan3A_3 = arith.constant 128 : i32
    %scan3A_4 = arith.addi %scan3A_2, %scan3A_3 : i32
    %scan3A_5 = arith.constant 1 : i32
    scf.for %scan3A_230 = %scan3A_2 to %scan3A_4 step %scan3A_5  : i32 {
      %swap3A_231 = arith.index_cast %scan3A_230 : i32 to index
      %swap3A_232 = arith.constant 0 : index
      %swap3A_233 = tpu.vector_load %arg8[%swap3A_231, %swap3A_232] {strides = array<i32>} : memref<128x128xf32, #tpu.memory_space<vmem>>, vector<1x16xf32>,
      %swap3A_234 = vector.shape_cast %swap3A_233 : vector<1x16xf32> to vector<16xf32>
      %swap3A_235 = vector.shape_cast %broadcast_in_dim3A_1 : vector<16xf32> to vector<1x16xf32>
      tpu.vector_store %arg8[%swap3A_231, %swap3A_232], %swap3A_235 {strides = array<i32>} : memref<128x128xf32, #tpu.memory_space<vmem>>, vector<1x16xf32>,
      %swap3A_236 = arith.index_cast %scan3A_230 : i32 to index
      %swap3A_237 = arith.constant 16 : index
      %swap3A_238 = tpu.vector_load %arg8[%swap3A_236, %swap3A_237] {strides = array<i32>} : memref<128x128xf32, #tpu.memory_space<vmem>>, vector<1x16xf32>,
      %swap3A_239 = vector.shape_cast %swap3A_238 : vector<1x16xf32> to vector<16xf32>
      %swap3A_240 = vector.shape_cast %broadcast_in_dim3A_1 : vector<16xf32> to vector<1x16xf32>
      tpu.vector_store %arg8[%swap3A_236, %swap3A_237], %swap3A_240 {strides = array<i32>} : memref<128x128xf32, #tpu.memory_space<vmem>>, vector<1x16xf32>,
      %swap3A_241 = arith.index_cast %scan3A_230 : i32 to index
      %swap3A_242 = arith.constant 32 : index
      %swap3A_243 = tpu.vector_load %arg8[%swap3A_241, %swap3A_242] {strides = array<i32>} : memref<128x128xf32, #tpu.memory_space<vmem>>, vector<1x16xf32>,
      %swap3A_244 = vector.shape_cast %swap3A_243 : vector<1x16xf32> to vector<16xf32>
      %swap3A_245 = vector.shape_cast %broadcast_in_dim3A_1 : vector<16xf32> to vector<1x16xf32>
      tpu.vector_store %arg8[%swap3A_241, %swap3A_242], %swap3A_245 {strides = array<i32>} : memref<128x128xf32, #tpu.memory_space<vmem>>, vector<1x16xf32>,
      %swap3A_246 = arith.index_cast %scan3A_230 : i32 to index
      %swap3A_247 = arith.constant 48 : index
      %swap3A_248 = tpu.vector_load %arg8[%swap3A_246, %swap3A_247] {strides = array<i32>} : memref<128x128xf32, #tpu.memory_space<vmem>>, vector<1x16xf32>,
      %swap3A_249 = vector.shape_cast %swap3A_248 : vector<1x16xf32> to vector<16xf32>
      %swap3A_250 = vector.shape_cast %broadcast_in_dim3A_1 : vector<16xf32> to vector<1x16xf32>
      tpu.vector_store %arg8[%swap3A_246, %swap3A_247], %swap3A_250 {strides = array<i32>} : memref<128x128xf32, #tpu.memory_space<vmem>>, vector<1x16xf32>,
      %swap3A_251 = arith.index_cast %scan3A_230 : i32 to index
      %swap3A_252 = arith.constant 64 : index
      %swap3A_253 = tpu.vector_load %arg8[%swap3A_251, %swap3A_252] {strides = array<i32>} : memref<128x128xf32, #tpu.memory_space<vmem>>, vector<1x16xf32>,
      %swap3A_254 = vector.shape_cast %swap3A_253 : vector<1x16xf32> to vector<16xf32>
      %swap3A_255 = vector.shape_cast %broadcast_in_dim3A_1 : vector<16xf32> to vector<1x16xf32>
      tpu.vector_store %arg8[%swap3A_251, %swap3A_252], %swap3A_255 {strides = array<i32>} : memref<128x128xf32, #tpu.memory_space<vmem>>, vector<1x16xf32>,
      %swap3A_256 = arith.index_cast %scan3A_230 : i32 to index
      %swap3A_257 = arith.constant 80 : index
      %swap3A_258 = tpu.vector_load %arg8[%swap3A_256, %swap3A_257] {strides = array<i32>} : memref<128x128xf32, #tpu.memory_space<vmem>>, vector<1x16xf32>,
      %swap3A_259 = vector.shape_cast %swap3A_258 : vector<1x16xf32> to vector<16xf32>
      %swap3A_260 = vector.shape_cast %broadcast_in_dim3A_1 : vector<16xf32> to vector<1x16xf32>
      tpu.vector_store %arg8[%swap3A_256, %swap3A_257], %swap3A_260 {strides = array<i32>} : memref<128x128xf32, #tpu.memory_space<vmem>>, vector<1x16xf32>,
      %swap3A_261 = arith.index_cast %scan3A_230 : i32 to index
      %swap3A_262 = arith.constant 96 : index
      %swap3A_263 = tpu.vector_load %arg8[%swap3A_261, %swap3A_262] {strides = array<i32>} : memref<128x128xf32, #tpu.memory_space<vmem>>, vector<1x16xf32>,
      %swap3A_264 = vector.shape_cast %swap3A_263 : vector<1x16xf32> to vector<16xf32>
      %swap3A_265 = vector.shape_cast %broadcast_in_dim3A_1 : vector<16xf32> to vector<1x16xf32>
      tpu.vector_store %arg8[%swap3A_261, %swap3A_262], %swap3A_265 {strides = array<i32>} : memref<128x128xf32, #tpu.memory_space<vmem>>, vector<1x16xf32>,
      %swap3A_266 = arith.index_cast %scan3A_230 : i32 to index
      %swap3A_267 = arith.constant 112 : index
      %swap3A_268 = tpu.vector_load %arg8[%swap3A_266, %swap3A_267] {strides = array<i32>} : memref<128x128xf32, #tpu.memory_space<vmem>>, vector<1x16xf32>,
      %swap3A_269 = vector.shape_cast %swap3A_268 : vector<1x16xf32> to vector<16xf32>
      %swap3A_270 = vector.shape_cast %broadcast_in_dim3A_1 : vector<16xf32> to vector<1x16xf32>
      tpu.vector_store %arg8[%swap3A_266, %swap3A_267], %swap3A_270 {strides = array<i32>} : memref<128x128xf32, #tpu.memory_space<vmem>>, vector<1x16xf32>,
    }
    %scan3A_6 = arith.constant 128 : i32
    %mul3A_7 = arith.constant 640 : i32
    %mul3A_8 = arith.muli %arg1, %mul3A_7 : i32
    %add3A_9 = arith.constant 0 : i32
    %add3A_10 = arith.addi %mul3A_8, %add3A_9 : i32
    "tpu.region"() ({
      %run_scoped3A_230 = tpu.sem_alloc : memref<!tpu.dma_semaphore, #tpu.memory_space<semaphore_mem>>
      %dma_start3A_231 = arith.constant 0 : i32
      %dma_start3A_232 = tpu.memref_slice %arg10[%add3A_10, %dma_start3A_231] : memref<10240x128xf32, #tpu.memory_space<vmem_shared>> -> memref<128x128xf32, #tpu.memory_space<vmem_shared>>
      %dma_start3A_233 = arith.constant 0 : i32
      %dma_start3A_234 = tpu.memref_slice %arg10[%add3A_10, %dma_start3A_233] : memref<10240x128xf32, #tpu.memory_space<vmem_shared>> -> memref<128x128xf32, #tpu.memory_space<vmem_shared>>
      tpu.enqueue_dma source(%arg8 : memref<128x128xf32, #tpu.memory_space<vmem>>) target(%dma_start3A_234 : memref<128x128xf32, #tpu.memory_space<vmem_shared>>) target_semaphore(%run_scoped3A_230 : memref<!tpu.dma_semaphore, #tpu.memory_space<semaphore_mem>>)
      %dma_wait3A_235 = arith.constant 0 : i32
      %dma_wait3A_236 = tpu.memref_slice %arg10[%add3A_10, %dma_wait3A_235] : memref<10240x128xf32, #tpu.memory_space<vmem_shared>> -> memref<128x128xf32, #tpu.memory_space<vmem_shared>>
      %dma_wait3A_237 = arith.constant 0 : i32
      %dma_wait3A_238 = tpu.memref_slice %arg10[%add3A_10, %dma_wait3A_237] : memref<10240x128xf32, #tpu.memory_space<vmem_shared>> -> memref<128x128xf32, #tpu.memory_space<vmem_shared>>
      tpu.wait_dma2 semaphore(%run_scoped3A_230 : memref<!tpu.dma_semaphore, #tpu.memory_space<semaphore_mem>>) src(%arg8 : memref<128x128xf32, #tpu.memory_space<vmem>>) dst(%dma_wait3A_238 : memref<128x128xf32, #tpu.memory_space<vmem_shared>>)
      tpu.yield
    }) : () -> ()
    %mul3A_11 = arith.constant 640 : i32
    %mul3A_12 = arith.muli %arg1, %mul3A_11 : i32
    %add3A_13 = arith.constant 128 : i32
    %add3A_14 = arith.addi %mul3A_12, %add3A_13 : i32
    "tpu.region"() ({
      %run_scoped3A_230 = tpu.sem_alloc : memref<!tpu.dma_semaphore, #tpu.memory_space<semaphore_mem>>
      %dma_start3A_231 = arith.constant 0 : i32
      %dma_start3A_232 = tpu.memref_slice %arg10[%add3A_14, %dma_start3A_231] : memref<10240x128xf32, #tpu.memory_space<vmem_shared>> -> memref<128x128xf32, #tpu.memory_space<vmem_shared>>
      %dma_start3A_233 = arith.constant 0 : i32
      %dma_start3A_234 = tpu.memref_slice %arg10[%add3A_14, %dma_start3A_233] : memref<10240x128xf32, #tpu.memory_space<vmem_shared>> -> memref<128x128xf32, #tpu.memory_space<vmem_shared>>
      tpu.enqueue_dma source(%arg8 : memref<128x128xf32, #tpu.memory_space<vmem>>) target(%dma_start3A_234 : memref<128x128xf32, #tpu.memory_space<vmem_shared>>) target_semaphore(%run_scoped3A_230 : memref<!tpu.dma_semaphore, #tpu.memory_space<semaphore_mem>>)
      %dma_wait3A_235 = arith.constant 0 : i32
      %dma_wait3A_236 = tpu.memref_slice %arg10[%add3A_14, %dma_wait3A_235] : memref<10240x128xf32, #tpu.memory_space<vmem_shared>> -> memref<128x128xf32, #tpu.memory_space<vmem_shared>>
      %dma_wait3A_237 = arith.constant 0 : i32
      %dma_wait3A_238 = tpu.memref_slice %arg10[%add3A_14, %dma_wait3A_237] : memref<10240x128xf32, #tpu.memory_space<vmem_shared>> -> memref<128x128xf32, #tpu.memory_space<vmem_shared>>
      tpu.wait_dma2 semaphore(%run_scoped3A_230 : memref<!tpu.dma_semaphore, #tpu.memory_space<semaphore_mem>>) src(%arg8 : memref<128x128xf32, #tpu.memory_space<vmem>>) dst(%dma_wait3A_238 : memref<128x128xf32, #tpu.memory_space<vmem_shared>>)
      tpu.yield
    }) : () -> ()
    %mul3A_15 = arith.constant 640 : i32
    %mul3A_16 = arith.muli %arg1, %mul3A_15 : i32
    %add3A_17 = arith.constant 256 : i32
    %add3A_18 = arith.addi %mul3A_16, %add3A_17 : i32
    "tpu.region"() ({
      %run_scoped3A_230 = tpu.sem_alloc : memref<!tpu.dma_semaphore, #tpu.memory_space<semaphore_mem>>
      %dma_start3A_231 = arith.constant 0 : i32
      %dma_start3A_232 = tpu.memref_slice %arg10[%add3A_18, %dma_start3A_231] : memref<10240x128xf32, #tpu.memory_space<vmem_shared>> -> memref<128x128xf32, #tpu.memory_space<vmem_shared>>
      %dma_start3A_233 = arith.constant 0 : i32
      %dma_start3A_234 = tpu.memref_slice %arg10[%add3A_18, %dma_start3A_233] : memref<10240x128xf32, #tpu.memory_space<vmem_shared>> -> memref<128x128xf32, #tpu.memory_space<vmem_shared>>
      tpu.enqueue_dma source(%arg8 : memref<128x128xf32, #tpu.memory_space<vmem>>) target(%dma_start3A_234 : memref<128x128xf32, #tpu.memory_space<vmem_shared>>) target_semaphore(%run_scoped3A_230 : memref<!tpu.dma_semaphore, #tpu.memory_space<semaphore_mem>>)
      %dma_wait3A_235 = arith.constant 0 : i32
      %dma_wait3A_236 = tpu.memref_slice %arg10[%add3A_18, %dma_wait3A_235] : memref<10240x128xf32, #tpu.memory_space<vmem_shared>> -> memref<128x128xf32, #tpu.memory_space<vmem_shared>>
      %dma_wait3A_237 = arith.constant 0 : i32
      %dma_wait3A_238 = tpu.memref_slice %arg10[%add3A_18, %dma_wait3A_237] : memref<10240x128xf32, #tpu.memory_space<vmem_shared>> -> memref<128x128xf32, #tpu.memory_space<vmem_shared>>
      tpu.wait_dma2 semaphore(%run_scoped3A_230 : memref<!tpu.dma_semaphore, #tpu.memory_space<semaphore_mem>>) src(%arg8 : memref<128x128xf32, #tpu.memory_space<vmem>>) dst(%dma_wait3A_238 : memref<128x128xf32, #tpu.memory_space<vmem_shared>>)
      tpu.yield
    }) : () -> ()
    %mul3A_19 = arith.constant 640 : i32
    %mul3A_20 = arith.muli %arg1, %mul3A_19 : i32
    %add3A_21 = arith.constant 384 : i32
    %add3A_22 = arith.addi %mul3A_20, %add3A_21 : i32
    "tpu.region"() ({
      %run_scoped3A_230 = tpu.sem_alloc : memref<!tpu.dma_semaphore, #tpu.memory_space<semaphore_mem>>
      %dma_start3A_231 = arith.constant 0 : i32
      %dma_start3A_232 = tpu.memref_slice %arg10[%add3A_22, %dma_start3A_231] : memref<10240x128xf32, #tpu.memory_space<vmem_shared>> -> memref<128x128xf32, #tpu.memory_space<vmem_shared>>
      %dma_start3A_233 = arith.constant 0 : i32
      %dma_start3A_234 = tpu.memref_slice %arg10[%add3A_22, %dma_start3A_233] : memref<10240x128xf32, #tpu.memory_space<vmem_shared>> -> memref<128x128xf32, #tpu.memory_space<vmem_shared>>
      tpu.enqueue_dma source(%arg8 : memref<128x128xf32, #tpu.memory_space<vmem>>) target(%dma_start3A_234 : memref<128x128xf32, #tpu.memory_space<vmem_shared>>) target_semaphore(%run_scoped3A_230 : memref<!tpu.dma_semaphore, #tpu.memory_space<semaphore_mem>>)
      %dma_wait3A_235 = arith.constant 0 : i32
      %dma_wait3A_236 = tpu.memref_slice %arg10[%add3A_22, %dma_wait3A_235] : memref<10240x128xf32, #tpu.memory_space<vmem_shared>> -> memref<128x128xf32, #tpu.memory_space<vmem_shared>>
      %dma_wait3A_237 = arith.constant 0 : i32
      %dma_wait3A_238 = tpu.memref_slice %arg10[%add3A_22, %dma_wait3A_237] : memref<10240x128xf32, #tpu.memory_space<vmem_shared>> -> memref<128x128xf32, #tpu.memory_space<vmem_shared>>
      tpu.wait_dma2 semaphore(%run_scoped3A_230 : memref<!tpu.dma_semaphore, #tpu.memory_space<semaphore_mem>>) src(%arg8 : memref<128x128xf32, #tpu.memory_space<vmem>>) dst(%dma_wait3A_238 : memref<128x128xf32, #tpu.memory_space<vmem_shared>>)
      tpu.yield
    }) : () -> ()
    %mul3A_23 = arith.constant 640 : i32
    %mul3A_24 = arith.muli %arg1, %mul3A_23 : i32
    %add3A_25 = arith.constant 512 : i32
    %add3A_26 = arith.addi %mul3A_24, %add3A_25 : i32
    "tpu.region"() ({
      %run_scoped3A_230 = tpu.sem_alloc : memref<!tpu.dma_semaphore, #tpu.memory_space<semaphore_mem>>
      %dma_start3A_231 = arith.constant 0 : i32
      %dma_start3A_232 = tpu.memref_slice %arg10[%add3A_26, %dma_start3A_231] : memref<10240x128xf32, #tpu.memory_space<vmem_shared>> -> memref<128x128xf32, #tpu.memory_space<vmem_shared>>
      %dma_start3A_233 = arith.constant 0 : i32
      %dma_start3A_234 = tpu.memref_slice %arg10[%add3A_26, %dma_start3A_233] : memref<10240x128xf32, #tpu.memory_space<vmem_shared>> -> memref<128x128xf32, #tpu.memory_space<vmem_shared>>
      tpu.enqueue_dma source(%arg8 : memref<128x128xf32, #tpu.memory_space<vmem>>) target(%dma_start3A_234 : memref<128x128xf32, #tpu.memory_space<vmem_shared>>) target_semaphore(%run_scoped3A_230 : memref<!tpu.dma_semaphore, #tpu.memory_space<semaphore_mem>>)
      %dma_wait3A_235 = arith.constant 0 : i32
      %dma_wait3A_236 = tpu.memref_slice %arg10[%add3A_26, %dma_wait3A_235] : memref<10240x128xf32, #tpu.memory_space<vmem_shared>> -> memref<128x128xf32, #tpu.memory_space<vmem_shared>>
      %dma_wait3A_237 = arith.constant 0 : i32
      %dma_wait3A_238 = tpu.memref_slice %arg10[%add3A_26, %dma_wait3A_237] : memref<10240x128xf32, #tpu.memory_space<vmem_shared>> -> memref<128x128xf32, #tpu.memory_space<vmem_shared>>
      tpu.wait_dma2 semaphore(%run_scoped3A_230 : memref<!tpu.dma_semaphore, #tpu.memory_space<semaphore_mem>>) src(%arg8 : memref<128x128xf32, #tpu.memory_space<vmem>>) dst(%dma_wait3A_238 : memref<128x128xf32, #tpu.memory_space<vmem_shared>>)
      tpu.yield
    }) : () -> ()
    %barrier3A = arith.constant 0 : index
    tpu.barrier barrier_id(%barrier3A)
    %get3A = arith.constant 0 : i32
    %get3A_27 = arith.index_cast %get3A : i32 to index
    %get3A_28 = arith.constant 0 : index
    %get3A_29 = tpu.vector_load %arg5[%get3A_27, %get3A_28] {strides = array<i32>} : memref<79x128xi32, #tpu.memory_space<vmem>>, vector<1x16xi32>,
    %get3A_30 = vector.shape_cast %get3A_29 : vector<1x16xi32> to vector<16xi32>
    %and3A = arith.constant 65535 : i32
    %and3A_31 = vector.broadcast %and3A : i32 to vector<16xi32>
    %and3A_32 = arith.andi %get3A_30, %and3A_31 : vector<16xi32>
    %swap3A = arith.constant 0 : i32
    %swap3A_33 = arith.index_cast %swap3A : i32 to index
    %swap3A_34 = arith.constant 0 : index
    %swap3A_35 = tpu.vector_load %arg6[%swap3A_33, %swap3A_34] {strides = array<i32>} : memref<2x128xi32, #tpu.memory_space<vmem>>, vector<1x16xi32>,
    %swap3A_36 = vector.shape_cast %swap3A_35 : vector<1x16xi32> to vector<16xi32>
    %swap3A_37 = vector.shape_cast %and3A_32 : vector<16xi32> to vector<1x16xi32>
    tpu.vector_store %arg6[%swap3A_33, %swap3A_34], %swap3A_37 {strides = array<i32>} : memref<2x128xi32, #tpu.memory_space<vmem>>, vector<1x16xi32>,
    %shift_right_arithmetic3A = arith.constant 16 : i32
    %shift_right_arithmetic3A_38 = vector.broadcast %shift_right_arithmetic3A : i32 to vector<16xi32>
    %shift_right_arithmetic3A_39 = arith.shrsi %get3A_30, %shift_right_arithmetic3A_38 : vector<16xi32>
    %swap3A_40 = arith.constant 0 : i32
    %swap3A_41 = arith.index_cast %swap3A_40 : i32 to index
    %swap3A_42 = arith.constant 0 : index
    %swap3A_43 = tpu.vector_load %arg7[%swap3A_41, %swap3A_42] {strides = array<i32>} : memref<2x128xi32, #tpu.memory_space<vmem>>, vector<1x16xi32>,
    %swap3A_44 = vector.shape_cast %swap3A_43 : vector<1x16xi32> to vector<16xi32>
    %swap3A_45 = vector.shape_cast %shift_right_arithmetic3A_39 : vector<16xi32> to vector<1x16xi32>
    tpu.vector_store %arg7[%swap3A_41, %swap3A_42], %swap3A_45 {strides = array<i32>} : memref<2x128xi32, #tpu.memory_space<vmem>>, vector<1x16xi32>,
    %get3A_46 = arith.constant 0 : i32
    %get3A_47 = arith.index_cast %get3A_46 : i32 to index
    %get3A_48 = arith.constant 16 : index
    %get3A_49 = tpu.vector_load %arg5[%get3A_47, %get3A_48] {strides = array<i32>} : memref<79x128xi32, #tpu.memory_space<vmem>>, vector<1x16xi32>,
    %get3A_50 = vector.shape_cast %get3A_49 : vector<1x16xi32> to vector<16xi32>
    %and3A_51 = arith.constant 65535 : i32
    %and3A_52 = vector.broadcast %and3A_51 : i32 to vector<16xi32>
    %and3A_53 = arith.andi %get3A_50, %and3A_52 : vector<16xi32>
    %swap3A_54 = arith.constant 0 : i32
    %swap3A_55 = arith.index_cast %swap3A_54 : i32 to index
    %swap3A_56 = arith.constant 16 : index
    %swap3A_57 = tpu.vector_load %arg6[%swap3A_55, %swap3A_56] {strides = array<i32>} : memref<2x128xi32, #tpu.memory_space<vmem>>, vector<1x16xi32>,
    %swap3A_58 = vector.shape_cast %swap3A_57 : vector<1x16xi32> to vector<16xi32>
    %swap3A_59 = vector.shape_cast %and3A_53 : vector<16xi32> to vector<1x16xi32>
    tpu.vector_store %arg6[%swap3A_55, %swap3A_56], %swap3A_59 {strides = array<i32>} : memref<2x128xi32, #tpu.memory_space<vmem>>, vector<1x16xi32>,
    %shift_right_arithmetic3A_60 = arith.constant 16 : i32
    %shift_right_arithmetic3A_61 = vector.broadcast %shift_right_arithmetic3A_60 : i32 to vector<16xi32>
    %shift_right_arithmetic3A_62 = arith.shrsi %get3A_50, %shift_right_arithmetic3A_61 : vector<16xi32>
    %swap3A_63 = arith.constant 0 : i32
    %swap3A_64 = arith.index_cast %swap3A_63 : i32 to index
    %swap3A_65 = arith.constant 16 : index
    %swap3A_66 = tpu.vector_load %arg7[%swap3A_64, %swap3A_65] {strides = array<i32>} : memref<2x128xi32, #tpu.memory_space<vmem>>, vector<1x16xi32>,
    %swap3A_67 = vector.shape_cast %swap3A_66 : vector<1x16xi32> to vector<16xi32>
    %swap3A_68 = vector.shape_cast %shift_right_arithmetic3A_62 : vector<16xi32> to vector<1x16xi32>
    tpu.vector_store %arg7[%swap3A_64, %swap3A_65], %swap3A_68 {strides = array<i32>} : memref<2x128xi32, #tpu.memory_space<vmem>>, vector<1x16xi32>,
    %get3A_69 = arith.constant 0 : i32
    %get3A_70 = arith.index_cast %get3A_69 : i32 to index
    %get3A_71 = arith.constant 32 : index
    %get3A_72 = tpu.vector_load %arg5[%get3A_70, %get3A_71] {strides = array<i32>} : memref<79x128xi32, #tpu.memory_space<vmem>>, vector<1x16xi32>,
    %get3A_73 = vector.shape_cast %get3A_72 : vector<1x16xi32> to vector<16xi32>
    %and3A_74 = arith.constant 65535 : i32
    %and3A_75 = vector.broadcast %and3A_74 : i32 to vector<16xi32>
    %and3A_76 = arith.andi %get3A_73, %and3A_75 : vector<16xi32>
    %swap3A_77 = arith.constant 0 : i32
    %swap3A_78 = arith.index_cast %swap3A_77 : i32 to index
    %swap3A_79 = arith.constant 32 : index
    %swap3A_80 = tpu.vector_load %arg6[%swap3A_78, %swap3A_79] {strides = array<i32>} : memref<2x128xi32, #tpu.memory_space<vmem>>, vector<1x16xi32>,
    %swap3A_81 = vector.shape_cast %swap3A_80 : vector<1x16xi32> to vector<16xi32>
    %swap3A_82 = vector.shape_cast %and3A_76 : vector<16xi32> to vector<1x16xi32>
    tpu.vector_store %arg6[%swap3A_78, %swap3A_79], %swap3A_82 {strides = array<i32>} : memref<2x128xi32, #tpu.memory_space<vmem>>, vector<1x16xi32>,
    %shift_right_arithmetic3A_83 = arith.constant 16 : i32
    %shift_right_arithmetic3A_84 = vector.broadcast %shift_right_arithmetic3A_83 : i32 to vector<16xi32>
    %shift_right_arithmetic3A_85 = arith.shrsi %get3A_73, %shift_right_arithmetic3A_84 : vector<16xi32>
    %swap3A_86 = arith.constant 0 : i32
    %swap3A_87 = arith.index_cast %swap3A_86 : i32 to index
    %swap3A_88 = arith.constant 32 : index
    %swap3A_89 = tpu.vector_load %arg7[%swap3A_87, %swap3A_88] {strides = array<i32>} : memref<2x128xi32, #tpu.memory_space<vmem>>, vector<1x16xi32>,
    %swap3A_90 = vector.shape_cast %swap3A_89 : vector<1x16xi32> to vector<16xi32>
    %swap3A_91 = vector.shape_cast %shift_right_arithmetic3A_85 : vector<16xi32> to vector<1x16xi32>
    tpu.vector_store %arg7[%swap3A_87, %swap3A_88], %swap3A_91 {strides = array<i32>} : memref<2x128xi32, #tpu.memory_space<vmem>>, vector<1x16xi32>,
    %get3A_92 = arith.constant 0 : i32
    %get3A_93 = arith.index_cast %get3A_92 : i32 to index
    %get3A_94 = arith.constant 48 : index
    %get3A_95 = tpu.vector_load %arg5[%get3A_93, %get3A_94] {strides = array<i32>} : memref<79x128xi32, #tpu.memory_space<vmem>>, vector<1x16xi32>,
    %get3A_96 = vector.shape_cast %get3A_95 : vector<1x16xi32> to vector<16xi32>
    %and3A_97 = arith.constant 65535 : i32
    %and3A_98 = vector.broadcast %and3A_97 : i32 to vector<16xi32>
    %and3A_99 = arith.andi %get3A_96, %and3A_98 : vector<16xi32>
    %swap3A_100 = arith.constant 0 : i32
    %swap3A_101 = arith.index_cast %swap3A_100 : i32 to index
    %swap3A_102 = arith.constant 48 : index
    %swap3A_103 = tpu.vector_load %arg6[%swap3A_101, %swap3A_102] {strides = array<i32>} : memref<2x128xi32, #tpu.memory_space<vmem>>, vector<1x16xi32>,
    %swap3A_104 = vector.shape_cast %swap3A_103 : vector<1x16xi32> to vector<16xi32>
    %swap3A_105 = vector.shape_cast %and3A_99 : vector<16xi32> to vector<1x16xi32>
    tpu.vector_store %arg6[%swap3A_101, %swap3A_102], %swap3A_105 {strides = array<i32>} : memref<2x128xi32, #tpu.memory_space<vmem>>, vector<1x16xi32>,
    %shift_right_arithmetic3A_106 = arith.constant 16 : i32
    %shift_right_arithmetic3A_107 = vector.broadcast %shift_right_arithmetic3A_106 : i32 to vector<16xi32>
    %shift_right_arithmetic3A_108 = arith.shrsi %get3A_96, %shift_right_arithmetic3A_107 : vector<16xi32>
    %swap3A_109 = arith.constant 0 : i32
    %swap3A_110 = arith.index_cast %swap3A_109 : i32 to index
    %swap3A_111 = arith.constant 48 : index
    %swap3A_112 = tpu.vector_load %arg7[%swap3A_110, %swap3A_111] {strides = array<i32>} : memref<2x128xi32, #tpu.memory_space<vmem>>, vector<1x16xi32>,
    %swap3A_113 = vector.shape_cast %swap3A_112 : vector<1x16xi32> to vector<16xi32>
    %swap3A_114 = vector.shape_cast %shift_right_arithmetic3A_108 : vector<16xi32> to vector<1x16xi32>
    tpu.vector_store %arg7[%swap3A_110, %swap3A_111], %swap3A_114 {strides = array<i32>} : memref<2x128xi32, #tpu.memory_space<vmem>>, vector<1x16xi32>,
    %get3A_115 = arith.constant 0 : i32
    %get3A_116 = arith.index_cast %get3A_115 : i32 to index
    %get3A_117 = arith.constant 64 : index
    %get3A_118 = tpu.vector_load %arg5[%get3A_116, %get3A_117] {strides = array<i32>} : memref<79x128xi32, #tpu.memory_space<vmem>>, vector<1x16xi32>,
    %get3A_119 = vector.shape_cast %get3A_118 : vector<1x16xi32> to vector<16xi32>
    %and3A_120 = arith.constant 65535 : i32
    %and3A_121 = vector.broadcast %and3A_120 : i32 to vector<16xi32>
    %and3A_122 = arith.andi %get3A_119, %and3A_121 : vector<16xi32>
    %swap3A_123 = arith.constant 0 : i32
    %swap3A_124 = arith.index_cast %swap3A_123 : i32 to index
    %swap3A_125 = arith.constant 64 : index
    %swap3A_126 = tpu.vector_load %arg6[%swap3A_124, %swap3A_125] {strides = array<i32>} : memref<2x128xi32, #tpu.memory_space<vmem>>, vector<1x16xi32>,
    %swap3A_127 = vector.shape_cast %swap3A_126 : vector<1x16xi32> to vector<16xi32>
    %swap3A_128 = vector.shape_cast %and3A_122 : vector<16xi32> to vector<1x16xi32>
    tpu.vector_store %arg6[%swap3A_124, %swap3A_125], %swap3A_128 {strides = array<i32>} : memref<2x128xi32, #tpu.memory_space<vmem>>, vector<1x16xi32>,
    %shift_right_arithmetic3A_129 = arith.constant 16 : i32
    %shift_right_arithmetic3A_130 = vector.broadcast %shift_right_arithmetic3A_129 : i32 to vector<16xi32>
    %shift_right_arithmetic3A_131 = arith.shrsi %get3A_119, %shift_right_arithmetic3A_130 : vector<16xi32>
    %swap3A_132 = arith.constant 0 : i32
    %swap3A_133 = arith.index_cast %swap3A_132 : i32 to index
    %swap3A_134 = arith.constant 64 : index
    %swap3A_135 = tpu.vector_load %arg7[%swap3A_133, %swap3A_134] {strides = array<i32>} : memref<2x128xi32, #tpu.memory_space<vmem>>, vector<1x16xi32>,
    %swap3A_136 = vector.shape_cast %swap3A_135 : vector<1x16xi32> to vector<16xi32>
    %swap3A_137 = vector.shape_cast %shift_right_arithmetic3A_131 : vector<16xi32> to vector<1x16xi32>
    tpu.vector_store %arg7[%swap3A_133, %swap3A_134], %swap3A_137 {strides = array<i32>} : memref<2x128xi32, #tpu.memory_space<vmem>>, vector<1x16xi32>,
    %get3A_138 = arith.constant 0 : i32
    %get3A_139 = arith.index_cast %get3A_138 : i32 to index
    %get3A_140 = arith.constant 80 : index
    %get3A_141 = tpu.vector_load %arg5[%get3A_139, %get3A_140] {strides = array<i32>} : memref<79x128xi32, #tpu.memory_space<vmem>>, vector<1x16xi32>,
    %get3A_142 = vector.shape_cast %get3A_141 : vector<1x16xi32> to vector<16xi32>
    %and3A_143 = arith.constant 65535 : i32
    %and3A_144 = vector.broadcast %and3A_143 : i32 to vector<16xi32>
    %and3A_145 = arith.andi %get3A_142, %and3A_144 : vector<16xi32>
    %swap3A_146 = arith.constant 0 : i32
    %swap3A_147 = arith.index_cast %swap3A_146 : i32 to index
    %swap3A_148 = arith.constant 80 : index
    %swap3A_149 = tpu.vector_load %arg6[%swap3A_147, %swap3A_148] {strides = array<i32>} : memref<2x128xi32, #tpu.memory_space<vmem>>, vector<1x16xi32>,
    %swap3A_150 = vector.shape_cast %swap3A_149 : vector<1x16xi32> to vector<16xi32>
    %swap3A_151 = vector.shape_cast %and3A_145 : vector<16xi32> to vector<1x16xi32>
    tpu.vector_store %arg6[%swap3A_147, %swap3A_148], %swap3A_151 {strides = array<i32>} : memref<2x128xi32, #tpu.memory_space<vmem>>, vector<1x16xi32>,
    %shift_right_arithmetic3A_152 = arith.constant 16 : i32
    %shift_right_arithmetic3A_153 = vector.broadcast %shift_right_arithmetic3A_152 : i32 to vector<16xi32>
    %shift_right_arithmetic3A_154 = arith.shrsi %get3A_142, %shift_right_arithmetic3A_153 : vector<16xi32>
    %swap3A_155 = arith.constant 0 : i32
    %swap3A_156 = arith.index_cast %swap3A_155 : i32 to index
    %swap3A_157 = arith.constant 80 : index
    %swap3A_158 = tpu.vector_load %arg7[%swap3A_156, %swap3A_157] {strides = array<i32>} : memref<2x128xi32, #tpu.memory_space<vmem>>, vector<1x16xi32>,
    %swap3A_159 = vector.shape_cast %swap3A_158 : vector<1x16xi32> to vector<16xi32>
    %swap3A_160 = vector.shape_cast %shift_right_arithmetic3A_154 : vector<16xi32> to vector<1x16xi32>
    tpu.vector_store %arg7[%swap3A_156, %swap3A_157], %swap3A_160 {strides = array<i32>} : memref<2x128xi32, #tpu.memory_space<vmem>>, vector<1x16xi32>,
    %get3A_161 = arith.constant 0 : i32
    %get3A_162 = arith.index_cast %get3A_161 : i32 to index
    %get3A_163 = arith.constant 96 : index
    %get3A_164 = tpu.vector_load %arg5[%get3A_162, %get3A_163] {strides = array<i32>} : memref<79x128xi32, #tpu.memory_space<vmem>>, vector<1x16xi32>,
    %get3A_165 = vector.shape_cast %get3A_164 : vector<1x16xi32> to vector<16xi32>
    %and3A_166 = arith.constant 65535 : i32
    %and3A_167 = vector.broadcast %and3A_166 : i32 to vector<16xi32>
    %and3A_168 = arith.andi %get3A_165, %and3A_167 : vector<16xi32>
    %swap3A_169 = arith.constant 0 : i32
    %swap3A_170 = arith.index_cast %swap3A_169 : i32 to index
    %swap3A_171 = arith.constant 96 : index
    %swap3A_172 = tpu.vector_load %arg6[%swap3A_170, %swap3A_171] {strides = array<i32>} : memref<2x128xi32, #tpu.memory_space<vmem>>, vector<1x16xi32>,
    %swap3A_173 = vector.shape_cast %swap3A_172 : vector<1x16xi32> to vector<16xi32>
    %swap3A_174 = vector.shape_cast %and3A_168 : vector<16xi32> to vector<1x16xi32>
    tpu.vector_store %arg6[%swap3A_170, %swap3A_171], %swap3A_174 {strides = array<i32>} : memref<2x128xi32, #tpu.memory_space<vmem>>, vector<1x16xi32>,
    %shift_right_arithmetic3A_175 = arith.constant 16 : i32
    %shift_right_arithmetic3A_176 = vector.broadcast %shift_right_arithmetic3A_175 : i32 to vector<16xi32>
    %shift_right_arithmetic3A_177 = arith.shrsi %get3A_165, %shift_right_arithmetic3A_176 : vector<16xi32>
    %swap3A_178 = arith.constant 0 : i32
    %swap3A_179 = arith.index_cast %swap3A_178 : i32 to index
    %swap3A_180 = arith.constant 96 : index
    %swap3A_181 = tpu.vector_load %arg7[%swap3A_179, %swap3A_180] {strides = array<i32>} : memref<2x128xi32, #tpu.memory_space<vmem>>, vector<1x16xi32>,
    %swap3A_182 = vector.shape_cast %swap3A_181 : vector<1x16xi32> to vector<16xi32>
    %swap3A_183 = vector.shape_cast %shift_right_arithmetic3A_177 : vector<16xi32> to vector<1x16xi32>
    tpu.vector_store %arg7[%swap3A_179, %swap3A_180], %swap3A_183 {strides = array<i32>} : memref<2x128xi32, #tpu.memory_space<vmem>>, vector<1x16xi32>,
    %get3A_184 = arith.constant 0 : i32
    %get3A_185 = arith.index_cast %get3A_184 : i32 to index
    %get3A_186 = arith.constant 112 : index
    %get3A_187 = tpu.vector_load %arg5[%get3A_185, %get3A_186] {strides = array<i32>} : memref<79x128xi32, #tpu.memory_space<vmem>>, vector<1x16xi32>,
    %get3A_188 = vector.shape_cast %get3A_187 : vector<1x16xi32> to vector<16xi32>
    %and3A_189 = arith.constant 65535 : i32
    %and3A_190 = vector.broadcast %and3A_189 : i32 to vector<16xi32>
    %and3A_191 = arith.andi %get3A_188, %and3A_190 : vector<16xi32>
    %swap3A_192 = arith.constant 0 : i32
    %swap3A_193 = arith.index_cast %swap3A_192 : i32 to index
    %swap3A_194 = arith.constant 112 : index
    %swap3A_195 = tpu.vector_load %arg6[%swap3A_193, %swap3A_194] {strides = array<i32>} : memref<2x128xi32, #tpu.memory_space<vmem>>, vector<1x16xi32>,
    %swap3A_196 = vector.shape_cast %swap3A_195 : vector<1x16xi32> to vector<16xi32>
    %swap3A_197 = vector.shape_cast %and3A_191 : vector<16xi32> to vector<1x16xi32>
    tpu.vector_store %arg6[%swap3A_193, %swap3A_194], %swap3A_197 {strides = array<i32>} : memref<2x128xi32, #tpu.memory_space<vmem>>, vector<1x16xi32>,
    %shift_right_arithmetic3A_198 = arith.constant 16 : i32
    %shift_right_arithmetic3A_199 = vector.broadcast %shift_right_arithmetic3A_198 : i32 to vector<16xi32>
    %shift_right_arithmetic3A_200 = arith.shrsi %get3A_188, %shift_right_arithmetic3A_199 : vector<16xi32>
    %swap3A_201 = arith.constant 0 : i32
    %swap3A_202 = arith.index_cast %swap3A_201 : i32 to index
    %swap3A_203 = arith.constant 112 : index
    %swap3A_204 = tpu.vector_load %arg7[%swap3A_202, %swap3A_203] {strides = array<i32>} : memref<2x128xi32, #tpu.memory_space<vmem>>, vector<1x16xi32>,
    %swap3A_205 = vector.shape_cast %swap3A_204 : vector<1x16xi32> to vector<16xi32>
    %swap3A_206 = vector.shape_cast %shift_right_arithmetic3A_200 : vector<16xi32> to vector<1x16xi32>
    tpu.vector_store %arg7[%swap3A_202, %swap3A_203], %swap3A_206 {strides = array<i32>} : memref<2x128xi32, #tpu.memory_space<vmem>>, vector<1x16xi32>,
    %dma_start3A = arith.constant 0 : i32
    %dma_start3A_207 = arith.constant 0 : i32
    %dma_start3A_208 = tpu.memref_slice %arg6[%dma_start3A, %dma_start3A_207] : memref<2x128xi32, #tpu.memory_space<vmem>> -> memref<1x128xi32, #tpu.memory_space<vmem>>
    %dma_start3A_209 = tpu.memref_squeeze %dma_start3A_208 : memref<1x128xi32, #tpu.memory_space<vmem>> -> memref<128xi32, #tpu.memory_space<vmem>>
    %dma_start3A_210 = arith.constant 0 : i32
    %dma_start3A_211 = arith.constant 0 : i32
    %dma_start3A_212 = tpu.memref_slice %arg2[%dma_start3A_210, %dma_start3A_211] : memref<10240x128xf32, #tpu.memory_space<hbm>> -> memref<10240x128xf32, #tpu.memory_space<hbm>>
    tpu.enqueue_indirect_dma source(%dma_start3A_212 : memref<10240x128xf32, #tpu.memory_space<hbm>>) target(%arg8 : memref<128x128xf32, #tpu.memory_space<vmem>>) offsets(%dma_start3A_209 : memref<128xi32, #tpu.memory_space<vmem>>) semaphore(%arg11 : memref<!tpu.dma_semaphore, #tpu.memory_space<semaphore_mem>>)
    %scan3A_213 = arith.constant 0 : i32
    %scan3A_214 = arith.constant 0 : i32
    %scan3A_215 = arith.constant 39 : i32
    %scan3A_216 = arith.addi %scan3A_214, %scan3A_215 : i32
    %scan3A_217 = arith.constant 1 : i32
    scf.for %scan3A_230 = %scan3A_214 to %scan3A_216 step %scan3A_217  : i32 {
      %mul3A_231 = arith.constant 2 : i32
      %mul3A_232 = arith.muli %mul3A_231, %scan3A_230 : i32
      %add3A_233 = arith.constant 1 : i32
      %add3A_234 = arith.addi %mul3A_232, %add3A_233 : i32
      %get3A_235 = arith.index_cast %add3A_234 : i32 to index
      %get3A_236 = arith.constant 0 : index
      %get3A_237 = tpu.vector_load %arg5[%get3A_235, %get3A_236] {strides = array<i32>} : memref<79x128xi32, #tpu.memory_space<vmem>>, vector<1x16xi32>,
      %get3A_238 = vector.shape_cast %get3A_237 : vector<1x16xi32> to vector<16xi32>
      %and3A_239 = arith.constant 65535 : i32
      %and3A_240 = vector.broadcast %and3A_239 : i32 to vector<16xi32>
      %and3A_241 = arith.andi %get3A_238, %and3A_240 : vector<16xi32>
      %swap3A_242 = arith.constant 1 : i32
      %swap3A_243 = arith.index_cast %swap3A_242 : i32 to index
      %swap3A_244 = arith.constant 0 : index
      %swap3A_245 = tpu.vector_load %arg6[%swap3A_243, %swap3A_244] {strides = array<i32>} : memref<2x128xi32, #tpu.memory_space<vmem>>, vector<1x16xi32>,
      %swap3A_246 = vector.shape_cast %swap3A_245 : vector<1x16xi32> to vector<16xi32>
      %swap3A_247 = vector.shape_cast %and3A_241 : vector<16xi32> to vector<1x16xi32>
      tpu.vector_store %arg6[%swap3A_243, %swap3A_244], %swap3A_247 {strides = array<i32>} : memref<2x128xi32, #tpu.memory_space<vmem>>, vector<1x16xi32>,
      %shift_right_arithmetic3A_248 = arith.constant 16 : i32
      %shift_right_arithmetic3A_249 = vector.broadcast %shift_right_arithmetic3A_248 : i32 to vector<16xi32>
      %shift_right_arithmetic3A_250 = arith.shrsi %get3A_238, %shift_right_arithmetic3A_249 : vector<16xi32>
      %swap3A_251 = arith.constant 1 : i32
      %swap3A_252 = arith.index_cast %swap3A_251 : i32 to index
      %swap3A_253 = arith.constant 0 : index
      %swap3A_254 = tpu.vector_load %arg7[%swap3A_252, %swap3A_253] {strides = array<i32>} : memref<2x128xi32, #tpu.memory_space<vmem>>, vector<1x16xi32>,
      %swap3A_255 = vector.shape_cast %swap3A_254 : vector<1x16xi32> to vector<16xi32>
      %swap3A_256 = vector.shape_cast %shift_right_arithmetic3A_250 : vector<16xi32> to vector<1x16xi32>
      tpu.vector_store %arg7[%swap3A_252, %swap3A_253], %swap3A_256 {strides = array<i32>} : memref<2x128xi32, #tpu.memory_space<vmem>>, vector<1x16xi32>,
      %get3A_257 = arith.index_cast %add3A_234 : i32 to index
      %get3A_258 = arith.constant 16 : index
      %get3A_259 = tpu.vector_load %arg5[%get3A_257, %get3A_258] {strides = array<i32>} : memref<79x128xi32, #tpu.memory_space<vmem>>, vector<1x16xi32>,
      %get3A_260 = vector.shape_cast %get3A_259 : vector<1x16xi32> to vector<16xi32>
      %and3A_261 = arith.constant 65535 : i32
      %and3A_262 = vector.broadcast %and3A_261 : i32 to vector<16xi32>
      %and3A_263 = arith.andi %get3A_260, %and3A_262 : vector<16xi32>
      %swap3A_264 = arith.constant 1 : i32
      %swap3A_265 = arith.index_cast %swap3A_264 : i32 to index
      %swap3A_266 = arith.constant 16 : index
      %swap3A_267 = tpu.vector_load %arg6[%swap3A_265, %swap3A_266] {strides = array<i32>} : memref<2x128xi32, #tpu.memory_space<vmem>>, vector<1x16xi32>,
      %swap3A_268 = vector.shape_cast %swap3A_267 : vector<1x16xi32> to vector<16xi32>
      %swap3A_269 = vector.shape_cast %and3A_263 : vector<16xi32> to vector<1x16xi32>
      tpu.vector_store %arg6[%swap3A_265, %swap3A_266], %swap3A_269 {strides = array<i32>} : memref<2x128xi32, #tpu.memory_space<vmem>>, vector<1x16xi32>,
      %shift_right_arithmetic3A_270 = arith.constant 16 : i32
      %shift_right_arithmetic3A_271 = vector.broadcast %shift_right_arithmetic3A_270 : i32 to vector<16xi32>
      %shift_right_arithmetic3A_272 = arith.shrsi %get3A_260, %shift_right_arithmetic3A_271 : vector<16xi32>
      %swap3A_273 = arith.constant 1 : i32
      %swap3A_274 = arith.index_cast %swap3A_273 : i32 to index
      %swap3A_275 = arith.constant 16 : index
      %swap3A_276 = tpu.vector_load %arg7[%swap3A_274, %swap3A_275] {strides = array<i32>} : memref<2x128xi32, #tpu.memory_space<vmem>>, vector<1x16xi32>,
      %swap3A_277 = vector.shape_cast %swap3A_276 : vector<1x16xi32> to vector<16xi32>
      %swap3A_278 = vector.shape_cast %shift_right_arithmetic3A_272 : vector<16xi32> to vector<1x16xi32>
      tpu.vector_store %arg7[%swap3A_274, %swap3A_275], %swap3A_278 {strides = array<i32>} : memref<2x128xi32, #tpu.memory_space<vmem>>, vector<1x16xi32>,
      %get3A_279 = arith.index_cast %add3A_234 : i32 to index
      %get3A_280 = arith.constant 32 : index
      %get3A_281 = tpu.vector_load %arg5[%get3A_279, %get3A_280] {strides = array<i32>} : memref<79x128xi32, #tpu.memory_space<vmem>>, vector<1x16xi32>,
      %get3A_282 = vector.shape_cast %get3A_281 : vector<1x16xi32> to vector<16xi32>
      %and3A_283 = arith.constant 65535 : i32
      %and3A_284 = vector.broadcast %and3A_283 : i32 to vector<16xi32>
      %and3A_285 = arith.andi %get3A_282, %and3A_284 : vector<16xi32>
      %swap3A_286 = arith.constant 1 : i32
      %swap3A_287 = arith.index_cast %swap3A_286 : i32 to index
      %swap3A_288 = arith.constant 32 : index
      %swap3A_289 = tpu.vector_load %arg6[%swap3A_287, %swap3A_288] {strides = array<i32>} : memref<2x128xi32, #tpu.memory_space<vmem>>, vector<1x16xi32>,
      %swap3A_290 = vector.shape_cast %swap3A_289 : vector<1x16xi32> to vector<16xi32>
      %swap3A_291 = vector.shape_cast %and3A_285 : vector<16xi32> to vector<1x16xi32>
      tpu.vector_store %arg6[%swap3A_287, %swap3A_288], %swap3A_291 {strides = array<i32>} : memref<2x128xi32, #tpu.memory_space<vmem>>, vector<1x16xi32>,
      %shift_right_arithmetic3A_292 = arith.constant 16 : i32
      %shift_right_arithmetic3A_293 = vector.broadcast %shift_right_arithmetic3A_292 : i32 to vector<16xi32>
      %shift_right_arithmetic3A_294 = arith.shrsi %get3A_282, %shift_right_arithmetic3A_293 : vector<16xi32>
      %swap3A_295 = arith.constant 1 : i32
      %swap3A_296 = arith.index_cast %swap3A_295 : i32 to index
      %swap3A_297 = arith.constant 32 : index
      %swap3A_298 = tpu.vector_load %arg7[%swap3A_296, %swap3A_297] {strides = array<i32>} : memref<2x128xi32, #tpu.memory_space<vmem>>, vector<1x16xi32>,
      %swap3A_299 = vector.shape_cast %swap3A_298 : vector<1x16xi32> to vector<16xi32>
      %swap3A_300 = vector.shape_cast %shift_right_arithmetic3A_294 : vector<16xi32> to vector<1x16xi32>
      tpu.vector_store %arg7[%swap3A_296, %swap3A_297], %swap3A_300 {strides = array<i32>} : memref<2x128xi32, #tpu.memory_space<vmem>>, vector<1x16xi32>,
      %get3A_301 = arith.index_cast %add3A_234 : i32 to index
      %get3A_302 = arith.constant 48 : index
      %get3A_303 = tpu.vector_load %arg5[%get3A_301, %get3A_302] {strides = array<i32>} : memref<79x128xi32, #tpu.memory_space<vmem>>, vector<1x16xi32>,
      %get3A_304 = vector.shape_cast %get3A_303 : vector<1x16xi32> to vector<16xi32>
      %and3A_305 = arith.constant 65535 : i32
      %and3A_306 = vector.broadcast %and3A_305 : i32 to vector<16xi32>
      %and3A_307 = arith.andi %get3A_304, %and3A_306 : vector<16xi32>
      %swap3A_308 = arith.constant 1 : i32
      %swap3A_309 = arith.index_cast %swap3A_308 : i32 to index
      %swap3A_310 = arith.constant 48 : index
      %swap3A_311 = tpu.vector_load %arg6[%swap3A_309, %swap3A_310] {strides = array<i32>} : memref<2x128xi32, #tpu.memory_space<vmem>>, vector<1x16xi32>,
      %swap3A_312 = vector.shape_cast %swap3A_311 : vector<1x16xi32> to vector<16xi32>
      %swap3A_313 = vector.shape_cast %and3A_307 : vector<16xi32> to vector<1x16xi32>
      tpu.vector_store %arg6[%swap3A_309, %swap3A_310], %swap3A_313 {strides = array<i32>} : memref<2x128xi32, #tpu.memory_space<vmem>>, vector<1x16xi32>,
      %shift_right_arithmetic3A_314 = arith.constant 16 : i32
      %shift_right_arithmetic3A_315 = vector.broadcast %shift_right_arithmetic3A_314 : i32 to vector<16xi32>
      %shift_right_arithmetic3A_316 = arith.shrsi %get3A_304, %shift_right_arithmetic3A_315 : vector<16xi32>
      %swap3A_317 = arith.constant 1 : i32
      %swap3A_318 = arith.index_cast %swap3A_317 : i32 to index
      %swap3A_319 = arith.constant 48 : index
      %swap3A_320 = tpu.vector_load %arg7[%swap3A_318, %swap3A_319] {strides = array<i32>} : memref<2x128xi32, #tpu.memory_space<vmem>>, vector<1x16xi32>,
      %swap3A_321 = vector.shape_cast %swap3A_320 : vector<1x16xi32> to vector<16xi32>
      %swap3A_322 = vector.shape_cast %shift_right_arithmetic3A_316 : vector<16xi32> to vector<1x16xi32>
      tpu.vector_store %arg7[%swap3A_318, %swap3A_319], %swap3A_322 {strides = array<i32>} : memref<2x128xi32, #tpu.memory_space<vmem>>, vector<1x16xi32>,
      %get3A_323 = arith.index_cast %add3A_234 : i32 to index
      %get3A_324 = arith.constant 64 : index
      %get3A_325 = tpu.vector_load %arg5[%get3A_323, %get3A_324] {strides = array<i32>} : memref<79x128xi32, #tpu.memory_space<vmem>>, vector<1x16xi32>,
      %get3A_326 = vector.shape_cast %get3A_325 : vector<1x16xi32> to vector<16xi32>
      %and3A_327 = arith.constant 65535 : i32
      %and3A_328 = vector.broadcast %and3A_327 : i32 to vector<16xi32>
      %and3A_329 = arith.andi %get3A_326, %and3A_328 : vector<16xi32>
      %swap3A_330 = arith.constant 1 : i32
      %swap3A_331 = arith.index_cast %swap3A_330 : i32 to index
      %swap3A_332 = arith.constant 64 : index
      %swap3A_333 = tpu.vector_load %arg6[%swap3A_331, %swap3A_332] {strides = array<i32>} : memref<2x128xi32, #tpu.memory_space<vmem>>, vector<1x16xi32>,
      %swap3A_334 = vector.shape_cast %swap3A_333 : vector<1x16xi32> to vector<16xi32>
      %swap3A_335 = vector.shape_cast %and3A_329 : vector<16xi32> to vector<1x16xi32>
      tpu.vector_store %arg6[%swap3A_331, %swap3A_332], %swap3A_335 {strides = array<i32>} : memref<2x128xi32, #tpu.memory_space<vmem>>, vector<1x16xi32>,
      %shift_right_arithmetic3A_336 = arith.constant 16 : i32
      %shift_right_arithmetic3A_337 = vector.broadcast %shift_right_arithmetic3A_336 : i32 to vector<16xi32>
      %shift_right_arithmetic3A_338 = arith.shrsi %get3A_326, %shift_right_arithmetic3A_337 : vector<16xi32>
      %swap3A_339 = arith.constant 1 : i32
      %swap3A_340 = arith.index_cast %swap3A_339 : i32 to index
      %swap3A_341 = arith.constant 64 : index
      %swap3A_342 = tpu.vector_load %arg7[%swap3A_340, %swap3A_341] {strides = array<i32>} : memref<2x128xi32, #tpu.memory_space<vmem>>, vector<1x16xi32>,
      %swap3A_343 = vector.shape_cast %swap3A_342 : vector<1x16xi32> to vector<16xi32>
      %swap3A_344 = vector.shape_cast %shift_right_arithmetic3A_338 : vector<16xi32> to vector<1x16xi32>
      tpu.vector_store %arg7[%swap3A_340, %swap3A_341], %swap3A_344 {strides = array<i32>} : memref<2x128xi32, #tpu.memory_space<vmem>>, vector<1x16xi32>,
      %get3A_345 = arith.index_cast %add3A_234 : i32 to index
      %get3A_346 = arith.constant 80 : index
      %get3A_347 = tpu.vector_load %arg5[%get3A_345, %get3A_346] {strides = array<i32>} : memref<79x128xi32, #tpu.memory_space<vmem>>, vector<1x16xi32>,
      %get3A_348 = vector.shape_cast %get3A_347 : vector<1x16xi32> to vector<16xi32>
      %and3A_349 = arith.constant 65535 : i32
      %and3A_350 = vector.broadcast %and3A_349 : i32 to vector<16xi32>
      %and3A_351 = arith.andi %get3A_348, %and3A_350 : vector<16xi32>
      %swap3A_352 = arith.constant 1 : i32
      %swap3A_353 = arith.index_cast %swap3A_352 : i32 to index
      %swap3A_354 = arith.constant 80 : index
      %swap3A_355 = tpu.vector_load %arg6[%swap3A_353, %swap3A_354] {strides = array<i32>} : memref<2x128xi32, #tpu.memory_space<vmem>>, vector<1x16xi32>,
      %swap3A_356 = vector.shape_cast %swap3A_355 : vector<1x16xi32> to vector<16xi32>
      %swap3A_357 = vector.shape_cast %and3A_351 : vector<16xi32> to vector<1x16xi32>
      tpu.vector_store %arg6[%swap3A_353, %swap3A_354], %swap3A_357 {strides = array<i32>} : memref<2x128xi32, #tpu.memory_space<vmem>>, vector<1x16xi32>,
      %shift_right_arithmetic3A_358 = arith.constant 16 : i32
      %shift_right_arithmetic3A_359 = vector.broadcast %shift_right_arithmetic3A_358 : i32 to vector<16xi32>
      %shift_right_arithmetic3A_360 = arith.shrsi %get3A_348, %shift_right_arithmetic3A_359 : vector<16xi32>
      %swap3A_361 = arith.constant 1 : i32
      %swap3A_362 = arith.index_cast %swap3A_361 : i32 to index
      %swap3A_363 = arith.constant 80 : index
      %swap3A_364 = tpu.vector_load %arg7[%swap3A_362, %swap3A_363] {strides = array<i32>} : memref<2x128xi32, #tpu.memory_space<vmem>>, vector<1x16xi32>,
      %swap3A_365 = vector.shape_cast %swap3A_364 : vector<1x16xi32> to vector<16xi32>
      %swap3A_366 = vector.shape_cast %shift_right_arithmetic3A_360 : vector<16xi32> to vector<1x16xi32>
      tpu.vector_store %arg7[%swap3A_362, %swap3A_363], %swap3A_366 {strides = array<i32>} : memref<2x128xi32, #tpu.memory_space<vmem>>, vector<1x16xi32>,
      %get3A_367 = arith.index_cast %add3A_234 : i32 to index
      %get3A_368 = arith.constant 96 : index
      %get3A_369 = tpu.vector_load %arg5[%get3A_367, %get3A_368] {strides = array<i32>} : memref<79x128xi32, #tpu.memory_space<vmem>>, vector<1x16xi32>,
      %get3A_370 = vector.shape_cast %get3A_369 : vector<1x16xi32> to vector<16xi32>
      %and3A_371 = arith.constant 65535 : i32
      %and3A_372 = vector.broadcast %and3A_371 : i32 to vector<16xi32>
      %and3A_373 = arith.andi %get3A_370, %and3A_372 : vector<16xi32>
      %swap3A_374 = arith.constant 1 : i32
      %swap3A_375 = arith.index_cast %swap3A_374 : i32 to index
      %swap3A_376 = arith.constant 96 : index
      %swap3A_377 = tpu.vector_load %arg6[%swap3A_375, %swap3A_376] {strides = array<i32>} : memref<2x128xi32, #tpu.memory_space<vmem>>, vector<1x16xi32>,
      %swap3A_378 = vector.shape_cast %swap3A_377 : vector<1x16xi32> to vector<16xi32>
      %swap3A_379 = vector.shape_cast %and3A_373 : vector<16xi32> to vector<1x16xi32>
      tpu.vector_store %arg6[%swap3A_375, %swap3A_376], %swap3A_379 {strides = array<i32>} : memref<2x128xi32, #tpu.memory_space<vmem>>, vector<1x16xi32>,
      %shift_right_arithmetic3A_380 = arith.constant 16 : i32
      %shift_right_arithmetic3A_381 = vector.broadcast %shift_right_arithmetic3A_380 : i32 to vector<16xi32>
      %shift_right_arithmetic3A_382 = arith.shrsi %get3A_370, %shift_right_arithmetic3A_381 : vector<16xi32>
      %swap3A_383 = arith.constant 1 : i32
      %swap3A_384 = arith.index_cast %swap3A_383 : i32 to index
      %swap3A_385 = arith.constant 96 : index
      %swap3A_386 = tpu.vector_load %arg7[%swap3A_384, %swap3A_385] {strides = array<i32>} : memref<2x128xi32, #tpu.memory_space<vmem>>, vector<1x16xi32>,
      %swap3A_387 = vector.shape_cast %swap3A_386 : vector<1x16xi32> to vector<16xi32>
      %swap3A_388 = vector.shape_cast %shift_right_arithmetic3A_382 : vector<16xi32> to vector<1x16xi32>
      tpu.vector_store %arg7[%swap3A_384, %swap3A_385], %swap3A_388 {strides = array<i32>} : memref<2x128xi32, #tpu.memory_space<vmem>>, vector<1x16xi32>,
      %get3A_389 = arith.index_cast %add3A_234 : i32 to index
      %get3A_390 = arith.constant 112 : index
      %get3A_391 = tpu.vector_load %arg5[%get3A_389, %get3A_390] {strides = array<i32>} : memref<79x128xi32, #tpu.memory_space<vmem>>, vector<1x16xi32>,
      %get3A_392 = vector.shape_cast %get3A_391 : vector<1x16xi32> to vector<16xi32>
      %and3A_393 = arith.constant 65535 : i32
      %and3A_394 = vector.broadcast %and3A_393 : i32 to vector<16xi32>
      %and3A_395 = arith.andi %get3A_392, %and3A_394 : vector<16xi32>
      %swap3A_396 = arith.constant 1 : i32
      %swap3A_397 = arith.index_cast %swap3A_396 : i32 to index
      %swap3A_398 = arith.constant 112 : index
      %swap3A_399 = tpu.vector_load %arg6[%swap3A_397, %swap3A_398] {strides = array<i32>} : memref<2x128xi32, #tpu.memory_space<vmem>>, vector<1x16xi32>,
      %swap3A_400 = vector.shape_cast %swap3A_399 : vector<1x16xi32> to vector<16xi32>
      %swap3A_401 = vector.shape_cast %and3A_395 : vector<16xi32> to vector<1x16xi32>
      tpu.vector_store %arg6[%swap3A_397, %swap3A_398], %swap3A_401 {strides = array<i32>} : memref<2x128xi32, #tpu.memory_space<vmem>>, vector<1x16xi32>,
      %shift_right_arithmetic3A_402 = arith.constant 16 : i32
      %shift_right_arithmetic3A_403 = vector.broadcast %shift_right_arithmetic3A_402 : i32 to vector<16xi32>
      %shift_right_arithmetic3A_404 = arith.shrsi %get3A_392, %shift_right_arithmetic3A_403 : vector<16xi32>
      %swap3A_405 = arith.constant 1 : i32
      %swap3A_406 = arith.index_cast %swap3A_405 : i32 to index
      %swap3A_407 = arith.constant 112 : index
      %swap3A_408 = tpu.vector_load %arg7[%swap3A_406, %swap3A_407] {strides = array<i32>} : memref<2x128xi32, #tpu.memory_space<vmem>>, vector<1x16xi32>,
      %swap3A_409 = vector.shape_cast %swap3A_408 : vector<1x16xi32> to vector<16xi32>
      %swap3A_410 = vector.shape_cast %shift_right_arithmetic3A_404 : vector<16xi32> to vector<1x16xi32>
      tpu.vector_store %arg7[%swap3A_406, %swap3A_407], %swap3A_410 {strides = array<i32>} : memref<2x128xi32, #tpu.memory_space<vmem>>, vector<1x16xi32>,
      %dma_start3A_411 = arith.constant 1 : i32
      %dma_start3A_412 = arith.constant 0 : i32
      %dma_start3A_413 = tpu.memref_slice %arg6[%dma_start3A_411, %dma_start3A_412] : memref<2x128xi32, #tpu.memory_space<vmem>> -> memref<1x128xi32, #tpu.memory_space<vmem>>
      %dma_start3A_414 = tpu.memref_squeeze %dma_start3A_413 : memref<1x128xi32, #tpu.memory_space<vmem>> -> memref<128xi32, #tpu.memory_space<vmem>>
      %dma_start3A_415 = arith.constant 0 : i32
      %dma_start3A_416 = arith.constant 0 : i32
      %dma_start3A_417 = tpu.memref_slice %arg2[%dma_start3A_415, %dma_start3A_416] : memref<10240x128xf32, #tpu.memory_space<hbm>> -> memref<10240x128xf32, #tpu.memory_space<hbm>>
      tpu.enqueue_indirect_dma source(%dma_start3A_417 : memref<10240x128xf32, #tpu.memory_space<hbm>>) target(%arg9 : memref<128x128xf32, #tpu.memory_space<vmem>>) offsets(%dma_start3A_414 : memref<128xi32, #tpu.memory_space<vmem>>) semaphore(%arg12 : memref<!tpu.dma_semaphore, #tpu.memory_space<semaphore_mem>>)
      %dma_wait3A_418 = arith.constant 0 : i32
      %dma_wait3A_419 = arith.constant 0 : i32
      %dma_wait3A_420 = tpu.memref_slice %arg6[%dma_wait3A_418, %dma_wait3A_419] : memref<2x128xi32, #tpu.memory_space<vmem>> -> memref<1x128xi32, #tpu.memory_space<vmem>>
      %dma_wait3A_421 = tpu.memref_squeeze %dma_wait3A_420 : memref<1x128xi32, #tpu.memory_space<vmem>> -> memref<128xi32, #tpu.memory_space<vmem>>
      %dma_wait3A_422 = arith.constant 0 : i32
      %dma_wait3A_423 = arith.constant 0 : i32
      %dma_wait3A_424 = tpu.memref_slice %arg2[%dma_wait3A_422, %dma_wait3A_423] : memref<10240x128xf32, #tpu.memory_space<hbm>> -> memref<10240x128xf32, #tpu.memory_space<hbm>>
      tpu.wait_indirect_dma semaphore(%arg11 : memref<!tpu.dma_semaphore, #tpu.memory_space<semaphore_mem>>) src(%dma_wait3A_424 : memref<10240x128xf32, #tpu.memory_space<hbm>>) dst(%arg8 : memref<128x128xf32, #tpu.memory_space<vmem>>)
      %run_scoped3A_425 = arith.constant 0 : i32
      "tpu.region"() ({
        %run_scoped3A_619 = tpu.sem_alloc : memref<!tpu.dma_semaphore, #tpu.memory_space<semaphore_mem>>
        %dma_start3A_620 = arith.constant 0 : i32
        %dma_start3A_621 = tpu.memref_slice %arg7[%run_scoped3A_425, %dma_start3A_620] : memref<2x128xi32, #tpu.memory_space<vmem>> -> memref<1x128xi32, #tpu.memory_space<vmem>>
        %dma_start3A_622 = tpu.memref_squeeze %dma_start3A_621 : memref<1x128xi32, #tpu.memory_space<vmem>> -> memref<128xi32, #tpu.memory_space<vmem>>
        %dma_start3A_623 = arith.constant 0 : i32
        %dma_start3A_624 = arith.constant 0 : i32
        %dma_start3A_625 = tpu.memref_slice %arg10[%dma_start3A_623, %dma_start3A_624] : memref<10240x128xf32, #tpu.memory_space<vmem_shared>> -> memref<10240x128xf32, #tpu.memory_space<vmem_shared>>
        tpu.enqueue_indirect_dma source(%arg8 : memref<128x128xf32, #tpu.memory_space<vmem>>) target(%dma_start3A_625 : memref<10240x128xf32, #tpu.memory_space<vmem_shared>>) offsets(%dma_start3A_622 : memref<128xi32, #tpu.memory_space<vmem>>) semaphore(%run_scoped3A_619 : memref<!tpu.dma_semaphore, #tpu.memory_space<semaphore_mem>>) {add = true}
        %dma_wait3A_626 = arith.constant 0 : i32
        %dma_wait3A_627 = tpu.memref_slice %arg7[%run_scoped3A_425, %dma_wait3A_626] : memref<2x128xi32, #tpu.memory_space<vmem>> -> memref<1x128xi32, #tpu.memory_space<vmem>>
        %dma_wait3A_628 = tpu.memref_squeeze %dma_wait3A_627 : memref<1x128xi32, #tpu.memory_space<vmem>> -> memref<128xi32, #tpu.memory_space<vmem>>
        %dma_wait3A_629 = arith.constant 0 : i32
        %dma_wait3A_630 = arith.constant 0 : i32
        %dma_wait3A_631 = tpu.memref_slice %arg10[%dma_wait3A_629, %dma_wait3A_630] : memref<10240x128xf32, #tpu.memory_space<vmem_shared>> -> memref<10240x128xf32, #tpu.memory_space<vmem_shared>>
        tpu.wait_indirect_dma semaphore(%run_scoped3A_619 : memref<!tpu.dma_semaphore, #tpu.memory_space<semaphore_mem>>) src(%arg8 : memref<128x128xf32, #tpu.memory_space<vmem>>) dst(%dma_wait3A_631 : memref<10240x128xf32, #tpu.memory_space<vmem_shared>>)
        tpu.yield
      }) : () -> ()
      %add3A_426 = arith.constant 2 : i32
      %add3A_427 = arith.addi %mul3A_232, %add3A_426 : i32
      %get3A_428 = arith.index_cast %add3A_427 : i32 to index
      %get3A_429 = arith.constant 0 : index
      %get3A_430 = tpu.vector_load %arg5[%get3A_428, %get3A_429] {strides = array<i32>} : memref<79x128xi32, #tpu.memory_space<vmem>>, vector<1x16xi32>,
      %get3A_431 = vector.shape_cast %get3A_430 : vector<1x16xi32> to vector<16xi32>
      %and3A_432 = arith.constant 65535 : i32
      %and3A_433 = vector.broadcast %and3A_432 : i32 to vector<16xi32>
      %and3A_434 = arith.andi %get3A_431, %and3A_433 : vector<16xi32>
      %swap3A_435 = arith.constant 0 : i32
      %swap3A_436 = arith.index_cast %swap3A_435 : i32 to index
      %swap3A_437 = arith.constant 0 : index
      %swap3A_438 = tpu.vector_load %arg6[%swap3A_436, %swap3A_437] {strides = array<i32>} : memref<2x128xi32, #tpu.memory_space<vmem>>, vector<1x16xi32>,
      %swap3A_439 = vector.shape_cast %swap3A_438 : vector<1x16xi32> to vector<16xi32>
      %swap3A_440 = vector.shape_cast %and3A_434 : vector<16xi32> to vector<1x16xi32>
      tpu.vector_store %arg6[%swap3A_436, %swap3A_437], %swap3A_440 {strides = array<i32>} : memref<2x128xi32, #tpu.memory_space<vmem>>, vector<1x16xi32>,
      %shift_right_arithmetic3A_441 = arith.constant 16 : i32
      %shift_right_arithmetic3A_442 = vector.broadcast %shift_right_arithmetic3A_441 : i32 to vector<16xi32>
      %shift_right_arithmetic3A_443 = arith.shrsi %get3A_431, %shift_right_arithmetic3A_442 : vector<16xi32>
      %swap3A_444 = arith.constant 0 : i32
      %swap3A_445 = arith.index_cast %swap3A_444 : i32 to index
      %swap3A_446 = arith.constant 0 : index
      %swap3A_447 = tpu.vector_load %arg7[%swap3A_445, %swap3A_446] {strides = array<i32>} : memref<2x128xi32, #tpu.memory_space<vmem>>, vector<1x16xi32>,
      %swap3A_448 = vector.shape_cast %swap3A_447 : vector<1x16xi32> to vector<16xi32>
      %swap3A_449 = vector.shape_cast %shift_right_arithmetic3A_443 : vector<16xi32> to vector<1x16xi32>
      tpu.vector_store %arg7[%swap3A_445, %swap3A_446], %swap3A_449 {strides = array<i32>} : memref<2x128xi32, #tpu.memory_space<vmem>>, vector<1x16xi32>,
      %get3A_450 = arith.index_cast %add3A_427 : i32 to index
      %get3A_451 = arith.constant 16 : index
      %get3A_452 = tpu.vector_load %arg5[%get3A_450, %get3A_451] {strides = array<i32>} : memref<79x128xi32, #tpu.memory_space<vmem>>, vector<1x16xi32>,
      %get3A_453 = vector.shape_cast %get3A_452 : vector<1x16xi32> to vector<16xi32>
      %and3A_454 = arith.constant 65535 : i32
      %and3A_455 = vector.broadcast %and3A_454 : i32 to vector<16xi32>
      %and3A_456 = arith.andi %get3A_453, %and3A_455 : vector<16xi32>
      %swap3A_457 = arith.constant 0 : i32
      %swap3A_458 = arith.index_cast %swap3A_457 : i32 to index
      %swap3A_459 = arith.constant 16 : index
      %swap3A_460 = tpu.vector_load %arg6[%swap3A_458, %swap3A_459] {strides = array<i32>} : memref<2x128xi32, #tpu.memory_space<vmem>>, vector<1x16xi32>,
      %swap3A_461 = vector.shape_cast %swap3A_460 : vector<1x16xi32> to vector<16xi32>
      %swap3A_462 = vector.shape_cast %and3A_456 : vector<16xi32> to vector<1x16xi32>
      tpu.vector_store %arg6[%swap3A_458, %swap3A_459], %swap3A_462 {strides = array<i32>} : memref<2x128xi32, #tpu.memory_space<vmem>>, vector<1x16xi32>,
      %shift_right_arithmetic3A_463 = arith.constant 16 : i32
      %shift_right_arithmetic3A_464 = vector.broadcast %shift_right_arithmetic3A_463 : i32 to vector<16xi32>
      %shift_right_arithmetic3A_465 = arith.shrsi %get3A_453, %shift_right_arithmetic3A_464 : vector<16xi32>
      %swap3A_466 = arith.constant 0 : i32
      %swap3A_467 = arith.index_cast %swap3A_466 : i32 to index
      %swap3A_468 = arith.constant 16 : index
      %swap3A_469 = tpu.vector_load %arg7[%swap3A_467, %swap3A_468] {strides = array<i32>} : memref<2x128xi32, #tpu.memory_space<vmem>>, vector<1x16xi32>,
      %swap3A_470 = vector.shape_cast %swap3A_469 : vector<1x16xi32> to vector<16xi32>
      %swap3A_471 = vector.shape_cast %shift_right_arithmetic3A_465 : vector<16xi32> to vector<1x16xi32>
      tpu.vector_store %arg7[%swap3A_467, %swap3A_468], %swap3A_471 {strides = array<i32>} : memref<2x128xi32, #tpu.memory_space<vmem>>, vector<1x16xi32>,
      %get3A_472 = arith.index_cast %add3A_427 : i32 to index
      %get3A_473 = arith.constant 32 : index
      %get3A_474 = tpu.vector_load %arg5[%get3A_472, %get3A_473] {strides = array<i32>} : memref<79x128xi32, #tpu.memory_space<vmem>>, vector<1x16xi32>,
      %get3A_475 = vector.shape_cast %get3A_474 : vector<1x16xi32> to vector<16xi32>
      %and3A_476 = arith.constant 65535 : i32
      %and3A_477 = vector.broadcast %and3A_476 : i32 to vector<16xi32>
      %and3A_478 = arith.andi %get3A_475, %and3A_477 : vector<16xi32>
      %swap3A_479 = arith.constant 0 : i32
      %swap3A_480 = arith.index_cast %swap3A_479 : i32 to index
      %swap3A_481 = arith.constant 32 : index
      %swap3A_482 = tpu.vector_load %arg6[%swap3A_480, %swap3A_481] {strides = array<i32>} : memref<2x128xi32, #tpu.memory_space<vmem>>, vector<1x16xi32>,
      %swap3A_483 = vector.shape_cast %swap3A_482 : vector<1x16xi32> to vector<16xi32>
      %swap3A_484 = vector.shape_cast %and3A_478 : vector<16xi32> to vector<1x16xi32>
      tpu.vector_store %arg6[%swap3A_480, %swap3A_481], %swap3A_484 {strides = array<i32>} : memref<2x128xi32, #tpu.memory_space<vmem>>, vector<1x16xi32>,
      %shift_right_arithmetic3A_485 = arith.constant 16 : i32
      %shift_right_arithmetic3A_486 = vector.broadcast %shift_right_arithmetic3A_485 : i32 to vector<16xi32>
      %shift_right_arithmetic3A_487 = arith.shrsi %get3A_475, %shift_right_arithmetic3A_486 : vector<16xi32>
      %swap3A_488 = arith.constant 0 : i32
      %swap3A_489 = arith.index_cast %swap3A_488 : i32 to index
      %swap3A_490 = arith.constant 32 : index
      %swap3A_491 = tpu.vector_load %arg7[%swap3A_489, %swap3A_490] {strides = array<i32>} : memref<2x128xi32, #tpu.memory_space<vmem>>, vector<1x16xi32>,
      %swap3A_492 = vector.shape_cast %swap3A_491 : vector<1x16xi32> to vector<16xi32>
      %swap3A_493 = vector.shape_cast %shift_right_arithmetic3A_487 : vector<16xi32> to vector<1x16xi32>
      tpu.vector_store %arg7[%swap3A_489, %swap3A_490], %swap3A_493 {strides = array<i32>} : memref<2x128xi32, #tpu.memory_space<vmem>>, vector<1x16xi32>,
      %get3A_494 = arith.index_cast %add3A_427 : i32 to index
      %get3A_495 = arith.constant 48 : index
      %get3A_496 = tpu.vector_load %arg5[%get3A_494, %get3A_495] {strides = array<i32>} : memref<79x128xi32, #tpu.memory_space<vmem>>, vector<1x16xi32>,
      %get3A_497 = vector.shape_cast %get3A_496 : vector<1x16xi32> to vector<16xi32>
      %and3A_498 = arith.constant 65535 : i32
      %and3A_499 = vector.broadcast %and3A_498 : i32 to vector<16xi32>
      %and3A_500 = arith.andi %get3A_497, %and3A_499 : vector<16xi32>
      %swap3A_501 = arith.constant 0 : i32
      %swap3A_502 = arith.index_cast %swap3A_501 : i32 to index
      %swap3A_503 = arith.constant 48 : index
      %swap3A_504 = tpu.vector_load %arg6[%swap3A_502, %swap3A_503] {strides = array<i32>} : memref<2x128xi32, #tpu.memory_space<vmem>>, vector<1x16xi32>,
      %swap3A_505 = vector.shape_cast %swap3A_504 : vector<1x16xi32> to vector<16xi32>
      %swap3A_506 = vector.shape_cast %and3A_500 : vector<16xi32> to vector<1x16xi32>
      tpu.vector_store %arg6[%swap3A_502, %swap3A_503], %swap3A_506 {strides = array<i32>} : memref<2x128xi32, #tpu.memory_space<vmem>>, vector<1x16xi32>,
      %shift_right_arithmetic3A_507 = arith.constant 16 : i32
      %shift_right_arithmetic3A_508 = vector.broadcast %shift_right_arithmetic3A_507 : i32 to vector<16xi32>
      %shift_right_arithmetic3A_509 = arith.shrsi %get3A_497, %shift_right_arithmetic3A_508 : vector<16xi32>
      %swap3A_510 = arith.constant 0 : i32
      %swap3A_511 = arith.index_cast %swap3A_510 : i32 to index
      %swap3A_512 = arith.constant 48 : index
      %swap3A_513 = tpu.vector_load %arg7[%swap3A_511, %swap3A_512] {strides = array<i32>} : memref<2x128xi32, #tpu.memory_space<vmem>>, vector<1x16xi32>,
      %swap3A_514 = vector.shape_cast %swap3A_513 : vector<1x16xi32> to vector<16xi32>
      %swap3A_515 = vector.shape_cast %shift_right_arithmetic3A_509 : vector<16xi32> to vector<1x16xi32>
      tpu.vector_store %arg7[%swap3A_511, %swap3A_512], %swap3A_515 {strides = array<i32>} : memref<2x128xi32, #tpu.memory_space<vmem>>, vector<1x16xi32>,
      %get3A_516 = arith.index_cast %add3A_427 : i32 to index
      %get3A_517 = arith.constant 64 : index
      %get3A_518 = tpu.vector_load %arg5[%get3A_516, %get3A_517] {strides = array<i32>} : memref<79x128xi32, #tpu.memory_space<vmem>>, vector<1x16xi32>,
      %get3A_519 = vector.shape_cast %get3A_518 : vector<1x16xi32> to vector<16xi32>
      %and3A_520 = arith.constant 65535 : i32
      %and3A_521 = vector.broadcast %and3A_520 : i32 to vector<16xi32>
      %and3A_522 = arith.andi %get3A_519, %and3A_521 : vector<16xi32>
      %swap3A_523 = arith.constant 0 : i32
      %swap3A_524 = arith.index_cast %swap3A_523 : i32 to index
      %swap3A_525 = arith.constant 64 : index
      %swap3A_526 = tpu.vector_load %arg6[%swap3A_524, %swap3A_525] {strides = array<i32>} : memref<2x128xi32, #tpu.memory_space<vmem>>, vector<1x16xi32>,
      %swap3A_527 = vector.shape_cast %swap3A_526 : vector<1x16xi32> to vector<16xi32>
      %swap3A_528 = vector.shape_cast %and3A_522 : vector<16xi32> to vector<1x16xi32>
      tpu.vector_store %arg6[%swap3A_524, %swap3A_525], %swap3A_528 {strides = array<i32>} : memref<2x128xi32, #tpu.memory_space<vmem>>, vector<1x16xi32>,
      %shift_right_arithmetic3A_529 = arith.constant 16 : i32
      %shift_right_arithmetic3A_530 = vector.broadcast %shift_right_arithmetic3A_529 : i32 to vector<16xi32>
      %shift_right_arithmetic3A_531 = arith.shrsi %get3A_519, %shift_right_arithmetic3A_530 : vector<16xi32>
      %swap3A_532 = arith.constant 0 : i32
      %swap3A_533 = arith.index_cast %swap3A_532 : i32 to index
      %swap3A_534 = arith.constant 64 : index
      %swap3A_535 = tpu.vector_load %arg7[%swap3A_533, %swap3A_534] {strides = array<i32>} : memref<2x128xi32, #tpu.memory_space<vmem>>, vector<1x16xi32>,
      %swap3A_536 = vector.shape_cast %swap3A_535 : vector<1x16xi32> to vector<16xi32>
      %swap3A_537 = vector.shape_cast %shift_right_arithmetic3A_531 : vector<16xi32> to vector<1x16xi32>
      tpu.vector_store %arg7[%swap3A_533, %swap3A_534], %swap3A_537 {strides = array<i32>} : memref<2x128xi32, #tpu.memory_space<vmem>>, vector<1x16xi32>,
      %get3A_538 = arith.index_cast %add3A_427 : i32 to index
      %get3A_539 = arith.constant 80 : index
      %get3A_540 = tpu.vector_load %arg5[%get3A_538, %get3A_539] {strides = array<i32>} : memref<79x128xi32, #tpu.memory_space<vmem>>, vector<1x16xi32>,
      %get3A_541 = vector.shape_cast %get3A_540 : vector<1x16xi32> to vector<16xi32>
      %and3A_542 = arith.constant 65535 : i32
      %and3A_543 = vector.broadcast %and3A_542 : i32 to vector<16xi32>
      %and3A_544 = arith.andi %get3A_541, %and3A_543 : vector<16xi32>
      %swap3A_545 = arith.constant 0 : i32
      %swap3A_546 = arith.index_cast %swap3A_545 : i32 to index
      %swap3A_547 = arith.constant 80 : index
      %swap3A_548 = tpu.vector_load %arg6[%swap3A_546, %swap3A_547] {strides = array<i32>} : memref<2x128xi32, #tpu.memory_space<vmem>>, vector<1x16xi32>,
      %swap3A_549 = vector.shape_cast %swap3A_548 : vector<1x16xi32> to vector<16xi32>
      %swap3A_550 = vector.shape_cast %and3A_544 : vector<16xi32> to vector<1x16xi32>
      tpu.vector_store %arg6[%swap3A_546, %swap3A_547], %swap3A_550 {strides = array<i32>} : memref<2x128xi32, #tpu.memory_space<vmem>>, vector<1x16xi32>,
      %shift_right_arithmetic3A_551 = arith.constant 16 : i32
      %shift_right_arithmetic3A_552 = vector.broadcast %shift_right_arithmetic3A_551 : i32 to vector<16xi32>
      %shift_right_arithmetic3A_553 = arith.shrsi %get3A_541, %shift_right_arithmetic3A_552 : vector<16xi32>
      %swap3A_554 = arith.constant 0 : i32
      %swap3A_555 = arith.index_cast %swap3A_554 : i32 to index
      %swap3A_556 = arith.constant 80 : index
      %swap3A_557 = tpu.vector_load %arg7[%swap3A_555, %swap3A_556] {strides = array<i32>} : memref<2x128xi32, #tpu.memory_space<vmem>>, vector<1x16xi32>,
      %swap3A_558 = vector.shape_cast %swap3A_557 : vector<1x16xi32> to vector<16xi32>
      %swap3A_559 = vector.shape_cast %shift_right_arithmetic3A_553 : vector<16xi32> to vector<1x16xi32>
      tpu.vector_store %arg7[%swap3A_555, %swap3A_556], %swap3A_559 {strides = array<i32>} : memref<2x128xi32, #tpu.memory_space<vmem>>, vector<1x16xi32>,
      %get3A_560 = arith.index_cast %add3A_427 : i32 to index
      %get3A_561 = arith.constant 96 : index
      %get3A_562 = tpu.vector_load %arg5[%get3A_560, %get3A_561] {strides = array<i32>} : memref<79x128xi32, #tpu.memory_space<vmem>>, vector<1x16xi32>,
      %get3A_563 = vector.shape_cast %get3A_562 : vector<1x16xi32> to vector<16xi32>
      %and3A_564 = arith.constant 65535 : i32
      %and3A_565 = vector.broadcast %and3A_564 : i32 to vector<16xi32>
      %and3A_566 = arith.andi %get3A_563, %and3A_565 : vector<16xi32>
      %swap3A_567 = arith.constant 0 : i32
      %swap3A_568 = arith.index_cast %swap3A_567 : i32 to index
      %swap3A_569 = arith.constant 96 : index
      %swap3A_570 = tpu.vector_load %arg6[%swap3A_568, %swap3A_569] {strides = array<i32>} : memref<2x128xi32, #tpu.memory_space<vmem>>, vector<1x16xi32>,
      %swap3A_571 = vector.shape_cast %swap3A_570 : vector<1x16xi32> to vector<16xi32>
      %swap3A_572 = vector.shape_cast %and3A_566 : vector<16xi32> to vector<1x16xi32>
      tpu.vector_store %arg6[%swap3A_568, %swap3A_569], %swap3A_572 {strides = array<i32>} : memref<2x128xi32, #tpu.memory_space<vmem>>, vector<1x16xi32>,
      %shift_right_arithmetic3A_573 = arith.constant 16 : i32
      %shift_right_arithmetic3A_574 = vector.broadcast %shift_right_arithmetic3A_573 : i32 to vector<16xi32>
      %shift_right_arithmetic3A_575 = arith.shrsi %get3A_563, %shift_right_arithmetic3A_574 : vector<16xi32>
      %swap3A_576 = arith.constant 0 : i32
      %swap3A_577 = arith.index_cast %swap3A_576 : i32 to index
      %swap3A_578 = arith.constant 96 : index
      %swap3A_579 = tpu.vector_load %arg7[%swap3A_577, %swap3A_578] {strides = array<i32>} : memref<2x128xi32, #tpu.memory_space<vmem>>, vector<1x16xi32>,
      %swap3A_580 = vector.shape_cast %swap3A_579 : vector<1x16xi32> to vector<16xi32>
      %swap3A_581 = vector.shape_cast %shift_right_arithmetic3A_575 : vector<16xi32> to vector<1x16xi32>
      tpu.vector_store %arg7[%swap3A_577, %swap3A_578], %swap3A_581 {strides = array<i32>} : memref<2x128xi32, #tpu.memory_space<vmem>>, vector<1x16xi32>,
      %get3A_582 = arith.index_cast %add3A_427 : i32 to index
      %get3A_583 = arith.constant 112 : index
      %get3A_584 = tpu.vector_load %arg5[%get3A_582, %get3A_583] {strides = array<i32>} : memref<79x128xi32, #tpu.memory_space<vmem>>, vector<1x16xi32>,
      %get3A_585 = vector.shape_cast %get3A_584 : vector<1x16xi32> to vector<16xi32>
      %and3A_586 = arith.constant 65535 : i32
      %and3A_587 = vector.broadcast %and3A_586 : i32 to vector<16xi32>
      %and3A_588 = arith.andi %get3A_585, %and3A_587 : vector<16xi32>
      %swap3A_589 = arith.constant 0 : i32
      %swap3A_590 = arith.index_cast %swap3A_589 : i32 to index
      %swap3A_591 = arith.constant 112 : index
      %swap3A_592 = tpu.vector_load %arg6[%swap3A_590, %swap3A_591] {strides = array<i32>} : memref<2x128xi32, #tpu.memory_space<vmem>>, vector<1x16xi32>,
      %swap3A_593 = vector.shape_cast %swap3A_592 : vector<1x16xi32> to vector<16xi32>
      %swap3A_594 = vector.shape_cast %and3A_588 : vector<16xi32> to vector<1x16xi32>
      tpu.vector_store %arg6[%swap3A_590, %swap3A_591], %swap3A_594 {strides = array<i32>} : memref<2x128xi32, #tpu.memory_space<vmem>>, vector<1x16xi32>,
      %shift_right_arithmetic3A_595 = arith.constant 16 : i32
      %shift_right_arithmetic3A_596 = vector.broadcast %shift_right_arithmetic3A_595 : i32 to vector<16xi32>
      %shift_right_arithmetic3A_597 = arith.shrsi %get3A_585, %shift_right_arithmetic3A_596 : vector<16xi32>
      %swap3A_598 = arith.constant 0 : i32
      %swap3A_599 = arith.index_cast %swap3A_598 : i32 to index
      %swap3A_600 = arith.constant 112 : index
      %swap3A_601 = tpu.vector_load %arg7[%swap3A_599, %swap3A_600] {strides = array<i32>} : memref<2x128xi32, #tpu.memory_space<vmem>>, vector<1x16xi32>,
      %swap3A_602 = vector.shape_cast %swap3A_601 : vector<1x16xi32> to vector<16xi32>
      %swap3A_603 = vector.shape_cast %shift_right_arithmetic3A_597 : vector<16xi32> to vector<1x16xi32>
      tpu.vector_store %arg7[%swap3A_599, %swap3A_600], %swap3A_603 {strides = array<i32>} : memref<2x128xi32, #tpu.memory_space<vmem>>, vector<1x16xi32>,
      %dma_start3A_604 = arith.constant 0 : i32
      %dma_start3A_605 = arith.constant 0 : i32
      %dma_start3A_606 = tpu.memref_slice %arg6[%dma_start3A_604, %dma_start3A_605] : memref<2x128xi32, #tpu.memory_space<vmem>> -> memref<1x128xi32, #tpu.memory_space<vmem>>
      %dma_start3A_607 = tpu.memref_squeeze %dma_start3A_606 : memref<1x128xi32, #tpu.memory_space<vmem>> -> memref<128xi32, #tpu.memory_space<vmem>>
      %dma_start3A_608 = arith.constant 0 : i32
      %dma_start3A_609 = arith.constant 0 : i32
      %dma_start3A_610 = tpu.memref_slice %arg2[%dma_start3A_608, %dma_start3A_609] : memref<10240x128xf32, #tpu.memory_space<hbm>> -> memref<10240x128xf32, #tpu.memory_space<hbm>>
      tpu.enqueue_indirect_dma source(%dma_start3A_610 : memref<10240x128xf32, #tpu.memory_space<hbm>>) target(%arg8 : memref<128x128xf32, #tpu.memory_space<vmem>>) offsets(%dma_start3A_607 : memref<128xi32, #tpu.memory_space<vmem>>) semaphore(%arg11 : memref<!tpu.dma_semaphore, #tpu.memory_space<semaphore_mem>>)
      %dma_wait3A_611 = arith.constant 1 : i32
      %dma_wait3A_612 = arith.constant 0 : i32
      %dma_wait3A_613 = tpu.memref_slice %arg6[%dma_wait3A_611, %dma_wait3A_612] : memref<2x128xi32, #tpu.memory_space<vmem>> -> memref<1x128xi32, #tpu.memory_space<vmem>>
      %dma_wait3A_614 = tpu.memref_squeeze %dma_wait3A_613 : memref<1x128xi32, #tpu.memory_space<vmem>> -> memref<128xi32, #tpu.memory_space<vmem>>
      %dma_wait3A_615 = arith.constant 0 : i32
      %dma_wait3A_616 = arith.constant 0 : i32
      %dma_wait3A_617 = tpu.memref_slice %arg2[%dma_wait3A_615, %dma_wait3A_616] : memref<10240x128xf32, #tpu.memory_space<hbm>> -> memref<10240x128xf32, #tpu.memory_space<hbm>>
      tpu.wait_indirect_dma semaphore(%arg12 : memref<!tpu.dma_semaphore, #tpu.memory_space<semaphore_mem>>) src(%dma_wait3A_617 : memref<10240x128xf32, #tpu.memory_space<hbm>>) dst(%arg9 : memref<128x128xf32, #tpu.memory_space<vmem>>)
      %run_scoped3A_618 = arith.constant 1 : i32
      "tpu.region"() ({
        %run_scoped3A_619 = tpu.sem_alloc : memref<!tpu.dma_semaphore, #tpu.memory_space<semaphore_mem>>
        %dma_start3A_620 = arith.constant 0 : i32
        %dma_start3A_621 = tpu.memref_slice %arg7[%run_scoped3A_618, %dma_start3A_620] : memref<2x128xi32, #tpu.memory_space<vmem>> -> memref<1x128xi32, #tpu.memory_space<vmem>>
        %dma_start3A_622 = tpu.memref_squeeze %dma_start3A_621 : memref<1x128xi32, #tpu.memory_space<vmem>> -> memref<128xi32, #tpu.memory_space<vmem>>
        %dma_start3A_623 = arith.constant 0 : i32
        %dma_start3A_624 = arith.constant 0 : i32
        %dma_start3A_625 = tpu.memref_slice %arg10[%dma_start3A_623, %dma_start3A_624] : memref<10240x128xf32, #tpu.memory_space<vmem_shared>> -> memref<10240x128xf32, #tpu.memory_space<vmem_shared>>
        tpu.enqueue_indirect_dma source(%arg9 : memref<128x128xf32, #tpu.memory_space<vmem>>) target(%dma_start3A_625 : memref<10240x128xf32, #tpu.memory_space<vmem_shared>>) offsets(%dma_start3A_622 : memref<128xi32, #tpu.memory_space<vmem>>) semaphore(%run_scoped3A_619 : memref<!tpu.dma_semaphore, #tpu.memory_space<semaphore_mem>>) {add = true}
        %dma_wait3A_626 = arith.constant 0 : i32
        %dma_wait3A_627 = tpu.memref_slice %arg7[%run_scoped3A_618, %dma_wait3A_626] : memref<2x128xi32, #tpu.memory_space<vmem>> -> memref<1x128xi32, #tpu.memory_space<vmem>>
        %dma_wait3A_628 = tpu.memref_squeeze %dma_wait3A_627 : memref<1x128xi32, #tpu.memory_space<vmem>> -> memref<128xi32, #tpu.memory_space<vmem>>
        %dma_wait3A_629 = arith.constant 0 : i32
        %dma_wait3A_630 = arith.constant 0 : i32
        %dma_wait3A_631 = tpu.memref_slice %arg10[%dma_wait3A_629, %dma_wait3A_630] : memref<10240x128xf32, #tpu.memory_space<vmem_shared>> -> memref<10240x128xf32, #tpu.memory_space<vmem_shared>>
        tpu.wait_indirect_dma semaphore(%run_scoped3A_619 : memref<!tpu.dma_semaphore, #tpu.memory_space<semaphore_mem>>) src(%arg9 : memref<128x128xf32, #tpu.memory_space<vmem>>) dst(%dma_wait3A_631 : memref<10240x128xf32, #tpu.memory_space<vmem_shared>>)
        tpu.yield
      }) : () -> ()
    }
    %scan3A_218 = arith.constant 39 : i32
    %dma_wait3A = arith.constant 0 : i32
    %dma_wait3A_219 = arith.constant 0 : i32
    %dma_wait3A_220 = tpu.memref_slice %arg6[%dma_wait3A, %dma_wait3A_219] : memref<2x128xi32, #tpu.memory_space<vmem>> -> memref<1x128xi32, #tpu.memory_space<vmem>>
    %dma_wait3A_221 = tpu.memref_squeeze %dma_wait3A_220 : memref<1x128xi32, #tpu.memory_space<vmem>> -> memref<128xi32, #tpu.memory_space<vmem>>
    %dma_wait3A_222 = arith.constant 0 : i32
    %dma_wait3A_223 = arith.constant 0 : i32
    %dma_wait3A_224 = tpu.memref_slice %arg2[%dma_wait3A_222, %dma_wait3A_223] : memref<10240x128xf32, #tpu.memory_space<hbm>> -> memref<10240x128xf32, #tpu.memory_space<hbm>>
    tpu.wait_indirect_dma semaphore(%arg11 : memref<!tpu.dma_semaphore, #tpu.memory_space<semaphore_mem>>) src(%dma_wait3A_224 : memref<10240x128xf32, #tpu.memory_space<hbm>>) dst(%arg8 : memref<128x128xf32, #tpu.memory_space<vmem>>)
    %run_scoped3A = arith.constant 0 : i32
    "tpu.region"() ({
      %run_scoped3A_230 = tpu.sem_alloc : memref<!tpu.dma_semaphore, #tpu.memory_space<semaphore_mem>>
      %dma_start3A_231 = arith.constant 0 : i32
      %dma_start3A_232 = tpu.memref_slice %arg7[%run_scoped3A, %dma_start3A_231] : memref<2x128xi32, #tpu.memory_space<vmem>> -> memref<1x128xi32, #tpu.memory_space<vmem>>
      %dma_start3A_233 = tpu.memref_squeeze %dma_start3A_232 : memref<1x128xi32, #tpu.memory_space<vmem>> -> memref<128xi32, #tpu.memory_space<vmem>>
      %dma_start3A_234 = arith.constant 0 : i32
      %dma_start3A_235 = arith.constant 0 : i32
      %dma_start3A_236 = tpu.memref_slice %arg10[%dma_start3A_234, %dma_start3A_235] : memref<10240x128xf32, #tpu.memory_space<vmem_shared>> -> memref<10240x128xf32, #tpu.memory_space<vmem_shared>>
      tpu.enqueue_indirect_dma source(%arg8 : memref<128x128xf32, #tpu.memory_space<vmem>>) target(%dma_start3A_236 : memref<10240x128xf32, #tpu.memory_space<vmem_shared>>) offsets(%dma_start3A_233 : memref<128xi32, #tpu.memory_space<vmem>>) semaphore(%run_scoped3A_230 : memref<!tpu.dma_semaphore, #tpu.memory_space<semaphore_mem>>) {add = true}
      %dma_wait3A_237 = arith.constant 0 : i32
      %dma_wait3A_238 = tpu.memref_slice %arg7[%run_scoped3A, %dma_wait3A_237] : memref<2x128xi32, #tpu.memory_space<vmem>> -> memref<1x128xi32, #tpu.memory_space<vmem>>
      %dma_wait3A_239 = tpu.memref_squeeze %dma_wait3A_238 : memref<1x128xi32, #tpu.memory_space<vmem>> -> memref<128xi32, #tpu.memory_space<vmem>>
      %dma_wait3A_240 = arith.constant 0 : i32
      %dma_wait3A_241 = arith.constant 0 : i32
      %dma_wait3A_242 = tpu.memref_slice %arg10[%dma_wait3A_240, %dma_wait3A_241] : memref<10240x128xf32, #tpu.memory_space<vmem_shared>> -> memref<10240x128xf32, #tpu.memory_space<vmem_shared>>
      tpu.wait_indirect_dma semaphore(%run_scoped3A_230 : memref<!tpu.dma_semaphore, #tpu.memory_space<semaphore_mem>>) src(%arg8 : memref<128x128xf32, #tpu.memory_space<vmem>>) dst(%dma_wait3A_242 : memref<10240x128xf32, #tpu.memory_space<vmem_shared>>)
      tpu.yield
    }) : () -> ()
    %barrier3A_225 = arith.constant 0 : index
    tpu.barrier barrier_id(%barrier3A_225)
    %mul3A_226 = arith.constant 640 : i32
    %mul3A_227 = arith.muli %arg1, %mul3A_226 : i32
    %mul3A_228 = arith.constant 640 : i32
    %mul3A_229 = arith.muli %arg1, %mul3A_228 : i32
    "tpu.region"() ({
      %run_scoped3A_230 = tpu.sem_alloc : memref<!tpu.dma_semaphore, #tpu.memory_space<semaphore_mem>>
      %dma_start3A_231 = arith.constant 0 : i32
      %dma_start3A_232 = arith.constant 0 : i32
      %dma_start3A_233 = tpu.memref_slice %arg4[%arg0, %dma_start3A_231, %dma_start3A_232] : memref<2x10240x128xf32, #tpu.memory_space<hbm>> -> memref<1x10240x128xf32, #tpu.memory_space<hbm>>
      %dma_start3A_234 = tpu.memref_squeeze %dma_start3A_233 : memref<1x10240x128xf32, #tpu.memory_space<hbm>> -> memref<10240x128xf32, #tpu.memory_space<hbm>>
      %dma_start3A_235 = arith.constant 0 : i32
      %dma_start3A_236 = tpu.memref_slice %dma_start3A_234[%mul3A_229, %dma_start3A_235] : memref<10240x128xf32, #tpu.memory_space<hbm>> -> memref<640x128xf32, #tpu.memory_space<hbm>>
      %dma_start3A_237 = arith.constant 0 : i32
      %dma_start3A_238 = tpu.memref_slice %arg10[%mul3A_227, %dma_start3A_237] : memref<10240x128xf32, #tpu.memory_space<vmem_shared>> -> memref<640x128xf32, #tpu.memory_space<vmem_shared>>
      tpu.enqueue_dma source(%dma_start3A_238 : memref<640x128xf32, #tpu.memory_space<vmem_shared>>) target(%dma_start3A_236 : memref<640x128xf32, #tpu.memory_space<hbm>>) target_semaphore(%run_scoped3A_230 : memref<!tpu.dma_semaphore, #tpu.memory_space<semaphore_mem>>)
      %dma_wait3A_239 = arith.constant 0 : i32
      %dma_wait3A_240 = arith.constant 0 : i32
      %dma_wait3A_241 = tpu.memref_slice %arg4[%arg0, %dma_wait3A_239, %dma_wait3A_240] : memref<2x10240x128xf32, #tpu.memory_space<hbm>> -> memref<1x10240x128xf32, #tpu.memory_space<hbm>>
      %dma_wait3A_242 = tpu.memref_squeeze %dma_wait3A_241 : memref<1x10240x128xf32, #tpu.memory_space<hbm>> -> memref<10240x128xf32, #tpu.memory_space<hbm>>
      %dma_wait3A_243 = arith.constant 0 : i32
      %dma_wait3A_244 = tpu.memref_slice %dma_wait3A_242[%mul3A_229, %dma_wait3A_243] : memref<10240x128xf32, #tpu.memory_space<hbm>> -> memref<640x128xf32, #tpu.memory_space<hbm>>
      %dma_wait3A_245 = arith.constant 0 : i32
      %dma_wait3A_246 = tpu.memref_slice %arg10[%mul3A_227, %dma_wait3A_245] : memref<10240x128xf32, #tpu.memory_space<vmem_shared>> -> memref<640x128xf32, #tpu.memory_space<vmem_shared>>
      tpu.wait_dma2 semaphore(%run_scoped3A_230 : memref<!tpu.dma_semaphore, #tpu.memory_space<semaphore_mem>>) src(%dma_wait3A_246 : memref<640x128xf32, #tpu.memory_space<vmem_shared>>) dst(%dma_wait3A_244 : memref<640x128xf32, #tpu.memory_space<hbm>>)
      tpu.yield
    }) : () -> ()
    return
  }
}

#map = affine_map<(d0, d1) -> (0, 0)>
#map1 = affine_map<(d0, d1) -> (0, 0, 0)>
module attributes {stable_mosaic.version = 14 : i64} {
  func.func @_sc_agg_body(%arg0: i32, %arg1: i32, %arg2: memref<10240x128xf32, #tpu.memory_space<hbm>>, %arg3: memref<32x79x128xi32, #tpu.memory_space<hbm>>, %arg4: memref<2x10240x128xf32, #tpu.memory_space<hbm>>, %arg5: memref<79x128xi32, #tpu.memory_space<vmem>>, %arg6: memref<2x128xi32, #tpu.memory_space<vmem>>, %arg7: memref<2x128xi32, #tpu.memory_space<vmem>>, %arg8: memref<128x128xf32, #tpu.memory_space<vmem>>, %arg9: memref<128x128xf32, #tpu.memory_space<vmem>>, %arg10: memref<10240x128xf32, #tpu.memory_space<vmem_shared>>, %arg11: memref<!tpu.dma_semaphore, #tpu.memory_space<semaphore_mem>>, %arg12: memref<!tpu.dma_semaphore, #tpu.memory_space<semaphore_mem>>) attributes {dimension_semantics = [#tpu.dimension_semantics<core_parallel>, #tpu.dimension_semantics<subcore_parallel>], iteration_bounds = array<i64: 2, 16>, scalar_prefetch = 0 : i64, scratch_operands = 8 : i64, tpu.core_type = #tpu.core_type<sc_vector_subcore>, window_params = [{transform_indices = #map}, {transform_indices = #map1}, {transform_indices = #map1}]} {
    %mul3A = arith.constant 16 : i32
    %mul3A_0 = arith.muli %arg0, %mul3A : i32
    %add3A = arith.addi %mul3A_0, %arg1 : i32
    "tpu.region"() ({
      %run_scoped3A_230 = tpu.sem_alloc : memref<!tpu.dma_semaphore, #tpu.memory_space<semaphore_mem>>
      %dma_start3A_231 = arith.constant 0 : i32
      %dma_start3A_232 = arith.constant 0 : i32
      %dma_start3A_233 = tpu.memref_slice %arg3[%add3A, %dma_start3A_231, %dma_start3A_232] : memref<32x79x128xi32, #tpu.memory_space<hbm>> -> memref<1x79x128xi32, #tpu.memory_space<hbm>>
      %dma_start3A_234 = tpu.memref_squeeze %dma_start3A_233 : memref<1x79x128xi32, #tpu.memory_space<hbm>> -> memref<79x128xi32, #tpu.memory_space<hbm>>
      %dma_start3A_235 = arith.constant 0 : i32
      %dma_start3A_236 = arith.constant 0 : i32
      %dma_start3A_237 = tpu.memref_slice %arg3[%add3A, %dma_start3A_235, %dma_start3A_236] : memref<32x79x128xi32, #tpu.memory_space<hbm>> -> memref<1x79x128xi32, #tpu.memory_space<hbm>>
      %dma_start3A_238 = tpu.memref_squeeze %dma_start3A_237 : memref<1x79x128xi32, #tpu.memory_space<hbm>> -> memref<79x128xi32, #tpu.memory_space<hbm>>
      tpu.enqueue_dma source(%dma_start3A_238 : memref<79x128xi32, #tpu.memory_space<hbm>>) target(%arg5 : memref<79x128xi32, #tpu.memory_space<vmem>>) target_semaphore(%run_scoped3A_230 : memref<!tpu.dma_semaphore, #tpu.memory_space<semaphore_mem>>)
      %dma_wait3A_239 = arith.constant 0 : i32
      %dma_wait3A_240 = arith.constant 0 : i32
      %dma_wait3A_241 = tpu.memref_slice %arg3[%add3A, %dma_wait3A_239, %dma_wait3A_240] : memref<32x79x128xi32, #tpu.memory_space<hbm>> -> memref<1x79x128xi32, #tpu.memory_space<hbm>>
      %dma_wait3A_242 = tpu.memref_squeeze %dma_wait3A_241 : memref<1x79x128xi32, #tpu.memory_space<hbm>> -> memref<79x128xi32, #tpu.memory_space<hbm>>
      %dma_wait3A_243 = arith.constant 0 : i32
      %dma_wait3A_244 = arith.constant 0 : i32
      %dma_wait3A_245 = tpu.memref_slice %arg3[%add3A, %dma_wait3A_243, %dma_wait3A_244] : memref<32x79x128xi32, #tpu.memory_space<hbm>> -> memref<1x79x128xi32, #tpu.memory_space<hbm>>
      %dma_wait3A_246 = tpu.memref_squeeze %dma_wait3A_245 : memref<1x79x128xi32, #tpu.memory_space<hbm>> -> memref<79x128xi32, #tpu.memory_space<hbm>>
      tpu.wait_dma2 semaphore(%run_scoped3A_230 : memref<!tpu.dma_semaphore, #tpu.memory_space<semaphore_mem>>) src(%dma_wait3A_246 : memref<79x128xi32, #tpu.memory_space<hbm>>) dst(%arg5 : memref<79x128xi32, #tpu.memory_space<vmem>>)
      tpu.yield
    }) : () -> ()
    %broadcast_in_dim3A = arith.constant 0.000000e+00 : f32
    %broadcast_in_dim3A_1 = vector.broadcast %broadcast_in_dim3A : f32 to vector<16xf32>
    %scan3A = arith.constant 0 : i32
    %scan3A_2 = arith.constant 0 : i32
    %scan3A_3 = arith.constant 128 : i32
    %scan3A_4 = arith.addi %scan3A_2, %scan3A_3 : i32
    %scan3A_5 = arith.constant 1 : i32
    scf.for %scan3A_230 = %scan3A_2 to %scan3A_4 step %scan3A_5  : i32 {
      %swap3A_231 = arith.index_cast %scan3A_230 : i32 to index
      %swap3A_232 = arith.constant 0 : index
      %swap3A_233 = tpu.vector_load %arg8[%swap3A_231, %swap3A_232] {strides = array<i32>} : memref<128x128xf32, #tpu.memory_space<vmem>>, vector<1x16xf32>,
      %swap3A_234 = vector.shape_cast %swap3A_233 : vector<1x16xf32> to vector<16xf32>
      %swap3A_235 = vector.shape_cast %broadcast_in_dim3A_1 : vector<16xf32> to vector<1x16xf32>
      tpu.vector_store %arg8[%swap3A_231, %swap3A_232], %swap3A_235 {strides = array<i32>} : memref<128x128xf32, #tpu.memory_space<vmem>>, vector<1x16xf32>,
      %swap3A_236 = arith.index_cast %scan3A_230 : i32 to index
      %swap3A_237 = arith.constant 16 : index
      %swap3A_238 = tpu.vector_load %arg8[%swap3A_236, %swap3A_237] {strides = array<i32>} : memref<128x128xf32, #tpu.memory_space<vmem>>, vector<1x16xf32>,
      %swap3A_239 = vector.shape_cast %swap3A_238 : vector<1x16xf32> to vector<16xf32>
      %swap3A_240 = vector.shape_cast %broadcast_in_dim3A_1 : vector<16xf32> to vector<1x16xf32>
      tpu.vector_store %arg8[%swap3A_236, %swap3A_237], %swap3A_240 {strides = array<i32>} : memref<128x128xf32, #tpu.memory_space<vmem>>, vector<1x16xf32>,
      %swap3A_241 = arith.index_cast %scan3A_230 : i32 to index
      %swap3A_242 = arith.constant 32 : index
      %swap3A_243 = tpu.vector_load %arg8[%swap3A_241, %swap3A_242] {strides = array<i32>} : memref<128x128xf32, #tpu.memory_space<vmem>>, vector<1x16xf32>,
      %swap3A_244 = vector.shape_cast %swap3A_243 : vector<1x16xf32> to vector<16xf32>
      %swap3A_245 = vector.shape_cast %broadcast_in_dim3A_1 : vector<16xf32> to vector<1x16xf32>
      tpu.vector_store %arg8[%swap3A_241, %swap3A_242], %swap3A_245 {strides = array<i32>} : memref<128x128xf32, #tpu.memory_space<vmem>>, vector<1x16xf32>,
      %swap3A_246 = arith.index_cast %scan3A_230 : i32 to index
      %swap3A_247 = arith.constant 48 : index
      %swap3A_248 = tpu.vector_load %arg8[%swap3A_246, %swap3A_247] {strides = array<i32>} : memref<128x128xf32, #tpu.memory_space<vmem>>, vector<1x16xf32>,
      %swap3A_249 = vector.shape_cast %swap3A_248 : vector<1x16xf32> to vector<16xf32>
      %swap3A_250 = vector.shape_cast %broadcast_in_dim3A_1 : vector<16xf32> to vector<1x16xf32>
      tpu.vector_store %arg8[%swap3A_246, %swap3A_247], %swap3A_250 {strides = array<i32>} : memref<128x128xf32, #tpu.memory_space<vmem>>, vector<1x16xf32>,
      %swap3A_251 = arith.index_cast %scan3A_230 : i32 to index
      %swap3A_252 = arith.constant 64 : index
      %swap3A_253 = tpu.vector_load %arg8[%swap3A_251, %swap3A_252] {strides = array<i32>} : memref<128x128xf32, #tpu.memory_space<vmem>>, vector<1x16xf32>,
      %swap3A_254 = vector.shape_cast %swap3A_253 : vector<1x16xf32> to vector<16xf32>
      %swap3A_255 = vector.shape_cast %broadcast_in_dim3A_1 : vector<16xf32> to vector<1x16xf32>
      tpu.vector_store %arg8[%swap3A_251, %swap3A_252], %swap3A_255 {strides = array<i32>} : memref<128x128xf32, #tpu.memory_space<vmem>>, vector<1x16xf32>,
      %swap3A_256 = arith.index_cast %scan3A_230 : i32 to index
      %swap3A_257 = arith.constant 80 : index
      %swap3A_258 = tpu.vector_load %arg8[%swap3A_256, %swap3A_257] {strides = array<i32>} : memref<128x128xf32, #tpu.memory_space<vmem>>, vector<1x16xf32>,
      %swap3A_259 = vector.shape_cast %swap3A_258 : vector<1x16xf32> to vector<16xf32>
      %swap3A_260 = vector.shape_cast %broadcast_in_dim3A_1 : vector<16xf32> to vector<1x16xf32>
      tpu.vector_store %arg8[%swap3A_256, %swap3A_257], %swap3A_260 {strides = array<i32>} : memref<128x128xf32, #tpu.memory_space<vmem>>, vector<1x16xf32>,
      %swap3A_261 = arith.index_cast %scan3A_230 : i32 to index
      %swap3A_262 = arith.constant 96 : index
      %swap3A_263 = tpu.vector_load %arg8[%swap3A_261, %swap3A_262] {strides = array<i32>} : memref<128x128xf32, #tpu.memory_space<vmem>>, vector<1x16xf32>,
      %swap3A_264 = vector.shape_cast %swap3A_263 : vector<1x16xf32> to vector<16xf32>
      %swap3A_265 = vector.shape_cast %broadcast_in_dim3A_1 : vector<16xf32> to vector<1x16xf32>
      tpu.vector_store %arg8[%swap3A_261, %swap3A_262], %swap3A_265 {strides = array<i32>} : memref<128x128xf32, #tpu.memory_space<vmem>>, vector<1x16xf32>,
      %swap3A_266 = arith.index_cast %scan3A_230 : i32 to index
      %swap3A_267 = arith.constant 112 : index
      %swap3A_268 = tpu.vector_load %arg8[%swap3A_266, %swap3A_267] {strides = array<i32>} : memref<128x128xf32, #tpu.memory_space<vmem>>, vector<1x16xf32>,
      %swap3A_269 = vector.shape_cast %swap3A_268 : vector<1x16xf32> to vector<16xf32>
      %swap3A_270 = vector.shape_cast %broadcast_in_dim3A_1 : vector<16xf32> to vector<1x16xf32>
      tpu.vector_store %arg8[%swap3A_266, %swap3A_267], %swap3A_270 {strides = array<i32>} : memref<128x128xf32, #tpu.memory_space<vmem>>, vector<1x16xf32>,
    }
    %scan3A_6 = arith.constant 128 : i32
    %mul3A_7 = arith.constant 640 : i32
    %mul3A_8 = arith.muli %arg1, %mul3A_7 : i32
    %add3A_9 = arith.constant 0 : i32
    %add3A_10 = arith.addi %mul3A_8, %add3A_9 : i32
    "tpu.region"() ({
      %run_scoped3A_230 = tpu.sem_alloc : memref<!tpu.dma_semaphore, #tpu.memory_space<semaphore_mem>>
      %dma_start3A_231 = arith.constant 0 : i32
      %dma_start3A_232 = tpu.memref_slice %arg10[%add3A_10, %dma_start3A_231] : memref<10240x128xf32, #tpu.memory_space<vmem_shared>> -> memref<128x128xf32, #tpu.memory_space<vmem_shared>>
      %dma_start3A_233 = arith.constant 0 : i32
      %dma_start3A_234 = tpu.memref_slice %arg10[%add3A_10, %dma_start3A_233] : memref<10240x128xf32, #tpu.memory_space<vmem_shared>> -> memref<128x128xf32, #tpu.memory_space<vmem_shared>>
      tpu.enqueue_dma source(%arg8 : memref<128x128xf32, #tpu.memory_space<vmem>>) target(%dma_start3A_234 : memref<128x128xf32, #tpu.memory_space<vmem_shared>>) target_semaphore(%run_scoped3A_230 : memref<!tpu.dma_semaphore, #tpu.memory_space<semaphore_mem>>)
      %dma_wait3A_235 = arith.constant 0 : i32
      %dma_wait3A_236 = tpu.memref_slice %arg10[%add3A_10, %dma_wait3A_235] : memref<10240x128xf32, #tpu.memory_space<vmem_shared>> -> memref<128x128xf32, #tpu.memory_space<vmem_shared>>
      %dma_wait3A_237 = arith.constant 0 : i32
      %dma_wait3A_238 = tpu.memref_slice %arg10[%add3A_10, %dma_wait3A_237] : memref<10240x128xf32, #tpu.memory_space<vmem_shared>> -> memref<128x128xf32, #tpu.memory_space<vmem_shared>>
      tpu.wait_dma2 semaphore(%run_scoped3A_230 : memref<!tpu.dma_semaphore, #tpu.memory_space<semaphore_mem>>) src(%arg8 : memref<128x128xf32, #tpu.memory_space<vmem>>) dst(%dma_wait3A_238 : memref<128x128xf32, #tpu.memory_space<vmem_shared>>)
      tpu.yield
    }) : () -> ()
    %mul3A_11 = arith.constant 640 : i32
    %mul3A_12 = arith.muli %arg1, %mul3A_11 : i32
    %add3A_13 = arith.constant 128 : i32
    %add3A_14 = arith.addi %mul3A_12, %add3A_13 : i32
    "tpu.region"() ({
      %run_scoped3A_230 = tpu.sem_alloc : memref<!tpu.dma_semaphore, #tpu.memory_space<semaphore_mem>>
      %dma_start3A_231 = arith.constant 0 : i32
      %dma_start3A_232 = tpu.memref_slice %arg10[%add3A_14, %dma_start3A_231] : memref<10240x128xf32, #tpu.memory_space<vmem_shared>> -> memref<128x128xf32, #tpu.memory_space<vmem_shared>>
      %dma_start3A_233 = arith.constant 0 : i32
      %dma_start3A_234 = tpu.memref_slice %arg10[%add3A_14, %dma_start3A_233] : memref<10240x128xf32, #tpu.memory_space<vmem_shared>> -> memref<128x128xf32, #tpu.memory_space<vmem_shared>>
      tpu.enqueue_dma source(%arg8 : memref<128x128xf32, #tpu.memory_space<vmem>>) target(%dma_start3A_234 : memref<128x128xf32, #tpu.memory_space<vmem_shared>>) target_semaphore(%run_scoped3A_230 : memref<!tpu.dma_semaphore, #tpu.memory_space<semaphore_mem>>)
      %dma_wait3A_235 = arith.constant 0 : i32
      %dma_wait3A_236 = tpu.memref_slice %arg10[%add3A_14, %dma_wait3A_235] : memref<10240x128xf32, #tpu.memory_space<vmem_shared>> -> memref<128x128xf32, #tpu.memory_space<vmem_shared>>
      %dma_wait3A_237 = arith.constant 0 : i32
      %dma_wait3A_238 = tpu.memref_slice %arg10[%add3A_14, %dma_wait3A_237] : memref<10240x128xf32, #tpu.memory_space<vmem_shared>> -> memref<128x128xf32, #tpu.memory_space<vmem_shared>>
      tpu.wait_dma2 semaphore(%run_scoped3A_230 : memref<!tpu.dma_semaphore, #tpu.memory_space<semaphore_mem>>) src(%arg8 : memref<128x128xf32, #tpu.memory_space<vmem>>) dst(%dma_wait3A_238 : memref<128x128xf32, #tpu.memory_space<vmem_shared>>)
      tpu.yield
    }) : () -> ()
    %mul3A_15 = arith.constant 640 : i32
    %mul3A_16 = arith.muli %arg1, %mul3A_15 : i32
    %add3A_17 = arith.constant 256 : i32
    %add3A_18 = arith.addi %mul3A_16, %add3A_17 : i32
    "tpu.region"() ({
      %run_scoped3A_230 = tpu.sem_alloc : memref<!tpu.dma_semaphore, #tpu.memory_space<semaphore_mem>>
      %dma_start3A_231 = arith.constant 0 : i32
      %dma_start3A_232 = tpu.memref_slice %arg10[%add3A_18, %dma_start3A_231] : memref<10240x128xf32, #tpu.memory_space<vmem_shared>> -> memref<128x128xf32, #tpu.memory_space<vmem_shared>>
      %dma_start3A_233 = arith.constant 0 : i32
      %dma_start3A_234 = tpu.memref_slice %arg10[%add3A_18, %dma_start3A_233] : memref<10240x128xf32, #tpu.memory_space<vmem_shared>> -> memref<128x128xf32, #tpu.memory_space<vmem_shared>>
      tpu.enqueue_dma source(%arg8 : memref<128x128xf32, #tpu.memory_space<vmem>>) target(%dma_start3A_234 : memref<128x128xf32, #tpu.memory_space<vmem_shared>>) target_semaphore(%run_scoped3A_230 : memref<!tpu.dma_semaphore, #tpu.memory_space<semaphore_mem>>)
      %dma_wait3A_235 = arith.constant 0 : i32
      %dma_wait3A_236 = tpu.memref_slice %arg10[%add3A_18, %dma_wait3A_235] : memref<10240x128xf32, #tpu.memory_space<vmem_shared>> -> memref<128x128xf32, #tpu.memory_space<vmem_shared>>
      %dma_wait3A_237 = arith.constant 0 : i32
      %dma_wait3A_238 = tpu.memref_slice %arg10[%add3A_18, %dma_wait3A_237] : memref<10240x128xf32, #tpu.memory_space<vmem_shared>> -> memref<128x128xf32, #tpu.memory_space<vmem_shared>>
      tpu.wait_dma2 semaphore(%run_scoped3A_230 : memref<!tpu.dma_semaphore, #tpu.memory_space<semaphore_mem>>) src(%arg8 : memref<128x128xf32, #tpu.memory_space<vmem>>) dst(%dma_wait3A_238 : memref<128x128xf32, #tpu.memory_space<vmem_shared>>)
      tpu.yield
    }) : () -> ()
    %mul3A_19 = arith.constant 640 : i32
    %mul3A_20 = arith.muli %arg1, %mul3A_19 : i32
    %add3A_21 = arith.constant 384 : i32
    %add3A_22 = arith.addi %mul3A_20, %add3A_21 : i32
    "tpu.region"() ({
      %run_scoped3A_230 = tpu.sem_alloc : memref<!tpu.dma_semaphore, #tpu.memory_space<semaphore_mem>>
      %dma_start3A_231 = arith.constant 0 : i32
      %dma_start3A_232 = tpu.memref_slice %arg10[%add3A_22, %dma_start3A_231] : memref<10240x128xf32, #tpu.memory_space<vmem_shared>> -> memref<128x128xf32, #tpu.memory_space<vmem_shared>>
      %dma_start3A_233 = arith.constant 0 : i32
      %dma_start3A_234 = tpu.memref_slice %arg10[%add3A_22, %dma_start3A_233] : memref<10240x128xf32, #tpu.memory_space<vmem_shared>> -> memref<128x128xf32, #tpu.memory_space<vmem_shared>>
      tpu.enqueue_dma source(%arg8 : memref<128x128xf32, #tpu.memory_space<vmem>>) target(%dma_start3A_234 : memref<128x128xf32, #tpu.memory_space<vmem_shared>>) target_semaphore(%run_scoped3A_230 : memref<!tpu.dma_semaphore, #tpu.memory_space<semaphore_mem>>)
      %dma_wait3A_235 = arith.constant 0 : i32
      %dma_wait3A_236 = tpu.memref_slice %arg10[%add3A_22, %dma_wait3A_235] : memref<10240x128xf32, #tpu.memory_space<vmem_shared>> -> memref<128x128xf32, #tpu.memory_space<vmem_shared>>
      %dma_wait3A_237 = arith.constant 0 : i32
      %dma_wait3A_238 = tpu.memref_slice %arg10[%add3A_22, %dma_wait3A_237] : memref<10240x128xf32, #tpu.memory_space<vmem_shared>> -> memref<128x128xf32, #tpu.memory_space<vmem_shared>>
      tpu.wait_dma2 semaphore(%run_scoped3A_230 : memref<!tpu.dma_semaphore, #tpu.memory_space<semaphore_mem>>) src(%arg8 : memref<128x128xf32, #tpu.memory_space<vmem>>) dst(%dma_wait3A_238 : memref<128x128xf32, #tpu.memory_space<vmem_shared>>)
      tpu.yield
    }) : () -> ()
    %mul3A_23 = arith.constant 640 : i32
    %mul3A_24 = arith.muli %arg1, %mul3A_23 : i32
    %add3A_25 = arith.constant 512 : i32
    %add3A_26 = arith.addi %mul3A_24, %add3A_25 : i32
    "tpu.region"() ({
      %run_scoped3A_230 = tpu.sem_alloc : memref<!tpu.dma_semaphore, #tpu.memory_space<semaphore_mem>>
      %dma_start3A_231 = arith.constant 0 : i32
      %dma_start3A_232 = tpu.memref_slice %arg10[%add3A_26, %dma_start3A_231] : memref<10240x128xf32, #tpu.memory_space<vmem_shared>> -> memref<128x128xf32, #tpu.memory_space<vmem_shared>>
      %dma_start3A_233 = arith.constant 0 : i32
      %dma_start3A_234 = tpu.memref_slice %arg10[%add3A_26, %dma_start3A_233] : memref<10240x128xf32, #tpu.memory_space<vmem_shared>> -> memref<128x128xf32, #tpu.memory_space<vmem_shared>>
      tpu.enqueue_dma source(%arg8 : memref<128x128xf32, #tpu.memory_space<vmem>>) target(%dma_start3A_234 : memref<128x128xf32, #tpu.memory_space<vmem_shared>>) target_semaphore(%run_scoped3A_230 : memref<!tpu.dma_semaphore, #tpu.memory_space<semaphore_mem>>)
      %dma_wait3A_235 = arith.constant 0 : i32
      %dma_wait3A_236 = tpu.memref_slice %arg10[%add3A_26, %dma_wait3A_235] : memref<10240x128xf32, #tpu.memory_space<vmem_shared>> -> memref<128x128xf32, #tpu.memory_space<vmem_shared>>
      %dma_wait3A_237 = arith.constant 0 : i32
      %dma_wait3A_238 = tpu.memref_slice %arg10[%add3A_26, %dma_wait3A_237] : memref<10240x128xf32, #tpu.memory_space<vmem_shared>> -> memref<128x128xf32, #tpu.memory_space<vmem_shared>>
      tpu.wait_dma2 semaphore(%run_scoped3A_230 : memref<!tpu.dma_semaphore, #tpu.memory_space<semaphore_mem>>) src(%arg8 : memref<128x128xf32, #tpu.memory_space<vmem>>) dst(%dma_wait3A_238 : memref<128x128xf32, #tpu.memory_space<vmem_shared>>)
      tpu.yield
    }) : () -> ()
    %barrier3A = arith.constant 0 : index
    tpu.barrier barrier_id(%barrier3A)
    %get3A = arith.constant 0 : i32
    %get3A_27 = arith.index_cast %get3A : i32 to index
    %get3A_28 = arith.constant 0 : index
    %get3A_29 = tpu.vector_load %arg5[%get3A_27, %get3A_28] {strides = array<i32>} : memref<79x128xi32, #tpu.memory_space<vmem>>, vector<1x16xi32>,
    %get3A_30 = vector.shape_cast %get3A_29 : vector<1x16xi32> to vector<16xi32>
    %and3A = arith.constant 65535 : i32
    %and3A_31 = vector.broadcast %and3A : i32 to vector<16xi32>
    %and3A_32 = arith.andi %get3A_30, %and3A_31 : vector<16xi32>
    %swap3A = arith.constant 0 : i32
    %swap3A_33 = arith.index_cast %swap3A : i32 to index
    %swap3A_34 = arith.constant 0 : index
    %swap3A_35 = tpu.vector_load %arg6[%swap3A_33, %swap3A_34] {strides = array<i32>} : memref<2x128xi32, #tpu.memory_space<vmem>>, vector<1x16xi32>,
    %swap3A_36 = vector.shape_cast %swap3A_35 : vector<1x16xi32> to vector<16xi32>
    %swap3A_37 = vector.shape_cast %and3A_32 : vector<16xi32> to vector<1x16xi32>
    tpu.vector_store %arg6[%swap3A_33, %swap3A_34], %swap3A_37 {strides = array<i32>} : memref<2x128xi32, #tpu.memory_space<vmem>>, vector<1x16xi32>,
    %shift_right_arithmetic3A = arith.constant 16 : i32
    %shift_right_arithmetic3A_38 = vector.broadcast %shift_right_arithmetic3A : i32 to vector<16xi32>
    %shift_right_arithmetic3A_39 = arith.shrsi %get3A_30, %shift_right_arithmetic3A_38 : vector<16xi32>
    %swap3A_40 = arith.constant 0 : i32
    %swap3A_41 = arith.index_cast %swap3A_40 : i32 to index
    %swap3A_42 = arith.constant 0 : index
    %swap3A_43 = tpu.vector_load %arg7[%swap3A_41, %swap3A_42] {strides = array<i32>} : memref<2x128xi32, #tpu.memory_space<vmem>>, vector<1x16xi32>,
    %swap3A_44 = vector.shape_cast %swap3A_43 : vector<1x16xi32> to vector<16xi32>
    %swap3A_45 = vector.shape_cast %shift_right_arithmetic3A_39 : vector<16xi32> to vector<1x16xi32>
    tpu.vector_store %arg7[%swap3A_41, %swap3A_42], %swap3A_45 {strides = array<i32>} : memref<2x128xi32, #tpu.memory_space<vmem>>, vector<1x16xi32>,
    %get3A_46 = arith.constant 0 : i32
    %get3A_47 = arith.index_cast %get3A_46 : i32 to index
    %get3A_48 = arith.constant 16 : index
    %get3A_49 = tpu.vector_load %arg5[%get3A_47, %get3A_48] {strides = array<i32>} : memref<79x128xi32, #tpu.memory_space<vmem>>, vector<1x16xi32>,
    %get3A_50 = vector.shape_cast %get3A_49 : vector<1x16xi32> to vector<16xi32>
    %and3A_51 = arith.constant 65535 : i32
    %and3A_52 = vector.broadcast %and3A_51 : i32 to vector<16xi32>
    %and3A_53 = arith.andi %get3A_50, %and3A_52 : vector<16xi32>
    %swap3A_54 = arith.constant 0 : i32
    %swap3A_55 = arith.index_cast %swap3A_54 : i32 to index
    %swap3A_56 = arith.constant 16 : index
    %swap3A_57 = tpu.vector_load %arg6[%swap3A_55, %swap3A_56] {strides = array<i32>} : memref<2x128xi32, #tpu.memory_space<vmem>>, vector<1x16xi32>,
    %swap3A_58 = vector.shape_cast %swap3A_57 : vector<1x16xi32> to vector<16xi32>
    %swap3A_59 = vector.shape_cast %and3A_53 : vector<16xi32> to vector<1x16xi32>
    tpu.vector_store %arg6[%swap3A_55, %swap3A_56], %swap3A_59 {strides = array<i32>} : memref<2x128xi32, #tpu.memory_space<vmem>>, vector<1x16xi32>,
    %shift_right_arithmetic3A_60 = arith.constant 16 : i32
    %shift_right_arithmetic3A_61 = vector.broadcast %shift_right_arithmetic3A_60 : i32 to vector<16xi32>
    %shift_right_arithmetic3A_62 = arith.shrsi %get3A_50, %shift_right_arithmetic3A_61 : vector<16xi32>
    %swap3A_63 = arith.constant 0 : i32
    %swap3A_64 = arith.index_cast %swap3A_63 : i32 to index
    %swap3A_65 = arith.constant 16 : index
    %swap3A_66 = tpu.vector_load %arg7[%swap3A_64, %swap3A_65] {strides = array<i32>} : memref<2x128xi32, #tpu.memory_space<vmem>>, vector<1x16xi32>,
    %swap3A_67 = vector.shape_cast %swap3A_66 : vector<1x16xi32> to vector<16xi32>
    %swap3A_68 = vector.shape_cast %shift_right_arithmetic3A_62 : vector<16xi32> to vector<1x16xi32>
    tpu.vector_store %arg7[%swap3A_64, %swap3A_65], %swap3A_68 {strides = array<i32>} : memref<2x128xi32, #tpu.memory_space<vmem>>, vector<1x16xi32>,
    %get3A_69 = arith.constant 0 : i32
    %get3A_70 = arith.index_cast %get3A_69 : i32 to index
    %get3A_71 = arith.constant 32 : index
    %get3A_72 = tpu.vector_load %arg5[%get3A_70, %get3A_71] {strides = array<i32>} : memref<79x128xi32, #tpu.memory_space<vmem>>, vector<1x16xi32>,
    %get3A_73 = vector.shape_cast %get3A_72 : vector<1x16xi32> to vector<16xi32>
    %and3A_74 = arith.constant 65535 : i32
    %and3A_75 = vector.broadcast %and3A_74 : i32 to vector<16xi32>
    %and3A_76 = arith.andi %get3A_73, %and3A_75 : vector<16xi32>
    %swap3A_77 = arith.constant 0 : i32
    %swap3A_78 = arith.index_cast %swap3A_77 : i32 to index
    %swap3A_79 = arith.constant 32 : index
    %swap3A_80 = tpu.vector_load %arg6[%swap3A_78, %swap3A_79] {strides = array<i32>} : memref<2x128xi32, #tpu.memory_space<vmem>>, vector<1x16xi32>,
    %swap3A_81 = vector.shape_cast %swap3A_80 : vector<1x16xi32> to vector<16xi32>
    %swap3A_82 = vector.shape_cast %and3A_76 : vector<16xi32> to vector<1x16xi32>
    tpu.vector_store %arg6[%swap3A_78, %swap3A_79], %swap3A_82 {strides = array<i32>} : memref<2x128xi32, #tpu.memory_space<vmem>>, vector<1x16xi32>,
    %shift_right_arithmetic3A_83 = arith.constant 16 : i32
    %shift_right_arithmetic3A_84 = vector.broadcast %shift_right_arithmetic3A_83 : i32 to vector<16xi32>
    %shift_right_arithmetic3A_85 = arith.shrsi %get3A_73, %shift_right_arithmetic3A_84 : vector<16xi32>
    %swap3A_86 = arith.constant 0 : i32
    %swap3A_87 = arith.index_cast %swap3A_86 : i32 to index
    %swap3A_88 = arith.constant 32 : index
    %swap3A_89 = tpu.vector_load %arg7[%swap3A_87, %swap3A_88] {strides = array<i32>} : memref<2x128xi32, #tpu.memory_space<vmem>>, vector<1x16xi32>,
    %swap3A_90 = vector.shape_cast %swap3A_89 : vector<1x16xi32> to vector<16xi32>
    %swap3A_91 = vector.shape_cast %shift_right_arithmetic3A_85 : vector<16xi32> to vector<1x16xi32>
    tpu.vector_store %arg7[%swap3A_87, %swap3A_88], %swap3A_91 {strides = array<i32>} : memref<2x128xi32, #tpu.memory_space<vmem>>, vector<1x16xi32>,
    %get3A_92 = arith.constant 0 : i32
    %get3A_93 = arith.index_cast %get3A_92 : i32 to index
    %get3A_94 = arith.constant 48 : index
    %get3A_95 = tpu.vector_load %arg5[%get3A_93, %get3A_94] {strides = array<i32>} : memref<79x128xi32, #tpu.memory_space<vmem>>, vector<1x16xi32>,
    %get3A_96 = vector.shape_cast %get3A_95 : vector<1x16xi32> to vector<16xi32>
    %and3A_97 = arith.constant 65535 : i32
    %and3A_98 = vector.broadcast %and3A_97 : i32 to vector<16xi32>
    %and3A_99 = arith.andi %get3A_96, %and3A_98 : vector<16xi32>
    %swap3A_100 = arith.constant 0 : i32
    %swap3A_101 = arith.index_cast %swap3A_100 : i32 to index
    %swap3A_102 = arith.constant 48 : index
    %swap3A_103 = tpu.vector_load %arg6[%swap3A_101, %swap3A_102] {strides = array<i32>} : memref<2x128xi32, #tpu.memory_space<vmem>>, vector<1x16xi32>,
    %swap3A_104 = vector.shape_cast %swap3A_103 : vector<1x16xi32> to vector<16xi32>
    %swap3A_105 = vector.shape_cast %and3A_99 : vector<16xi32> to vector<1x16xi32>
    tpu.vector_store %arg6[%swap3A_101, %swap3A_102], %swap3A_105 {strides = array<i32>} : memref<2x128xi32, #tpu.memory_space<vmem>>, vector<1x16xi32>,
    %shift_right_arithmetic3A_106 = arith.constant 16 : i32
    %shift_right_arithmetic3A_107 = vector.broadcast %shift_right_arithmetic3A_106 : i32 to vector<16xi32>
    %shift_right_arithmetic3A_108 = arith.shrsi %get3A_96, %shift_right_arithmetic3A_107 : vector<16xi32>
    %swap3A_109 = arith.constant 0 : i32
    %swap3A_110 = arith.index_cast %swap3A_109 : i32 to index
    %swap3A_111 = arith.constant 48 : index
    %swap3A_112 = tpu.vector_load %arg7[%swap3A_110, %swap3A_111] {strides = array<i32>} : memref<2x128xi32, #tpu.memory_space<vmem>>, vector<1x16xi32>,
    %swap3A_113 = vector.shape_cast %swap3A_112 : vector<1x16xi32> to vector<16xi32>
    %swap3A_114 = vector.shape_cast %shift_right_arithmetic3A_108 : vector<16xi32> to vector<1x16xi32>
    tpu.vector_store %arg7[%swap3A_110, %swap3A_111], %swap3A_114 {strides = array<i32>} : memref<2x128xi32, #tpu.memory_space<vmem>>, vector<1x16xi32>,
    %get3A_115 = arith.constant 0 : i32
    %get3A_116 = arith.index_cast %get3A_115 : i32 to index
    %get3A_117 = arith.constant 64 : index
    %get3A_118 = tpu.vector_load %arg5[%get3A_116, %get3A_117] {strides = array<i32>} : memref<79x128xi32, #tpu.memory_space<vmem>>, vector<1x16xi32>,
    %get3A_119 = vector.shape_cast %get3A_118 : vector<1x16xi32> to vector<16xi32>
    %and3A_120 = arith.constant 65535 : i32
    %and3A_121 = vector.broadcast %and3A_120 : i32 to vector<16xi32>
    %and3A_122 = arith.andi %get3A_119, %and3A_121 : vector<16xi32>
    %swap3A_123 = arith.constant 0 : i32
    %swap3A_124 = arith.index_cast %swap3A_123 : i32 to index
    %swap3A_125 = arith.constant 64 : index
    %swap3A_126 = tpu.vector_load %arg6[%swap3A_124, %swap3A_125] {strides = array<i32>} : memref<2x128xi32, #tpu.memory_space<vmem>>, vector<1x16xi32>,
    %swap3A_127 = vector.shape_cast %swap3A_126 : vector<1x16xi32> to vector<16xi32>
    %swap3A_128 = vector.shape_cast %and3A_122 : vector<16xi32> to vector<1x16xi32>
    tpu.vector_store %arg6[%swap3A_124, %swap3A_125], %swap3A_128 {strides = array<i32>} : memref<2x128xi32, #tpu.memory_space<vmem>>, vector<1x16xi32>,
    %shift_right_arithmetic3A_129 = arith.constant 16 : i32
    %shift_right_arithmetic3A_130 = vector.broadcast %shift_right_arithmetic3A_129 : i32 to vector<16xi32>
    %shift_right_arithmetic3A_131 = arith.shrsi %get3A_119, %shift_right_arithmetic3A_130 : vector<16xi32>
    %swap3A_132 = arith.constant 0 : i32
    %swap3A_133 = arith.index_cast %swap3A_132 : i32 to index
    %swap3A_134 = arith.constant 64 : index
    %swap3A_135 = tpu.vector_load %arg7[%swap3A_133, %swap3A_134] {strides = array<i32>} : memref<2x128xi32, #tpu.memory_space<vmem>>, vector<1x16xi32>,
    %swap3A_136 = vector.shape_cast %swap3A_135 : vector<1x16xi32> to vector<16xi32>
    %swap3A_137 = vector.shape_cast %shift_right_arithmetic3A_131 : vector<16xi32> to vector<1x16xi32>
    tpu.vector_store %arg7[%swap3A_133, %swap3A_134], %swap3A_137 {strides = array<i32>} : memref<2x128xi32, #tpu.memory_space<vmem>>, vector<1x16xi32>,
    %get3A_138 = arith.constant 0 : i32
    %get3A_139 = arith.index_cast %get3A_138 : i32 to index
    %get3A_140 = arith.constant 80 : index
    %get3A_141 = tpu.vector_load %arg5[%get3A_139, %get3A_140] {strides = array<i32>} : memref<79x128xi32, #tpu.memory_space<vmem>>, vector<1x16xi32>,
    %get3A_142 = vector.shape_cast %get3A_141 : vector<1x16xi32> to vector<16xi32>
    %and3A_143 = arith.constant 65535 : i32
    %and3A_144 = vector.broadcast %and3A_143 : i32 to vector<16xi32>
    %and3A_145 = arith.andi %get3A_142, %and3A_144 : vector<16xi32>
    %swap3A_146 = arith.constant 0 : i32
    %swap3A_147 = arith.index_cast %swap3A_146 : i32 to index
    %swap3A_148 = arith.constant 80 : index
    %swap3A_149 = tpu.vector_load %arg6[%swap3A_147, %swap3A_148] {strides = array<i32>} : memref<2x128xi32, #tpu.memory_space<vmem>>, vector<1x16xi32>,
    %swap3A_150 = vector.shape_cast %swap3A_149 : vector<1x16xi32> to vector<16xi32>
    %swap3A_151 = vector.shape_cast %and3A_145 : vector<16xi32> to vector<1x16xi32>
    tpu.vector_store %arg6[%swap3A_147, %swap3A_148], %swap3A_151 {strides = array<i32>} : memref<2x128xi32, #tpu.memory_space<vmem>>, vector<1x16xi32>,
    %shift_right_arithmetic3A_152 = arith.constant 16 : i32
    %shift_right_arithmetic3A_153 = vector.broadcast %shift_right_arithmetic3A_152 : i32 to vector<16xi32>
    %shift_right_arithmetic3A_154 = arith.shrsi %get3A_142, %shift_right_arithmetic3A_153 : vector<16xi32>
    %swap3A_155 = arith.constant 0 : i32
    %swap3A_156 = arith.index_cast %swap3A_155 : i32 to index
    %swap3A_157 = arith.constant 80 : index
    %swap3A_158 = tpu.vector_load %arg7[%swap3A_156, %swap3A_157] {strides = array<i32>} : memref<2x128xi32, #tpu.memory_space<vmem>>, vector<1x16xi32>,
    %swap3A_159 = vector.shape_cast %swap3A_158 : vector<1x16xi32> to vector<16xi32>
    %swap3A_160 = vector.shape_cast %shift_right_arithmetic3A_154 : vector<16xi32> to vector<1x16xi32>
    tpu.vector_store %arg7[%swap3A_156, %swap3A_157], %swap3A_160 {strides = array<i32>} : memref<2x128xi32, #tpu.memory_space<vmem>>, vector<1x16xi32>,
    %get3A_161 = arith.constant 0 : i32
    %get3A_162 = arith.index_cast %get3A_161 : i32 to index
    %get3A_163 = arith.constant 96 : index
    %get3A_164 = tpu.vector_load %arg5[%get3A_162, %get3A_163] {strides = array<i32>} : memref<79x128xi32, #tpu.memory_space<vmem>>, vector<1x16xi32>,
    %get3A_165 = vector.shape_cast %get3A_164 : vector<1x16xi32> to vector<16xi32>
    %and3A_166 = arith.constant 65535 : i32
    %and3A_167 = vector.broadcast %and3A_166 : i32 to vector<16xi32>
    %and3A_168 = arith.andi %get3A_165, %and3A_167 : vector<16xi32>
    %swap3A_169 = arith.constant 0 : i32
    %swap3A_170 = arith.index_cast %swap3A_169 : i32 to index
    %swap3A_171 = arith.constant 96 : index
    %swap3A_172 = tpu.vector_load %arg6[%swap3A_170, %swap3A_171] {strides = array<i32>} : memref<2x128xi32, #tpu.memory_space<vmem>>, vector<1x16xi32>,
    %swap3A_173 = vector.shape_cast %swap3A_172 : vector<1x16xi32> to vector<16xi32>
    %swap3A_174 = vector.shape_cast %and3A_168 : vector<16xi32> to vector<1x16xi32>
    tpu.vector_store %arg6[%swap3A_170, %swap3A_171], %swap3A_174 {strides = array<i32>} : memref<2x128xi32, #tpu.memory_space<vmem>>, vector<1x16xi32>,
    %shift_right_arithmetic3A_175 = arith.constant 16 : i32
    %shift_right_arithmetic3A_176 = vector.broadcast %shift_right_arithmetic3A_175 : i32 to vector<16xi32>
    %shift_right_arithmetic3A_177 = arith.shrsi %get3A_165, %shift_right_arithmetic3A_176 : vector<16xi32>
    %swap3A_178 = arith.constant 0 : i32
    %swap3A_179 = arith.index_cast %swap3A_178 : i32 to index
    %swap3A_180 = arith.constant 96 : index
    %swap3A_181 = tpu.vector_load %arg7[%swap3A_179, %swap3A_180] {strides = array<i32>} : memref<2x128xi32, #tpu.memory_space<vmem>>, vector<1x16xi32>,
    %swap3A_182 = vector.shape_cast %swap3A_181 : vector<1x16xi32> to vector<16xi32>
    %swap3A_183 = vector.shape_cast %shift_right_arithmetic3A_177 : vector<16xi32> to vector<1x16xi32>
    tpu.vector_store %arg7[%swap3A_179, %swap3A_180], %swap3A_183 {strides = array<i32>} : memref<2x128xi32, #tpu.memory_space<vmem>>, vector<1x16xi32>,
    %get3A_184 = arith.constant 0 : i32
    %get3A_185 = arith.index_cast %get3A_184 : i32 to index
    %get3A_186 = arith.constant 112 : index
    %get3A_187 = tpu.vector_load %arg5[%get3A_185, %get3A_186] {strides = array<i32>} : memref<79x128xi32, #tpu.memory_space<vmem>>, vector<1x16xi32>,
    %get3A_188 = vector.shape_cast %get3A_187 : vector<1x16xi32> to vector<16xi32>
    %and3A_189 = arith.constant 65535 : i32
    %and3A_190 = vector.broadcast %and3A_189 : i32 to vector<16xi32>
    %and3A_191 = arith.andi %get3A_188, %and3A_190 : vector<16xi32>
    %swap3A_192 = arith.constant 0 : i32
    %swap3A_193 = arith.index_cast %swap3A_192 : i32 to index
    %swap3A_194 = arith.constant 112 : index
    %swap3A_195 = tpu.vector_load %arg6[%swap3A_193, %swap3A_194] {strides = array<i32>} : memref<2x128xi32, #tpu.memory_space<vmem>>, vector<1x16xi32>,
    %swap3A_196 = vector.shape_cast %swap3A_195 : vector<1x16xi32> to vector<16xi32>
    %swap3A_197 = vector.shape_cast %and3A_191 : vector<16xi32> to vector<1x16xi32>
    tpu.vector_store %arg6[%swap3A_193, %swap3A_194], %swap3A_197 {strides = array<i32>} : memref<2x128xi32, #tpu.memory_space<vmem>>, vector<1x16xi32>,
    %shift_right_arithmetic3A_198 = arith.constant 16 : i32
    %shift_right_arithmetic3A_199 = vector.broadcast %shift_right_arithmetic3A_198 : i32 to vector<16xi32>
    %shift_right_arithmetic3A_200 = arith.shrsi %get3A_188, %shift_right_arithmetic3A_199 : vector<16xi32>
    %swap3A_201 = arith.constant 0 : i32
    %swap3A_202 = arith.index_cast %swap3A_201 : i32 to index
    %swap3A_203 = arith.constant 112 : index
    %swap3A_204 = tpu.vector_load %arg7[%swap3A_202, %swap3A_203] {strides = array<i32>} : memref<2x128xi32, #tpu.memory_space<vmem>>, vector<1x16xi32>,
    %swap3A_205 = vector.shape_cast %swap3A_204 : vector<1x16xi32> to vector<16xi32>
    %swap3A_206 = vector.shape_cast %shift_right_arithmetic3A_200 : vector<16xi32> to vector<1x16xi32>
    tpu.vector_store %arg7[%swap3A_202, %swap3A_203], %swap3A_206 {strides = array<i32>} : memref<2x128xi32, #tpu.memory_space<vmem>>, vector<1x16xi32>,
    %dma_start3A = arith.constant 0 : i32
    %dma_start3A_207 = arith.constant 0 : i32
    %dma_start3A_208 = tpu.memref_slice %arg6[%dma_start3A, %dma_start3A_207] : memref<2x128xi32, #tpu.memory_space<vmem>> -> memref<1x128xi32, #tpu.memory_space<vmem>>
    %dma_start3A_209 = tpu.memref_squeeze %dma_start3A_208 : memref<1x128xi32, #tpu.memory_space<vmem>> -> memref<128xi32, #tpu.memory_space<vmem>>
    %dma_start3A_210 = arith.constant 0 : i32
    %dma_start3A_211 = arith.constant 0 : i32
    %dma_start3A_212 = tpu.memref_slice %arg2[%dma_start3A_210, %dma_start3A_211] : memref<10240x128xf32, #tpu.memory_space<hbm>> -> memref<10240x128xf32, #tpu.memory_space<hbm>>
    tpu.enqueue_indirect_dma source(%dma_start3A_212 : memref<10240x128xf32, #tpu.memory_space<hbm>>) target(%arg8 : memref<128x128xf32, #tpu.memory_space<vmem>>) offsets(%dma_start3A_209 : memref<128xi32, #tpu.memory_space<vmem>>) semaphore(%arg11 : memref<!tpu.dma_semaphore, #tpu.memory_space<semaphore_mem>>)
    %scan3A_213 = arith.constant 0 : i32
    %scan3A_214 = arith.constant 0 : i32
    %scan3A_215 = arith.constant 39 : i32
    %scan3A_216 = arith.addi %scan3A_214, %scan3A_215 : i32
    %scan3A_217 = arith.constant 1 : i32
    scf.for %scan3A_230 = %scan3A_214 to %scan3A_216 step %scan3A_217  : i32 {
      %mul3A_231 = arith.constant 2 : i32
      %mul3A_232 = arith.muli %mul3A_231, %scan3A_230 : i32
      %add3A_233 = arith.constant 1 : i32
      %add3A_234 = arith.addi %mul3A_232, %add3A_233 : i32
      %get3A_235 = arith.index_cast %add3A_234 : i32 to index
      %get3A_236 = arith.constant 0 : index
      %get3A_237 = tpu.vector_load %arg5[%get3A_235, %get3A_236] {strides = array<i32>} : memref<79x128xi32, #tpu.memory_space<vmem>>, vector<1x16xi32>,
      %get3A_238 = vector.shape_cast %get3A_237 : vector<1x16xi32> to vector<16xi32>
      %and3A_239 = arith.constant 65535 : i32
      %and3A_240 = vector.broadcast %and3A_239 : i32 to vector<16xi32>
      %and3A_241 = arith.andi %get3A_238, %and3A_240 : vector<16xi32>
      %swap3A_242 = arith.constant 1 : i32
      %swap3A_243 = arith.index_cast %swap3A_242 : i32 to index
      %swap3A_244 = arith.constant 0 : index
      %swap3A_245 = tpu.vector_load %arg6[%swap3A_243, %swap3A_244] {strides = array<i32>} : memref<2x128xi32, #tpu.memory_space<vmem>>, vector<1x16xi32>,
      %swap3A_246 = vector.shape_cast %swap3A_245 : vector<1x16xi32> to vector<16xi32>
      %swap3A_247 = vector.shape_cast %and3A_241 : vector<16xi32> to vector<1x16xi32>
      tpu.vector_store %arg6[%swap3A_243, %swap3A_244], %swap3A_247 {strides = array<i32>} : memref<2x128xi32, #tpu.memory_space<vmem>>, vector<1x16xi32>,
      %shift_right_arithmetic3A_248 = arith.constant 16 : i32
      %shift_right_arithmetic3A_249 = vector.broadcast %shift_right_arithmetic3A_248 : i32 to vector<16xi32>
      %shift_right_arithmetic3A_250 = arith.shrsi %get3A_238, %shift_right_arithmetic3A_249 : vector<16xi32>
      %swap3A_251 = arith.constant 1 : i32
      %swap3A_252 = arith.index_cast %swap3A_251 : i32 to index
      %swap3A_253 = arith.constant 0 : index
      %swap3A_254 = tpu.vector_load %arg7[%swap3A_252, %swap3A_253] {strides = array<i32>} : memref<2x128xi32, #tpu.memory_space<vmem>>, vector<1x16xi32>,
      %swap3A_255 = vector.shape_cast %swap3A_254 : vector<1x16xi32> to vector<16xi32>
      %swap3A_256 = vector.shape_cast %shift_right_arithmetic3A_250 : vector<16xi32> to vector<1x16xi32>
      tpu.vector_store %arg7[%swap3A_252, %swap3A_253], %swap3A_256 {strides = array<i32>} : memref<2x128xi32, #tpu.memory_space<vmem>>, vector<1x16xi32>,
      %get3A_257 = arith.index_cast %add3A_234 : i32 to index
      %get3A_258 = arith.constant 16 : index
      %get3A_259 = tpu.vector_load %arg5[%get3A_257, %get3A_258] {strides = array<i32>} : memref<79x128xi32, #tpu.memory_space<vmem>>, vector<1x16xi32>,
      %get3A_260 = vector.shape_cast %get3A_259 : vector<1x16xi32> to vector<16xi32>
      %and3A_261 = arith.constant 65535 : i32
      %and3A_262 = vector.broadcast %and3A_261 : i32 to vector<16xi32>
      %and3A_263 = arith.andi %get3A_260, %and3A_262 : vector<16xi32>
      %swap3A_264 = arith.constant 1 : i32
      %swap3A_265 = arith.index_cast %swap3A_264 : i32 to index
      %swap3A_266 = arith.constant 16 : index
      %swap3A_267 = tpu.vector_load %arg6[%swap3A_265, %swap3A_266] {strides = array<i32>} : memref<2x128xi32, #tpu.memory_space<vmem>>, vector<1x16xi32>,
      %swap3A_268 = vector.shape_cast %swap3A_267 : vector<1x16xi32> to vector<16xi32>
      %swap3A_269 = vector.shape_cast %and3A_263 : vector<16xi32> to vector<1x16xi32>
      tpu.vector_store %arg6[%swap3A_265, %swap3A_266], %swap3A_269 {strides = array<i32>} : memref<2x128xi32, #tpu.memory_space<vmem>>, vector<1x16xi32>,
      %shift_right_arithmetic3A_270 = arith.constant 16 : i32
      %shift_right_arithmetic3A_271 = vector.broadcast %shift_right_arithmetic3A_270 : i32 to vector<16xi32>
      %shift_right_arithmetic3A_272 = arith.shrsi %get3A_260, %shift_right_arithmetic3A_271 : vector<16xi32>
      %swap3A_273 = arith.constant 1 : i32
      %swap3A_274 = arith.index_cast %swap3A_273 : i32 to index
      %swap3A_275 = arith.constant 16 : index
      %swap3A_276 = tpu.vector_load %arg7[%swap3A_274, %swap3A_275] {strides = array<i32>} : memref<2x128xi32, #tpu.memory_space<vmem>>, vector<1x16xi32>,
      %swap3A_277 = vector.shape_cast %swap3A_276 : vector<1x16xi32> to vector<16xi32>
      %swap3A_278 = vector.shape_cast %shift_right_arithmetic3A_272 : vector<16xi32> to vector<1x16xi32>
      tpu.vector_store %arg7[%swap3A_274, %swap3A_275], %swap3A_278 {strides = array<i32>} : memref<2x128xi32, #tpu.memory_space<vmem>>, vector<1x16xi32>,
      %get3A_279 = arith.index_cast %add3A_234 : i32 to index
      %get3A_280 = arith.constant 32 : index
      %get3A_281 = tpu.vector_load %arg5[%get3A_279, %get3A_280] {strides = array<i32>} : memref<79x128xi32, #tpu.memory_space<vmem>>, vector<1x16xi32>,
      %get3A_282 = vector.shape_cast %get3A_281 : vector<1x16xi32> to vector<16xi32>
      %and3A_283 = arith.constant 65535 : i32
      %and3A_284 = vector.broadcast %and3A_283 : i32 to vector<16xi32>
      %and3A_285 = arith.andi %get3A_282, %and3A_284 : vector<16xi32>
      %swap3A_286 = arith.constant 1 : i32
      %swap3A_287 = arith.index_cast %swap3A_286 : i32 to index
      %swap3A_288 = arith.constant 32 : index
      %swap3A_289 = tpu.vector_load %arg6[%swap3A_287, %swap3A_288] {strides = array<i32>} : memref<2x128xi32, #tpu.memory_space<vmem>>, vector<1x16xi32>,
      %swap3A_290 = vector.shape_cast %swap3A_289 : vector<1x16xi32> to vector<16xi32>
      %swap3A_291 = vector.shape_cast %and3A_285 : vector<16xi32> to vector<1x16xi32>
      tpu.vector_store %arg6[%swap3A_287, %swap3A_288], %swap3A_291 {strides = array<i32>} : memref<2x128xi32, #tpu.memory_space<vmem>>, vector<1x16xi32>,
      %shift_right_arithmetic3A_292 = arith.constant 16 : i32
      %shift_right_arithmetic3A_293 = vector.broadcast %shift_right_arithmetic3A_292 : i32 to vector<16xi32>
      %shift_right_arithmetic3A_294 = arith.shrsi %get3A_282, %shift_right_arithmetic3A_293 : vector<16xi32>
      %swap3A_295 = arith.constant 1 : i32
      %swap3A_296 = arith.index_cast %swap3A_295 : i32 to index
      %swap3A_297 = arith.constant 32 : index
      %swap3A_298 = tpu.vector_load %arg7[%swap3A_296, %swap3A_297] {strides = array<i32>} : memref<2x128xi32, #tpu.memory_space<vmem>>, vector<1x16xi32>,
      %swap3A_299 = vector.shape_cast %swap3A_298 : vector<1x16xi32> to vector<16xi32>
      %swap3A_300 = vector.shape_cast %shift_right_arithmetic3A_294 : vector<16xi32> to vector<1x16xi32>
      tpu.vector_store %arg7[%swap3A_296, %swap3A_297], %swap3A_300 {strides = array<i32>} : memref<2x128xi32, #tpu.memory_space<vmem>>, vector<1x16xi32>,
      %get3A_301 = arith.index_cast %add3A_234 : i32 to index
      %get3A_302 = arith.constant 48 : index
      %get3A_303 = tpu.vector_load %arg5[%get3A_301, %get3A_302] {strides = array<i32>} : memref<79x128xi32, #tpu.memory_space<vmem>>, vector<1x16xi32>,
      %get3A_304 = vector.shape_cast %get3A_303 : vector<1x16xi32> to vector<16xi32>
      %and3A_305 = arith.constant 65535 : i32
      %and3A_306 = vector.broadcast %and3A_305 : i32 to vector<16xi32>
      %and3A_307 = arith.andi %get3A_304, %and3A_306 : vector<16xi32>
      %swap3A_308 = arith.constant 1 : i32
      %swap3A_309 = arith.index_cast %swap3A_308 : i32 to index
      %swap3A_310 = arith.constant 48 : index
      %swap3A_311 = tpu.vector_load %arg6[%swap3A_309, %swap3A_310] {strides = array<i32>} : memref<2x128xi32, #tpu.memory_space<vmem>>, vector<1x16xi32>,
      %swap3A_312 = vector.shape_cast %swap3A_311 : vector<1x16xi32> to vector<16xi32>
      %swap3A_313 = vector.shape_cast %and3A_307 : vector<16xi32> to vector<1x16xi32>
      tpu.vector_store %arg6[%swap3A_309, %swap3A_310], %swap3A_313 {strides = array<i32>} : memref<2x128xi32, #tpu.memory_space<vmem>>, vector<1x16xi32>,
      %shift_right_arithmetic3A_314 = arith.constant 16 : i32
      %shift_right_arithmetic3A_315 = vector.broadcast %shift_right_arithmetic3A_314 : i32 to vector<16xi32>
      %shift_right_arithmetic3A_316 = arith.shrsi %get3A_304, %shift_right_arithmetic3A_315 : vector<16xi32>
      %swap3A_317 = arith.constant 1 : i32
      %swap3A_318 = arith.index_cast %swap3A_317 : i32 to index
      %swap3A_319 = arith.constant 48 : index
      %swap3A_320 = tpu.vector_load %arg7[%swap3A_318, %swap3A_319] {strides = array<i32>} : memref<2x128xi32, #tpu.memory_space<vmem>>, vector<1x16xi32>,
      %swap3A_321 = vector.shape_cast %swap3A_320 : vector<1x16xi32> to vector<16xi32>
      %swap3A_322 = vector.shape_cast %shift_right_arithmetic3A_316 : vector<16xi32> to vector<1x16xi32>
      tpu.vector_store %arg7[%swap3A_318, %swap3A_319], %swap3A_322 {strides = array<i32>} : memref<2x128xi32, #tpu.memory_space<vmem>>, vector<1x16xi32>,
      %get3A_323 = arith.index_cast %add3A_234 : i32 to index
      %get3A_324 = arith.constant 64 : index
      %get3A_325 = tpu.vector_load %arg5[%get3A_323, %get3A_324] {strides = array<i32>} : memref<79x128xi32, #tpu.memory_space<vmem>>, vector<1x16xi32>,
      %get3A_326 = vector.shape_cast %get3A_325 : vector<1x16xi32> to vector<16xi32>
      %and3A_327 = arith.constant 65535 : i32
      %and3A_328 = vector.broadcast %and3A_327 : i32 to vector<16xi32>
      %and3A_329 = arith.andi %get3A_326, %and3A_328 : vector<16xi32>
      %swap3A_330 = arith.constant 1 : i32
      %swap3A_331 = arith.index_cast %swap3A_330 : i32 to index
      %swap3A_332 = arith.constant 64 : index
      %swap3A_333 = tpu.vector_load %arg6[%swap3A_331, %swap3A_332] {strides = array<i32>} : memref<2x128xi32, #tpu.memory_space<vmem>>, vector<1x16xi32>,
      %swap3A_334 = vector.shape_cast %swap3A_333 : vector<1x16xi32> to vector<16xi32>
      %swap3A_335 = vector.shape_cast %and3A_329 : vector<16xi32> to vector<1x16xi32>
      tpu.vector_store %arg6[%swap3A_331, %swap3A_332], %swap3A_335 {strides = array<i32>} : memref<2x128xi32, #tpu.memory_space<vmem>>, vector<1x16xi32>,
      %shift_right_arithmetic3A_336 = arith.constant 16 : i32
      %shift_right_arithmetic3A_337 = vector.broadcast %shift_right_arithmetic3A_336 : i32 to vector<16xi32>
      %shift_right_arithmetic3A_338 = arith.shrsi %get3A_326, %shift_right_arithmetic3A_337 : vector<16xi32>
      %swap3A_339 = arith.constant 1 : i32
      %swap3A_340 = arith.index_cast %swap3A_339 : i32 to index
      %swap3A_341 = arith.constant 64 : index
      %swap3A_342 = tpu.vector_load %arg7[%swap3A_340, %swap3A_341] {strides = array<i32>} : memref<2x128xi32, #tpu.memory_space<vmem>>, vector<1x16xi32>,
      %swap3A_343 = vector.shape_cast %swap3A_342 : vector<1x16xi32> to vector<16xi32>
      %swap3A_344 = vector.shape_cast %shift_right_arithmetic3A_338 : vector<16xi32> to vector<1x16xi32>
      tpu.vector_store %arg7[%swap3A_340, %swap3A_341], %swap3A_344 {strides = array<i32>} : memref<2x128xi32, #tpu.memory_space<vmem>>, vector<1x16xi32>,
      %get3A_345 = arith.index_cast %add3A_234 : i32 to index
      %get3A_346 = arith.constant 80 : index
      %get3A_347 = tpu.vector_load %arg5[%get3A_345, %get3A_346] {strides = array<i32>} : memref<79x128xi32, #tpu.memory_space<vmem>>, vector<1x16xi32>,
      %get3A_348 = vector.shape_cast %get3A_347 : vector<1x16xi32> to vector<16xi32>
      %and3A_349 = arith.constant 65535 : i32
      %and3A_350 = vector.broadcast %and3A_349 : i32 to vector<16xi32>
      %and3A_351 = arith.andi %get3A_348, %and3A_350 : vector<16xi32>
      %swap3A_352 = arith.constant 1 : i32
      %swap3A_353 = arith.index_cast %swap3A_352 : i32 to index
      %swap3A_354 = arith.constant 80 : index
      %swap3A_355 = tpu.vector_load %arg6[%swap3A_353, %swap3A_354] {strides = array<i32>} : memref<2x128xi32, #tpu.memory_space<vmem>>, vector<1x16xi32>,
      %swap3A_356 = vector.shape_cast %swap3A_355 : vector<1x16xi32> to vector<16xi32>
      %swap3A_357 = vector.shape_cast %and3A_351 : vector<16xi32> to vector<1x16xi32>
      tpu.vector_store %arg6[%swap3A_353, %swap3A_354], %swap3A_357 {strides = array<i32>} : memref<2x128xi32, #tpu.memory_space<vmem>>, vector<1x16xi32>,
      %shift_right_arithmetic3A_358 = arith.constant 16 : i32
      %shift_right_arithmetic3A_359 = vector.broadcast %shift_right_arithmetic3A_358 : i32 to vector<16xi32>
      %shift_right_arithmetic3A_360 = arith.shrsi %get3A_348, %shift_right_arithmetic3A_359 : vector<16xi32>
      %swap3A_361 = arith.constant 1 : i32
      %swap3A_362 = arith.index_cast %swap3A_361 : i32 to index
      %swap3A_363 = arith.constant 80 : index
      %swap3A_364 = tpu.vector_load %arg7[%swap3A_362, %swap3A_363] {strides = array<i32>} : memref<2x128xi32, #tpu.memory_space<vmem>>, vector<1x16xi32>,
      %swap3A_365 = vector.shape_cast %swap3A_364 : vector<1x16xi32> to vector<16xi32>
      %swap3A_366 = vector.shape_cast %shift_right_arithmetic3A_360 : vector<16xi32> to vector<1x16xi32>
      tpu.vector_store %arg7[%swap3A_362, %swap3A_363], %swap3A_366 {strides = array<i32>} : memref<2x128xi32, #tpu.memory_space<vmem>>, vector<1x16xi32>,
      %get3A_367 = arith.index_cast %add3A_234 : i32 to index
      %get3A_368 = arith.constant 96 : index
      %get3A_369 = tpu.vector_load %arg5[%get3A_367, %get3A_368] {strides = array<i32>} : memref<79x128xi32, #tpu.memory_space<vmem>>, vector<1x16xi32>,
      %get3A_370 = vector.shape_cast %get3A_369 : vector<1x16xi32> to vector<16xi32>
      %and3A_371 = arith.constant 65535 : i32
      %and3A_372 = vector.broadcast %and3A_371 : i32 to vector<16xi32>
      %and3A_373 = arith.andi %get3A_370, %and3A_372 : vector<16xi32>
      %swap3A_374 = arith.constant 1 : i32
      %swap3A_375 = arith.index_cast %swap3A_374 : i32 to index
      %swap3A_376 = arith.constant 96 : index
      %swap3A_377 = tpu.vector_load %arg6[%swap3A_375, %swap3A_376] {strides = array<i32>} : memref<2x128xi32, #tpu.memory_space<vmem>>, vector<1x16xi32>,
      %swap3A_378 = vector.shape_cast %swap3A_377 : vector<1x16xi32> to vector<16xi32>
      %swap3A_379 = vector.shape_cast %and3A_373 : vector<16xi32> to vector<1x16xi32>
      tpu.vector_store %arg6[%swap3A_375, %swap3A_376], %swap3A_379 {strides = array<i32>} : memref<2x128xi32, #tpu.memory_space<vmem>>, vector<1x16xi32>,
      %shift_right_arithmetic3A_380 = arith.constant 16 : i32
      %shift_right_arithmetic3A_381 = vector.broadcast %shift_right_arithmetic3A_380 : i32 to vector<16xi32>
      %shift_right_arithmetic3A_382 = arith.shrsi %get3A_370, %shift_right_arithmetic3A_381 : vector<16xi32>
      %swap3A_383 = arith.constant 1 : i32
      %swap3A_384 = arith.index_cast %swap3A_383 : i32 to index
      %swap3A_385 = arith.constant 96 : index
      %swap3A_386 = tpu.vector_load %arg7[%swap3A_384, %swap3A_385] {strides = array<i32>} : memref<2x128xi32, #tpu.memory_space<vmem>>, vector<1x16xi32>,
      %swap3A_387 = vector.shape_cast %swap3A_386 : vector<1x16xi32> to vector<16xi32>
      %swap3A_388 = vector.shape_cast %shift_right_arithmetic3A_382 : vector<16xi32> to vector<1x16xi32>
      tpu.vector_store %arg7[%swap3A_384, %swap3A_385], %swap3A_388 {strides = array<i32>} : memref<2x128xi32, #tpu.memory_space<vmem>>, vector<1x16xi32>,
      %get3A_389 = arith.index_cast %add3A_234 : i32 to index
      %get3A_390 = arith.constant 112 : index
      %get3A_391 = tpu.vector_load %arg5[%get3A_389, %get3A_390] {strides = array<i32>} : memref<79x128xi32, #tpu.memory_space<vmem>>, vector<1x16xi32>,
      %get3A_392 = vector.shape_cast %get3A_391 : vector<1x16xi32> to vector<16xi32>
      %and3A_393 = arith.constant 65535 : i32
      %and3A_394 = vector.broadcast %and3A_393 : i32 to vector<16xi32>
      %and3A_395 = arith.andi %get3A_392, %and3A_394 : vector<16xi32>
      %swap3A_396 = arith.constant 1 : i32
      %swap3A_397 = arith.index_cast %swap3A_396 : i32 to index
      %swap3A_398 = arith.constant 112 : index
      %swap3A_399 = tpu.vector_load %arg6[%swap3A_397, %swap3A_398] {strides = array<i32>} : memref<2x128xi32, #tpu.memory_space<vmem>>, vector<1x16xi32>,
      %swap3A_400 = vector.shape_cast %swap3A_399 : vector<1x16xi32> to vector<16xi32>
      %swap3A_401 = vector.shape_cast %and3A_395 : vector<16xi32> to vector<1x16xi32>
      tpu.vector_store %arg6[%swap3A_397, %swap3A_398], %swap3A_401 {strides = array<i32>} : memref<2x128xi32, #tpu.memory_space<vmem>>, vector<1x16xi32>,
      %shift_right_arithmetic3A_402 = arith.constant 16 : i32
      %shift_right_arithmetic3A_403 = vector.broadcast %shift_right_arithmetic3A_402 : i32 to vector<16xi32>
      %shift_right_arithmetic3A_404 = arith.shrsi %get3A_392, %shift_right_arithmetic3A_403 : vector<16xi32>
      %swap3A_405 = arith.constant 1 : i32
      %swap3A_406 = arith.index_cast %swap3A_405 : i32 to index
      %swap3A_407 = arith.constant 112 : index
      %swap3A_408 = tpu.vector_load %arg7[%swap3A_406, %swap3A_407] {strides = array<i32>} : memref<2x128xi32, #tpu.memory_space<vmem>>, vector<1x16xi32>,
      %swap3A_409 = vector.shape_cast %swap3A_408 : vector<1x16xi32> to vector<16xi32>
      %swap3A_410 = vector.shape_cast %shift_right_arithmetic3A_404 : vector<16xi32> to vector<1x16xi32>
      tpu.vector_store %arg7[%swap3A_406, %swap3A_407], %swap3A_410 {strides = array<i32>} : memref<2x128xi32, #tpu.memory_space<vmem>>, vector<1x16xi32>,
      %dma_start3A_411 = arith.constant 1 : i32
      %dma_start3A_412 = arith.constant 0 : i32
      %dma_start3A_413 = tpu.memref_slice %arg6[%dma_start3A_411, %dma_start3A_412] : memref<2x128xi32, #tpu.memory_space<vmem>> -> memref<1x128xi32, #tpu.memory_space<vmem>>
      %dma_start3A_414 = tpu.memref_squeeze %dma_start3A_413 : memref<1x128xi32, #tpu.memory_space<vmem>> -> memref<128xi32, #tpu.memory_space<vmem>>
      %dma_start3A_415 = arith.constant 0 : i32
      %dma_start3A_416 = arith.constant 0 : i32
      %dma_start3A_417 = tpu.memref_slice %arg2[%dma_start3A_415, %dma_start3A_416] : memref<10240x128xf32, #tpu.memory_space<hbm>> -> memref<10240x128xf32, #tpu.memory_space<hbm>>
      tpu.enqueue_indirect_dma source(%dma_start3A_417 : memref<10240x128xf32, #tpu.memory_space<hbm>>) target(%arg9 : memref<128x128xf32, #tpu.memory_space<vmem>>) offsets(%dma_start3A_414 : memref<128xi32, #tpu.memory_space<vmem>>) semaphore(%arg12 : memref<!tpu.dma_semaphore, #tpu.memory_space<semaphore_mem>>)
      %dma_wait3A_418 = arith.constant 0 : i32
      %dma_wait3A_419 = arith.constant 0 : i32
      %dma_wait3A_420 = tpu.memref_slice %arg6[%dma_wait3A_418, %dma_wait3A_419] : memref<2x128xi32, #tpu.memory_space<vmem>> -> memref<1x128xi32, #tpu.memory_space<vmem>>
      %dma_wait3A_421 = tpu.memref_squeeze %dma_wait3A_420 : memref<1x128xi32, #tpu.memory_space<vmem>> -> memref<128xi32, #tpu.memory_space<vmem>>
      %dma_wait3A_422 = arith.constant 0 : i32
      %dma_wait3A_423 = arith.constant 0 : i32
      %dma_wait3A_424 = tpu.memref_slice %arg2[%dma_wait3A_422, %dma_wait3A_423] : memref<10240x128xf32, #tpu.memory_space<hbm>> -> memref<10240x128xf32, #tpu.memory_space<hbm>>
      tpu.wait_indirect_dma semaphore(%arg11 : memref<!tpu.dma_semaphore, #tpu.memory_space<semaphore_mem>>) src(%dma_wait3A_424 : memref<10240x128xf32, #tpu.memory_space<hbm>>) dst(%arg8 : memref<128x128xf32, #tpu.memory_space<vmem>>)
      %run_scoped3A_425 = arith.constant 0 : i32
      "tpu.region"() ({
        %run_scoped3A_619 = tpu.sem_alloc : memref<!tpu.dma_semaphore, #tpu.memory_space<semaphore_mem>>
        %dma_start3A_620 = arith.constant 0 : i32
        %dma_start3A_621 = tpu.memref_slice %arg7[%run_scoped3A_425, %dma_start3A_620] : memref<2x128xi32, #tpu.memory_space<vmem>> -> memref<1x128xi32, #tpu.memory_space<vmem>>
        %dma_start3A_622 = tpu.memref_squeeze %dma_start3A_621 : memref<1x128xi32, #tpu.memory_space<vmem>> -> memref<128xi32, #tpu.memory_space<vmem>>
        %dma_start3A_623 = arith.constant 0 : i32
        %dma_start3A_624 = arith.constant 0 : i32
        %dma_start3A_625 = tpu.memref_slice %arg10[%dma_start3A_623, %dma_start3A_624] : memref<10240x128xf32, #tpu.memory_space<vmem_shared>> -> memref<10240x128xf32, #tpu.memory_space<vmem_shared>>
        tpu.enqueue_indirect_dma source(%arg8 : memref<128x128xf32, #tpu.memory_space<vmem>>) target(%dma_start3A_625 : memref<10240x128xf32, #tpu.memory_space<vmem_shared>>) offsets(%dma_start3A_622 : memref<128xi32, #tpu.memory_space<vmem>>) semaphore(%run_scoped3A_619 : memref<!tpu.dma_semaphore, #tpu.memory_space<semaphore_mem>>) {add = true}
        %dma_wait3A_626 = arith.constant 0 : i32
        %dma_wait3A_627 = tpu.memref_slice %arg7[%run_scoped3A_425, %dma_wait3A_626] : memref<2x128xi32, #tpu.memory_space<vmem>> -> memref<1x128xi32, #tpu.memory_space<vmem>>
        %dma_wait3A_628 = tpu.memref_squeeze %dma_wait3A_627 : memref<1x128xi32, #tpu.memory_space<vmem>> -> memref<128xi32, #tpu.memory_space<vmem>>
        %dma_wait3A_629 = arith.constant 0 : i32
        %dma_wait3A_630 = arith.constant 0 : i32
        %dma_wait3A_631 = tpu.memref_slice %arg10[%dma_wait3A_629, %dma_wait3A_630] : memref<10240x128xf32, #tpu.memory_space<vmem_shared>> -> memref<10240x128xf32, #tpu.memory_space<vmem_shared>>
        tpu.wait_indirect_dma semaphore(%run_scoped3A_619 : memref<!tpu.dma_semaphore, #tpu.memory_space<semaphore_mem>>) src(%arg8 : memref<128x128xf32, #tpu.memory_space<vmem>>) dst(%dma_wait3A_631 : memref<10240x128xf32, #tpu.memory_space<vmem_shared>>)
        tpu.yield
      }) : () -> ()
      %add3A_426 = arith.constant 2 : i32
      %add3A_427 = arith.addi %mul3A_232, %add3A_426 : i32
      %get3A_428 = arith.index_cast %add3A_427 : i32 to index
      %get3A_429 = arith.constant 0 : index
      %get3A_430 = tpu.vector_load %arg5[%get3A_428, %get3A_429] {strides = array<i32>} : memref<79x128xi32, #tpu.memory_space<vmem>>, vector<1x16xi32>,
      %get3A_431 = vector.shape_cast %get3A_430 : vector<1x16xi32> to vector<16xi32>
      %and3A_432 = arith.constant 65535 : i32
      %and3A_433 = vector.broadcast %and3A_432 : i32 to vector<16xi32>
      %and3A_434 = arith.andi %get3A_431, %and3A_433 : vector<16xi32>
      %swap3A_435 = arith.constant 0 : i32
      %swap3A_436 = arith.index_cast %swap3A_435 : i32 to index
      %swap3A_437 = arith.constant 0 : index
      %swap3A_438 = tpu.vector_load %arg6[%swap3A_436, %swap3A_437] {strides = array<i32>} : memref<2x128xi32, #tpu.memory_space<vmem>>, vector<1x16xi32>,
      %swap3A_439 = vector.shape_cast %swap3A_438 : vector<1x16xi32> to vector<16xi32>
      %swap3A_440 = vector.shape_cast %and3A_434 : vector<16xi32> to vector<1x16xi32>
      tpu.vector_store %arg6[%swap3A_436, %swap3A_437], %swap3A_440 {strides = array<i32>} : memref<2x128xi32, #tpu.memory_space<vmem>>, vector<1x16xi32>,
      %shift_right_arithmetic3A_441 = arith.constant 16 : i32
      %shift_right_arithmetic3A_442 = vector.broadcast %shift_right_arithmetic3A_441 : i32 to vector<16xi32>
      %shift_right_arithmetic3A_443 = arith.shrsi %get3A_431, %shift_right_arithmetic3A_442 : vector<16xi32>
      %swap3A_444 = arith.constant 0 : i32
      %swap3A_445 = arith.index_cast %swap3A_444 : i32 to index
      %swap3A_446 = arith.constant 0 : index
      %swap3A_447 = tpu.vector_load %arg7[%swap3A_445, %swap3A_446] {strides = array<i32>} : memref<2x128xi32, #tpu.memory_space<vmem>>, vector<1x16xi32>,
      %swap3A_448 = vector.shape_cast %swap3A_447 : vector<1x16xi32> to vector<16xi32>
      %swap3A_449 = vector.shape_cast %shift_right_arithmetic3A_443 : vector<16xi32> to vector<1x16xi32>
      tpu.vector_store %arg7[%swap3A_445, %swap3A_446], %swap3A_449 {strides = array<i32>} : memref<2x128xi32, #tpu.memory_space<vmem>>, vector<1x16xi32>,
      %get3A_450 = arith.index_cast %add3A_427 : i32 to index
      %get3A_451 = arith.constant 16 : index
      %get3A_452 = tpu.vector_load %arg5[%get3A_450, %get3A_451] {strides = array<i32>} : memref<79x128xi32, #tpu.memory_space<vmem>>, vector<1x16xi32>,
      %get3A_453 = vector.shape_cast %get3A_452 : vector<1x16xi32> to vector<16xi32>
      %and3A_454 = arith.constant 65535 : i32
      %and3A_455 = vector.broadcast %and3A_454 : i32 to vector<16xi32>
      %and3A_456 = arith.andi %get3A_453, %and3A_455 : vector<16xi32>
      %swap3A_457 = arith.constant 0 : i32
      %swap3A_458 = arith.index_cast %swap3A_457 : i32 to index
      %swap3A_459 = arith.constant 16 : index
      %swap3A_460 = tpu.vector_load %arg6[%swap3A_458, %swap3A_459] {strides = array<i32>} : memref<2x128xi32, #tpu.memory_space<vmem>>, vector<1x16xi32>,
      %swap3A_461 = vector.shape_cast %swap3A_460 : vector<1x16xi32> to vector<16xi32>
      %swap3A_462 = vector.shape_cast %and3A_456 : vector<16xi32> to vector<1x16xi32>
      tpu.vector_store %arg6[%swap3A_458, %swap3A_459], %swap3A_462 {strides = array<i32>} : memref<2x128xi32, #tpu.memory_space<vmem>>, vector<1x16xi32>,
      %shift_right_arithmetic3A_463 = arith.constant 16 : i32
      %shift_right_arithmetic3A_464 = vector.broadcast %shift_right_arithmetic3A_463 : i32 to vector<16xi32>
      %shift_right_arithmetic3A_465 = arith.shrsi %get3A_453, %shift_right_arithmetic3A_464 : vector<16xi32>
      %swap3A_466 = arith.constant 0 : i32
      %swap3A_467 = arith.index_cast %swap3A_466 : i32 to index
      %swap3A_468 = arith.constant 16 : index
      %swap3A_469 = tpu.vector_load %arg7[%swap3A_467, %swap3A_468] {strides = array<i32>} : memref<2x128xi32, #tpu.memory_space<vmem>>, vector<1x16xi32>,
      %swap3A_470 = vector.shape_cast %swap3A_469 : vector<1x16xi32> to vector<16xi32>
      %swap3A_471 = vector.shape_cast %shift_right_arithmetic3A_465 : vector<16xi32> to vector<1x16xi32>
      tpu.vector_store %arg7[%swap3A_467, %swap3A_468], %swap3A_471 {strides = array<i32>} : memref<2x128xi32, #tpu.memory_space<vmem>>, vector<1x16xi32>,
      %get3A_472 = arith.index_cast %add3A_427 : i32 to index
      %get3A_473 = arith.constant 32 : index
      %get3A_474 = tpu.vector_load %arg5[%get3A_472, %get3A_473] {strides = array<i32>} : memref<79x128xi32, #tpu.memory_space<vmem>>, vector<1x16xi32>,
      %get3A_475 = vector.shape_cast %get3A_474 : vector<1x16xi32> to vector<16xi32>
      %and3A_476 = arith.constant 65535 : i32
      %and3A_477 = vector.broadcast %and3A_476 : i32 to vector<16xi32>
      %and3A_478 = arith.andi %get3A_475, %and3A_477 : vector<16xi32>
      %swap3A_479 = arith.constant 0 : i32
      %swap3A_480 = arith.index_cast %swap3A_479 : i32 to index
      %swap3A_481 = arith.constant 32 : index
      %swap3A_482 = tpu.vector_load %arg6[%swap3A_480, %swap3A_481] {strides = array<i32>} : memref<2x128xi32, #tpu.memory_space<vmem>>, vector<1x16xi32>,
      %swap3A_483 = vector.shape_cast %swap3A_482 : vector<1x16xi32> to vector<16xi32>
      %swap3A_484 = vector.shape_cast %and3A_478 : vector<16xi32> to vector<1x16xi32>
      tpu.vector_store %arg6[%swap3A_480, %swap3A_481], %swap3A_484 {strides = array<i32>} : memref<2x128xi32, #tpu.memory_space<vmem>>, vector<1x16xi32>,
      %shift_right_arithmetic3A_485 = arith.constant 16 : i32
      %shift_right_arithmetic3A_486 = vector.broadcast %shift_right_arithmetic3A_485 : i32 to vector<16xi32>
      %shift_right_arithmetic3A_487 = arith.shrsi %get3A_475, %shift_right_arithmetic3A_486 : vector<16xi32>
      %swap3A_488 = arith.constant 0 : i32
      %swap3A_489 = arith.index_cast %swap3A_488 : i32 to index
      %swap3A_490 = arith.constant 32 : index
      %swap3A_491 = tpu.vector_load %arg7[%swap3A_489, %swap3A_490] {strides = array<i32>} : memref<2x128xi32, #tpu.memory_space<vmem>>, vector<1x16xi32>,
      %swap3A_492 = vector.shape_cast %swap3A_491 : vector<1x16xi32> to vector<16xi32>
      %swap3A_493 = vector.shape_cast %shift_right_arithmetic3A_487 : vector<16xi32> to vector<1x16xi32>
      tpu.vector_store %arg7[%swap3A_489, %swap3A_490], %swap3A_493 {strides = array<i32>} : memref<2x128xi32, #tpu.memory_space<vmem>>, vector<1x16xi32>,
      %get3A_494 = arith.index_cast %add3A_427 : i32 to index
      %get3A_495 = arith.constant 48 : index
      %get3A_496 = tpu.vector_load %arg5[%get3A_494, %get3A_495] {strides = array<i32>} : memref<79x128xi32, #tpu.memory_space<vmem>>, vector<1x16xi32>,
      %get3A_497 = vector.shape_cast %get3A_496 : vector<1x16xi32> to vector<16xi32>
      %and3A_498 = arith.constant 65535 : i32
      %and3A_499 = vector.broadcast %and3A_498 : i32 to vector<16xi32>
      %and3A_500 = arith.andi %get3A_497, %and3A_499 : vector<16xi32>
      %swap3A_501 = arith.constant 0 : i32
      %swap3A_502 = arith.index_cast %swap3A_501 : i32 to index
      %swap3A_503 = arith.constant 48 : index
      %swap3A_504 = tpu.vector_load %arg6[%swap3A_502, %swap3A_503] {strides = array<i32>} : memref<2x128xi32, #tpu.memory_space<vmem>>, vector<1x16xi32>,
      %swap3A_505 = vector.shape_cast %swap3A_504 : vector<1x16xi32> to vector<16xi32>
      %swap3A_506 = vector.shape_cast %and3A_500 : vector<16xi32> to vector<1x16xi32>
      tpu.vector_store %arg6[%swap3A_502, %swap3A_503], %swap3A_506 {strides = array<i32>} : memref<2x128xi32, #tpu.memory_space<vmem>>, vector<1x16xi32>,
      %shift_right_arithmetic3A_507 = arith.constant 16 : i32
      %shift_right_arithmetic3A_508 = vector.broadcast %shift_right_arithmetic3A_507 : i32 to vector<16xi32>
      %shift_right_arithmetic3A_509 = arith.shrsi %get3A_497, %shift_right_arithmetic3A_508 : vector<16xi32>
      %swap3A_510 = arith.constant 0 : i32
      %swap3A_511 = arith.index_cast %swap3A_510 : i32 to index
      %swap3A_512 = arith.constant 48 : index
      %swap3A_513 = tpu.vector_load %arg7[%swap3A_511, %swap3A_512] {strides = array<i32>} : memref<2x128xi32, #tpu.memory_space<vmem>>, vector<1x16xi32>,
      %swap3A_514 = vector.shape_cast %swap3A_513 : vector<1x16xi32> to vector<16xi32>
      %swap3A_515 = vector.shape_cast %shift_right_arithmetic3A_509 : vector<16xi32> to vector<1x16xi32>
      tpu.vector_store %arg7[%swap3A_511, %swap3A_512], %swap3A_515 {strides = array<i32>} : memref<2x128xi32, #tpu.memory_space<vmem>>, vector<1x16xi32>,
      %get3A_516 = arith.index_cast %add3A_427 : i32 to index
      %get3A_517 = arith.constant 64 : index
      %get3A_518 = tpu.vector_load %arg5[%get3A_516, %get3A_517] {strides = array<i32>} : memref<79x128xi32, #tpu.memory_space<vmem>>, vector<1x16xi32>,
      %get3A_519 = vector.shape_cast %get3A_518 : vector<1x16xi32> to vector<16xi32>
      %and3A_520 = arith.constant 65535 : i32
      %and3A_521 = vector.broadcast %and3A_520 : i32 to vector<16xi32>
      %and3A_522 = arith.andi %get3A_519, %and3A_521 : vector<16xi32>
      %swap3A_523 = arith.constant 0 : i32
      %swap3A_524 = arith.index_cast %swap3A_523 : i32 to index
      %swap3A_525 = arith.constant 64 : index
      %swap3A_526 = tpu.vector_load %arg6[%swap3A_524, %swap3A_525] {strides = array<i32>} : memref<2x128xi32, #tpu.memory_space<vmem>>, vector<1x16xi32>,
      %swap3A_527 = vector.shape_cast %swap3A_526 : vector<1x16xi32> to vector<16xi32>
      %swap3A_528 = vector.shape_cast %and3A_522 : vector<16xi32> to vector<1x16xi32>
      tpu.vector_store %arg6[%swap3A_524, %swap3A_525], %swap3A_528 {strides = array<i32>} : memref<2x128xi32, #tpu.memory_space<vmem>>, vector<1x16xi32>,
      %shift_right_arithmetic3A_529 = arith.constant 16 : i32
      %shift_right_arithmetic3A_530 = vector.broadcast %shift_right_arithmetic3A_529 : i32 to vector<16xi32>
      %shift_right_arithmetic3A_531 = arith.shrsi %get3A_519, %shift_right_arithmetic3A_530 : vector<16xi32>
      %swap3A_532 = arith.constant 0 : i32
      %swap3A_533 = arith.index_cast %swap3A_532 : i32 to index
      %swap3A_534 = arith.constant 64 : index
      %swap3A_535 = tpu.vector_load %arg7[%swap3A_533, %swap3A_534] {strides = array<i32>} : memref<2x128xi32, #tpu.memory_space<vmem>>, vector<1x16xi32>,
      %swap3A_536 = vector.shape_cast %swap3A_535 : vector<1x16xi32> to vector<16xi32>
      %swap3A_537 = vector.shape_cast %shift_right_arithmetic3A_531 : vector<16xi32> to vector<1x16xi32>
      tpu.vector_store %arg7[%swap3A_533, %swap3A_534], %swap3A_537 {strides = array<i32>} : memref<2x128xi32, #tpu.memory_space<vmem>>, vector<1x16xi32>,
      %get3A_538 = arith.index_cast %add3A_427 : i32 to index
      %get3A_539 = arith.constant 80 : index
      %get3A_540 = tpu.vector_load %arg5[%get3A_538, %get3A_539] {strides = array<i32>} : memref<79x128xi32, #tpu.memory_space<vmem>>, vector<1x16xi32>,
      %get3A_541 = vector.shape_cast %get3A_540 : vector<1x16xi32> to vector<16xi32>
      %and3A_542 = arith.constant 65535 : i32
      %and3A_543 = vector.broadcast %and3A_542 : i32 to vector<16xi32>
      %and3A_544 = arith.andi %get3A_541, %and3A_543 : vector<16xi32>
      %swap3A_545 = arith.constant 0 : i32
      %swap3A_546 = arith.index_cast %swap3A_545 : i32 to index
      %swap3A_547 = arith.constant 80 : index
      %swap3A_548 = tpu.vector_load %arg6[%swap3A_546, %swap3A_547] {strides = array<i32>} : memref<2x128xi32, #tpu.memory_space<vmem>>, vector<1x16xi32>,
      %swap3A_549 = vector.shape_cast %swap3A_548 : vector<1x16xi32> to vector<16xi32>
      %swap3A_550 = vector.shape_cast %and3A_544 : vector<16xi32> to vector<1x16xi32>
      tpu.vector_store %arg6[%swap3A_546, %swap3A_547], %swap3A_550 {strides = array<i32>} : memref<2x128xi32, #tpu.memory_space<vmem>>, vector<1x16xi32>,
      %shift_right_arithmetic3A_551 = arith.constant 16 : i32
      %shift_right_arithmetic3A_552 = vector.broadcast %shift_right_arithmetic3A_551 : i32 to vector<16xi32>
      %shift_right_arithmetic3A_553 = arith.shrsi %get3A_541, %shift_right_arithmetic3A_552 : vector<16xi32>
      %swap3A_554 = arith.constant 0 : i32
      %swap3A_555 = arith.index_cast %swap3A_554 : i32 to index
      %swap3A_556 = arith.constant 80 : index
      %swap3A_557 = tpu.vector_load %arg7[%swap3A_555, %swap3A_556] {strides = array<i32>} : memref<2x128xi32, #tpu.memory_space<vmem>>, vector<1x16xi32>,
      %swap3A_558 = vector.shape_cast %swap3A_557 : vector<1x16xi32> to vector<16xi32>
      %swap3A_559 = vector.shape_cast %shift_right_arithmetic3A_553 : vector<16xi32> to vector<1x16xi32>
      tpu.vector_store %arg7[%swap3A_555, %swap3A_556], %swap3A_559 {strides = array<i32>} : memref<2x128xi32, #tpu.memory_space<vmem>>, vector<1x16xi32>,
      %get3A_560 = arith.index_cast %add3A_427 : i32 to index
      %get3A_561 = arith.constant 96 : index
      %get3A_562 = tpu.vector_load %arg5[%get3A_560, %get3A_561] {strides = array<i32>} : memref<79x128xi32, #tpu.memory_space<vmem>>, vector<1x16xi32>,
      %get3A_563 = vector.shape_cast %get3A_562 : vector<1x16xi32> to vector<16xi32>
      %and3A_564 = arith.constant 65535 : i32
      %and3A_565 = vector.broadcast %and3A_564 : i32 to vector<16xi32>
      %and3A_566 = arith.andi %get3A_563, %and3A_565 : vector<16xi32>
      %swap3A_567 = arith.constant 0 : i32
      %swap3A_568 = arith.index_cast %swap3A_567 : i32 to index
      %swap3A_569 = arith.constant 96 : index
      %swap3A_570 = tpu.vector_load %arg6[%swap3A_568, %swap3A_569] {strides = array<i32>} : memref<2x128xi32, #tpu.memory_space<vmem>>, vector<1x16xi32>,
      %swap3A_571 = vector.shape_cast %swap3A_570 : vector<1x16xi32> to vector<16xi32>
      %swap3A_572 = vector.shape_cast %and3A_566 : vector<16xi32> to vector<1x16xi32>
      tpu.vector_store %arg6[%swap3A_568, %swap3A_569], %swap3A_572 {strides = array<i32>} : memref<2x128xi32, #tpu.memory_space<vmem>>, vector<1x16xi32>,
      %shift_right_arithmetic3A_573 = arith.constant 16 : i32
      %shift_right_arithmetic3A_574 = vector.broadcast %shift_right_arithmetic3A_573 : i32 to vector<16xi32>
      %shift_right_arithmetic3A_575 = arith.shrsi %get3A_563, %shift_right_arithmetic3A_574 : vector<16xi32>
      %swap3A_576 = arith.constant 0 : i32
      %swap3A_577 = arith.index_cast %swap3A_576 : i32 to index
      %swap3A_578 = arith.constant 96 : index
      %swap3A_579 = tpu.vector_load %arg7[%swap3A_577, %swap3A_578] {strides = array<i32>} : memref<2x128xi32, #tpu.memory_space<vmem>>, vector<1x16xi32>,
      %swap3A_580 = vector.shape_cast %swap3A_579 : vector<1x16xi32> to vector<16xi32>
      %swap3A_581 = vector.shape_cast %shift_right_arithmetic3A_575 : vector<16xi32> to vector<1x16xi32>
      tpu.vector_store %arg7[%swap3A_577, %swap3A_578], %swap3A_581 {strides = array<i32>} : memref<2x128xi32, #tpu.memory_space<vmem>>, vector<1x16xi32>,
      %get3A_582 = arith.index_cast %add3A_427 : i32 to index
      %get3A_583 = arith.constant 112 : index
      %get3A_584 = tpu.vector_load %arg5[%get3A_582, %get3A_583] {strides = array<i32>} : memref<79x128xi32, #tpu.memory_space<vmem>>, vector<1x16xi32>,
      %get3A_585 = vector.shape_cast %get3A_584 : vector<1x16xi32> to vector<16xi32>
      %and3A_586 = arith.constant 65535 : i32
      %and3A_587 = vector.broadcast %and3A_586 : i32 to vector<16xi32>
      %and3A_588 = arith.andi %get3A_585, %and3A_587 : vector<16xi32>
      %swap3A_589 = arith.constant 0 : i32
      %swap3A_590 = arith.index_cast %swap3A_589 : i32 to index
      %swap3A_591 = arith.constant 112 : index
      %swap3A_592 = tpu.vector_load %arg6[%swap3A_590, %swap3A_591] {strides = array<i32>} : memref<2x128xi32, #tpu.memory_space<vmem>>, vector<1x16xi32>,
      %swap3A_593 = vector.shape_cast %swap3A_592 : vector<1x16xi32> to vector<16xi32>
      %swap3A_594 = vector.shape_cast %and3A_588 : vector<16xi32> to vector<1x16xi32>
      tpu.vector_store %arg6[%swap3A_590, %swap3A_591], %swap3A_594 {strides = array<i32>} : memref<2x128xi32, #tpu.memory_space<vmem>>, vector<1x16xi32>,
      %shift_right_arithmetic3A_595 = arith.constant 16 : i32
      %shift_right_arithmetic3A_596 = vector.broadcast %shift_right_arithmetic3A_595 : i32 to vector<16xi32>
      %shift_right_arithmetic3A_597 = arith.shrsi %get3A_585, %shift_right_arithmetic3A_596 : vector<16xi32>
      %swap3A_598 = arith.constant 0 : i32
      %swap3A_599 = arith.index_cast %swap3A_598 : i32 to index
      %swap3A_600 = arith.constant 112 : index
      %swap3A_601 = tpu.vector_load %arg7[%swap3A_599, %swap3A_600] {strides = array<i32>} : memref<2x128xi32, #tpu.memory_space<vmem>>, vector<1x16xi32>,
      %swap3A_602 = vector.shape_cast %swap3A_601 : vector<1x16xi32> to vector<16xi32>
      %swap3A_603 = vector.shape_cast %shift_right_arithmetic3A_597 : vector<16xi32> to vector<1x16xi32>
      tpu.vector_store %arg7[%swap3A_599, %swap3A_600], %swap3A_603 {strides = array<i32>} : memref<2x128xi32, #tpu.memory_space<vmem>>, vector<1x16xi32>,
      %dma_start3A_604 = arith.constant 0 : i32
      %dma_start3A_605 = arith.constant 0 : i32
      %dma_start3A_606 = tpu.memref_slice %arg6[%dma_start3A_604, %dma_start3A_605] : memref<2x128xi32, #tpu.memory_space<vmem>> -> memref<1x128xi32, #tpu.memory_space<vmem>>
      %dma_start3A_607 = tpu.memref_squeeze %dma_start3A_606 : memref<1x128xi32, #tpu.memory_space<vmem>> -> memref<128xi32, #tpu.memory_space<vmem>>
      %dma_start3A_608 = arith.constant 0 : i32
      %dma_start3A_609 = arith.constant 0 : i32
      %dma_start3A_610 = tpu.memref_slice %arg2[%dma_start3A_608, %dma_start3A_609] : memref<10240x128xf32, #tpu.memory_space<hbm>> -> memref<10240x128xf32, #tpu.memory_space<hbm>>
      tpu.enqueue_indirect_dma source(%dma_start3A_610 : memref<10240x128xf32, #tpu.memory_space<hbm>>) target(%arg8 : memref<128x128xf32, #tpu.memory_space<vmem>>) offsets(%dma_start3A_607 : memref<128xi32, #tpu.memory_space<vmem>>) semaphore(%arg11 : memref<!tpu.dma_semaphore, #tpu.memory_space<semaphore_mem>>)
      %dma_wait3A_611 = arith.constant 1 : i32
      %dma_wait3A_612 = arith.constant 0 : i32
      %dma_wait3A_613 = tpu.memref_slice %arg6[%dma_wait3A_611, %dma_wait3A_612] : memref<2x128xi32, #tpu.memory_space<vmem>> -> memref<1x128xi32, #tpu.memory_space<vmem>>
      %dma_wait3A_614 = tpu.memref_squeeze %dma_wait3A_613 : memref<1x128xi32, #tpu.memory_space<vmem>> -> memref<128xi32, #tpu.memory_space<vmem>>
      %dma_wait3A_615 = arith.constant 0 : i32
      %dma_wait3A_616 = arith.constant 0 : i32
      %dma_wait3A_617 = tpu.memref_slice %arg2[%dma_wait3A_615, %dma_wait3A_616] : memref<10240x128xf32, #tpu.memory_space<hbm>> -> memref<10240x128xf32, #tpu.memory_space<hbm>>
      tpu.wait_indirect_dma semaphore(%arg12 : memref<!tpu.dma_semaphore, #tpu.memory_space<semaphore_mem>>) src(%dma_wait3A_617 : memref<10240x128xf32, #tpu.memory_space<hbm>>) dst(%arg9 : memref<128x128xf32, #tpu.memory_space<vmem>>)
      %run_scoped3A_618 = arith.constant 1 : i32
      "tpu.region"() ({
        %run_scoped3A_619 = tpu.sem_alloc : memref<!tpu.dma_semaphore, #tpu.memory_space<semaphore_mem>>
        %dma_start3A_620 = arith.constant 0 : i32
        %dma_start3A_621 = tpu.memref_slice %arg7[%run_scoped3A_618, %dma_start3A_620] : memref<2x128xi32, #tpu.memory_space<vmem>> -> memref<1x128xi32, #tpu.memory_space<vmem>>
        %dma_start3A_622 = tpu.memref_squeeze %dma_start3A_621 : memref<1x128xi32, #tpu.memory_space<vmem>> -> memref<128xi32, #tpu.memory_space<vmem>>
        %dma_start3A_623 = arith.constant 0 : i32
        %dma_start3A_624 = arith.constant 0 : i32
        %dma_start3A_625 = tpu.memref_slice %arg10[%dma_start3A_623, %dma_start3A_624] : memref<10240x128xf32, #tpu.memory_space<vmem_shared>> -> memref<10240x128xf32, #tpu.memory_space<vmem_shared>>
        tpu.enqueue_indirect_dma source(%arg9 : memref<128x128xf32, #tpu.memory_space<vmem>>) target(%dma_start3A_625 : memref<10240x128xf32, #tpu.memory_space<vmem_shared>>) offsets(%dma_start3A_622 : memref<128xi32, #tpu.memory_space<vmem>>) semaphore(%run_scoped3A_619 : memref<!tpu.dma_semaphore, #tpu.memory_space<semaphore_mem>>) {add = true}
        %dma_wait3A_626 = arith.constant 0 : i32
        %dma_wait3A_627 = tpu.memref_slice %arg7[%run_scoped3A_618, %dma_wait3A_626] : memref<2x128xi32, #tpu.memory_space<vmem>> -> memref<1x128xi32, #tpu.memory_space<vmem>>
        %dma_wait3A_628 = tpu.memref_squeeze %dma_wait3A_627 : memref<1x128xi32, #tpu.memory_space<vmem>> -> memref<128xi32, #tpu.memory_space<vmem>>
        %dma_wait3A_629 = arith.constant 0 : i32
        %dma_wait3A_630 = arith.constant 0 : i32
        %dma_wait3A_631 = tpu.memref_slice %arg10[%dma_wait3A_629, %dma_wait3A_630] : memref<10240x128xf32, #tpu.memory_space<vmem_shared>> -> memref<10240x128xf32, #tpu.memory_space<vmem_shared>>
        tpu.wait_indirect_dma semaphore(%run_scoped3A_619 : memref<!tpu.dma_semaphore, #tpu.memory_space<semaphore_mem>>) src(%arg9 : memref<128x128xf32, #tpu.memory_space<vmem>>) dst(%dma_wait3A_631 : memref<10240x128xf32, #tpu.memory_space<vmem_shared>>)
        tpu.yield
      }) : () -> ()
    }
    %scan3A_218 = arith.constant 39 : i32
    %dma_wait3A = arith.constant 0 : i32
    %dma_wait3A_219 = arith.constant 0 : i32
    %dma_wait3A_220 = tpu.memref_slice %arg6[%dma_wait3A, %dma_wait3A_219] : memref<2x128xi32, #tpu.memory_space<vmem>> -> memref<1x128xi32, #tpu.memory_space<vmem>>
    %dma_wait3A_221 = tpu.memref_squeeze %dma_wait3A_220 : memref<1x128xi32, #tpu.memory_space<vmem>> -> memref<128xi32, #tpu.memory_space<vmem>>
    %dma_wait3A_222 = arith.constant 0 : i32
    %dma_wait3A_223 = arith.constant 0 : i32
    %dma_wait3A_224 = tpu.memref_slice %arg2[%dma_wait3A_222, %dma_wait3A_223] : memref<10240x128xf32, #tpu.memory_space<hbm>> -> memref<10240x128xf32, #tpu.memory_space<hbm>>
    tpu.wait_indirect_dma semaphore(%arg11 : memref<!tpu.dma_semaphore, #tpu.memory_space<semaphore_mem>>) src(%dma_wait3A_224 : memref<10240x128xf32, #tpu.memory_space<hbm>>) dst(%arg8 : memref<128x128xf32, #tpu.memory_space<vmem>>)
    %run_scoped3A = arith.constant 0 : i32
    "tpu.region"() ({
      %run_scoped3A_230 = tpu.sem_alloc : memref<!tpu.dma_semaphore, #tpu.memory_space<semaphore_mem>>
      %dma_start3A_231 = arith.constant 0 : i32
      %dma_start3A_232 = tpu.memref_slice %arg7[%run_scoped3A, %dma_start3A_231] : memref<2x128xi32, #tpu.memory_space<vmem>> -> memref<1x128xi32, #tpu.memory_space<vmem>>
      %dma_start3A_233 = tpu.memref_squeeze %dma_start3A_232 : memref<1x128xi32, #tpu.memory_space<vmem>> -> memref<128xi32, #tpu.memory_space<vmem>>
      %dma_start3A_234 = arith.constant 0 : i32
      %dma_start3A_235 = arith.constant 0 : i32
      %dma_start3A_236 = tpu.memref_slice %arg10[%dma_start3A_234, %dma_start3A_235] : memref<10240x128xf32, #tpu.memory_space<vmem_shared>> -> memref<10240x128xf32, #tpu.memory_space<vmem_shared>>
      tpu.enqueue_indirect_dma source(%arg8 : memref<128x128xf32, #tpu.memory_space<vmem>>) target(%dma_start3A_236 : memref<10240x128xf32, #tpu.memory_space<vmem_shared>>) offsets(%dma_start3A_233 : memref<128xi32, #tpu.memory_space<vmem>>) semaphore(%run_scoped3A_230 : memref<!tpu.dma_semaphore, #tpu.memory_space<semaphore_mem>>) {add = true}
      %dma_wait3A_237 = arith.constant 0 : i32
      %dma_wait3A_238 = tpu.memref_slice %arg7[%run_scoped3A, %dma_wait3A_237] : memref<2x128xi32, #tpu.memory_space<vmem>> -> memref<1x128xi32, #tpu.memory_space<vmem>>
      %dma_wait3A_239 = tpu.memref_squeeze %dma_wait3A_238 : memref<1x128xi32, #tpu.memory_space<vmem>> -> memref<128xi32, #tpu.memory_space<vmem>>
      %dma_wait3A_240 = arith.constant 0 : i32
      %dma_wait3A_241 = arith.constant 0 : i32
      %dma_wait3A_242 = tpu.memref_slice %arg10[%dma_wait3A_240, %dma_wait3A_241] : memref<10240x128xf32, #tpu.memory_space<vmem_shared>> -> memref<10240x128xf32, #tpu.memory_space<vmem_shared>>
      tpu.wait_indirect_dma semaphore(%run_scoped3A_230 : memref<!tpu.dma_semaphore, #tpu.memory_space<semaphore_mem>>) src(%arg8 : memref<128x128xf32, #tpu.memory_space<vmem>>) dst(%dma_wait3A_242 : memref<10240x128xf32, #tpu.memory_space<vmem_shared>>)
      tpu.yield
    }) : () -> ()
    %barrier3A_225 = arith.constant 0 : index
    tpu.barrier barrier_id(%barrier3A_225)
    %mul3A_226 = arith.constant 640 : i32
    %mul3A_227 = arith.muli %arg1, %mul3A_226 : i32
    %mul3A_228 = arith.constant 640 : i32
    %mul3A_229 = arith.muli %arg1, %mul3A_228 : i32
    "tpu.region"() ({
      %run_scoped3A_230 = tpu.sem_alloc : memref<!tpu.dma_semaphore, #tpu.memory_space<semaphore_mem>>
      %dma_start3A_231 = arith.constant 0 : i32
      %dma_start3A_232 = arith.constant 0 : i32
      %dma_start3A_233 = tpu.memref_slice %arg4[%arg0, %dma_start3A_231, %dma_start3A_232] : memref<2x10240x128xf32, #tpu.memory_space<hbm>> -> memref<1x10240x128xf32, #tpu.memory_space<hbm>>
      %dma_start3A_234 = tpu.memref_squeeze %dma_start3A_233 : memref<1x10240x128xf32, #tpu.memory_space<hbm>> -> memref<10240x128xf32, #tpu.memory_space<hbm>>
      %dma_start3A_235 = arith.constant 0 : i32
      %dma_start3A_236 = tpu.memref_slice %dma_start3A_234[%mul3A_229, %dma_start3A_235] : memref<10240x128xf32, #tpu.memory_space<hbm>> -> memref<640x128xf32, #tpu.memory_space<hbm>>
      %dma_start3A_237 = arith.constant 0 : i32
      %dma_start3A_238 = tpu.memref_slice %arg10[%mul3A_227, %dma_start3A_237] : memref<10240x128xf32, #tpu.memory_space<vmem_shared>> -> memref<640x128xf32, #tpu.memory_space<vmem_shared>>
      tpu.enqueue_dma source(%dma_start3A_238 : memref<640x128xf32, #tpu.memory_space<vmem_shared>>) target(%dma_start3A_236 : memref<640x128xf32, #tpu.memory_space<hbm>>) target_semaphore(%run_scoped3A_230 : memref<!tpu.dma_semaphore, #tpu.memory_space<semaphore_mem>>)
      %dma_wait3A_239 = arith.constant 0 : i32
      %dma_wait3A_240 = arith.constant 0 : i32
      %dma_wait3A_241 = tpu.memref_slice %arg4[%arg0, %dma_wait3A_239, %dma_wait3A_240] : memref<2x10240x128xf32, #tpu.memory_space<hbm>> -> memref<1x10240x128xf32, #tpu.memory_space<hbm>>
      %dma_wait3A_242 = tpu.memref_squeeze %dma_wait3A_241 : memref<1x10240x128xf32, #tpu.memory_space<hbm>> -> memref<10240x128xf32, #tpu.memory_space<hbm>>
      %dma_wait3A_243 = arith.constant 0 : i32
      %dma_wait3A_244 = tpu.memref_slice %dma_wait3A_242[%mul3A_229, %dma_wait3A_243] : memref<10240x128xf32, #tpu.memory_space<hbm>> -> memref<640x128xf32, #tpu.memory_space<hbm>>
      %dma_wait3A_245 = arith.constant 0 : i32
      %dma_wait3A_246 = tpu.memref_slice %arg10[%mul3A_227, %dma_wait3A_245] : memref<10240x128xf32, #tpu.memory_space<vmem_shared>> -> memref<640x128xf32, #tpu.memory_space<vmem_shared>>
      tpu.wait_dma2 semaphore(%run_scoped3A_230 : memref<!tpu.dma_semaphore, #tpu.memory_space<semaphore_mem>>) src(%dma_wait3A_246 : memref<640x128xf32, #tpu.memory_space<vmem_shared>>) dst(%dma_wait3A_244 : memref<640x128xf32, #tpu.memory_space<hbm>>)
      tpu.yield
    }) : () -> ()
    return
  }
}

module attributes {stable_mosaic.version = 14 : i64} {
  func.func @_mlp1_body(%arg0: i32, %arg1: memref<640x128xf32, #tpu.memory_space<vmem>>, %arg2: memref<640x128xf32, #tpu.memory_space<vmem>>, %arg3: memref<640x128xf32, #tpu.memory_space<vmem>>, %arg4: memref<128x128xf32, #tpu.memory_space<vmem>>, %arg5: memref<1x128xf32, #tpu.memory_space<vmem>>, %arg6: memref<128x128xf32, #tpu.memory_space<vmem>>, %arg7: memref<1x128xf32, #tpu.memory_space<vmem>>, %arg8: memref<640x128xf32, #tpu.memory_space<vmem>>) attributes {dimension_semantics = [#tpu.dimension_semantics<arbitrary>], iteration_bounds = array<i64: 16>, scalar_prefetch = 0 : i64, scratch_operands = 0 : i64, tpu.core_type = #tpu.core_type<tc>, window_params = [{transform_indices = @transform_0, window_bounds = array<i64: 640, 128>}, {transform_indices = @transform_1, window_bounds = array<i64: 640, 128>}, {transform_indices = @transform_2, window_bounds = array<i64: 640, 128>}, {pipeline_mode = #tpu.pipeline_mode<synchronous>, transform_indices = @transform_3, window_bounds = array<i64: 128, 128>}, {pipeline_mode = #tpu.pipeline_mode<synchronous>, transform_indices = @transform_4, window_bounds = array<i64: 1, 128>}, {pipeline_mode = #tpu.pipeline_mode<synchronous>, transform_indices = @transform_5, window_bounds = array<i64: 128, 128>}, {pipeline_mode = #tpu.pipeline_mode<synchronous>, transform_indices = @transform_6, window_bounds = array<i64: 1, 128>}, {transform_indices = @transform_7, window_bounds = array<i64: 640, 128>}]} {
    %get3A = arith.constant 0 : index
    %get3A_0 = arith.constant 0 : index
    %get3A_1 = vector.load %arg1[%get3A, %get3A_0] : memref<640x128xf32, #tpu.memory_space<vmem>>, vector<640x128xf32>
    %get3A_2 = arith.constant 0 : index
    %get3A_3 = arith.constant 0 : index
    %get3A_4 = vector.load %arg2[%get3A_2, %get3A_3] : memref<640x128xf32, #tpu.memory_space<vmem>>, vector<640x128xf32>
    %add3A = arith.addf %get3A_1, %get3A_4 : vector<640x128xf32>
    %get3A_5 = arith.constant 0 : index
    %get3A_6 = arith.constant 0 : index
    %get3A_7 = vector.load %arg3[%get3A_5, %get3A_6] : memref<640x128xf32, #tpu.memory_space<vmem>>, vector<640x128xf32>
    %add3A_8 = arith.addf %add3A, %get3A_7 : vector<640x128xf32>
    %get3A_9 = arith.constant 0 : index
    %get3A_10 = arith.constant 0 : index
    %get3A_11 = vector.load %arg4[%get3A_9, %get3A_10] : memref<128x128xf32, #tpu.memory_space<vmem>>, vector<128x128xf32>
    %dot_general3A = arith.constant dense<0.000000e+00> : vector<640x128xf32>
    %dot_general3A_12 = tpu.matmul %add3A_8, %get3A_11, %dot_general3A {dimension_numbers = #tpu.dot_dimension_numbers<[1], [0], [0], [1], [0, 0, 1, 1], [], []>, transpose_lhs_hint = false} : vector<640x128xf32>, vector<128x128xf32>, vector<640x128xf32> -> vector<640x128xf32>
    %get3A_13 = arith.constant 0 : index
    %get3A_14 = arith.constant 0 : index
    %get3A_15 = vector.load %arg5[%get3A_13, %get3A_14] : memref<1x128xf32, #tpu.memory_space<vmem>>, vector<1x128xf32>
    %add3A_16 = vector.broadcast %get3A_15 : vector<1x128xf32> to vector<640x128xf32>
    %add3A_17 = arith.addf %dot_general3A_12, %add3A_16 : vector<640x128xf32>
    %max3A = arith.constant 0.000000e+00 : f32
    %max3A_18 = vector.broadcast %max3A : f32 to vector<640x128xf32>
    %max3A_19 = arith.maximumf %add3A_17, %max3A_18 : vector<640x128xf32>
    %get3A_20 = arith.constant 0 : index
    %get3A_21 = arith.constant 0 : index
    %get3A_22 = vector.load %arg6[%get3A_20, %get3A_21] : memref<128x128xf32, #tpu.memory_space<vmem>>, vector<128x128xf32>
    %dot_general3A_23 = arith.constant dense<0.000000e+00> : vector<640x128xf32>
    %dot_general3A_24 = tpu.matmul %max3A_19, %get3A_22, %dot_general3A_23 {dimension_numbers = #tpu.dot_dimension_numbers<[1], [0], [0], [1], [0, 0, 1, 1], [], []>, transpose_lhs_hint = false} : vector<640x128xf32>, vector<128x128xf32>, vector<640x128xf32> -> vector<640x128xf32>
    %get3A_25 = arith.constant 0 : index
    %get3A_26 = arith.constant 0 : index
    %get3A_27 = vector.load %arg7[%get3A_25, %get3A_26] : memref<1x128xf32, #tpu.memory_space<vmem>>, vector<1x128xf32>
    %add3A_28 = vector.broadcast %get3A_27 : vector<1x128xf32> to vector<640x128xf32>
    %add3A_29 = arith.addf %dot_general3A_24, %add3A_28 : vector<640x128xf32>
    %max3A_30 = arith.constant 0.000000e+00 : f32
    %max3A_31 = vector.broadcast %max3A_30 : f32 to vector<640x128xf32>
    %max3A_32 = arith.maximumf %add3A_29, %max3A_31 : vector<640x128xf32>
    %swap3A = arith.constant 0 : index
    %swap3A_33 = arith.constant 0 : index
    %swap3A_34 = vector.load %arg8[%swap3A, %swap3A_33] : memref<640x128xf32, #tpu.memory_space<vmem>>, vector<640x128xf32>
    tpu.vector_store %arg8[%swap3A, %swap3A_33], %max3A_32 {strides = array<i32>} : memref<640x128xf32, #tpu.memory_space<vmem>>, vector<640x128xf32>,
    return
  }
  func.func @transform_0(%arg0: i32) -> (i32, i32) {
    %c0_i32 = arith.constant 0 : i32
    %c0_i32_0 = arith.constant 0 : i32
    return %arg0, %c0_i32 : i32, i32
  }
  func.func @transform_1(%arg0: i32) -> (i32, i32) {
    %c0_i32 = arith.constant 0 : i32
    %c0_i32_0 = arith.constant 0 : i32
    return %arg0, %c0_i32 : i32, i32
  }
  func.func @transform_2(%arg0: i32) -> (i32, i32) {
    %c0_i32 = arith.constant 0 : i32
    %c0_i32_0 = arith.constant 0 : i32
    return %arg0, %c0_i32 : i32, i32
  }
  func.func @transform_3(%arg0: i32) -> (i32, i32) {
    %c0_i32 = arith.constant 0 : i32
    %c0_i32_0 = arith.constant 0 : i32
    %c0_i32_1 = arith.constant 0 : i32
    return %c0_i32, %c0_i32_0 : i32, i32
  }
  func.func @transform_4(%arg0: i32) -> (i32, i32) {
    %c0_i32 = arith.constant 0 : i32
    %c0_i32_0 = arith.constant 0 : i32
    %c0_i32_1 = arith.constant 0 : i32
    return %c0_i32, %c0_i32_0 : i32, i32
  }
  func.func @transform_5(%arg0: i32) -> (i32, i32) {
    %c0_i32 = arith.constant 0 : i32
    %c0_i32_0 = arith.constant 0 : i32
    %c0_i32_1 = arith.constant 0 : i32
    return %c0_i32, %c0_i32_0 : i32, i32
  }
  func.func @transform_6(%arg0: i32) -> (i32, i32) {
    %c0_i32 = arith.constant 0 : i32
    %c0_i32_0 = arith.constant 0 : i32
    %c0_i32_1 = arith.constant 0 : i32
    return %c0_i32, %c0_i32_0 : i32, i32
  }
  func.func @transform_7(%arg0: i32) -> (i32, i32) {
    %c0_i32 = arith.constant 0 : i32
    %c0_i32_0 = arith.constant 0 : i32
    return %arg0, %c0_i32 : i32, i32
  }
}

module attributes {stable_mosaic.version = 14 : i64} {
  func.func @_final_body(%arg0: i32, %arg1: memref<640x128xf32, #tpu.memory_space<vmem>>, %arg2: memref<640x128xf32, #tpu.memory_space<vmem>>, %arg3: memref<640x128xf32, #tpu.memory_space<vmem>>, %arg4: memref<128x128xf32, #tpu.memory_space<vmem>>, %arg5: memref<1x128xf32, #tpu.memory_space<vmem>>, %arg6: memref<128x128xf32, #tpu.memory_space<vmem>>, %arg7: memref<1x128xf32, #tpu.memory_space<vmem>>, %arg8: memref<1x1x640xi32, #tpu.memory_space<vmem>>, %arg9: memref<64x6xf32, #tpu.memory_space<vmem>>, %arg10: memref<128x128xf32, #tpu.memory_space<vmem>>, %arg11: memref<6x128xf32, #tpu.memory_space<vmem>>, %arg12: memref<1x128xf32, #tpu.memory_space<vmem>>, %arg13: memref<128x1xf32, #tpu.memory_space<vmem>>, %arg14: memref<1x1xf32, #tpu.memory_space<vmem>>, %arg15: memref<64x1xf32, #tpu.memory_space<vmem>>, %arg16: memref<64x128xf32, #tpu.memory_space<vmem>>, %arg17: memref<64x128xf32, #tpu.memory_space<vmem>>) attributes {dimension_semantics = [#tpu.dimension_semantics<arbitrary>], iteration_bounds = array<i64: 16>, scalar_prefetch = 0 : i64, scratch_operands = 2 : i64, tpu.core_type = #tpu.core_type<tc>, window_params = [{transform_indices = @transform_0, window_bounds = array<i64: 640, 128>}, {transform_indices = @transform_1, window_bounds = array<i64: 640, 128>}, {transform_indices = @transform_2, window_bounds = array<i64: 640, 128>}, {pipeline_mode = #tpu.pipeline_mode<synchronous>, transform_indices = @transform_3, window_bounds = array<i64: 128, 128>}, {pipeline_mode = #tpu.pipeline_mode<synchronous>, transform_indices = @transform_4, window_bounds = array<i64: 1, 128>}, {pipeline_mode = #tpu.pipeline_mode<synchronous>, transform_indices = @transform_5, window_bounds = array<i64: 128, 128>}, {pipeline_mode = #tpu.pipeline_mode<synchronous>, transform_indices = @transform_6, window_bounds = array<i64: 1, 128>}, {transform_indices = @transform_7, window_bounds = array<i64: 1, 1, 640>}, {pipeline_mode = #tpu.pipeline_mode<synchronous>, transform_indices = @transform_8, window_bounds = array<i64: 64, 6>}, {pipeline_mode = #tpu.pipeline_mode<synchronous>, transform_indices = @transform_9, window_bounds = array<i64: 128, 128>}, {pipeline_mode = #tpu.pipeline_mode<synchronous>, transform_indices = @transform_10, window_bounds = array<i64: 6, 128>}, {pipeline_mode = #tpu.pipeline_mode<synchronous>, transform_indices = @transform_11, window_bounds = array<i64: 1, 128>}, {pipeline_mode = #tpu.pipeline_mode<synchronous>, transform_indices = @transform_12, window_bounds = array<i64: 128, 1>}, {pipeline_mode = #tpu.pipeline_mode<synchronous>, transform_indices = @transform_13, window_bounds = array<i64: 1, 1>}, {pipeline_mode = #tpu.pipeline_mode<synchronous>, transform_indices = @transform_14, window_bounds = array<i64: 64, 1>}]} {
    %get3A = arith.constant 0 : index
    %get3A_0 = arith.constant 0 : index
    %get3A_1 = vector.load %arg1[%get3A, %get3A_0] : memref<640x128xf32, #tpu.memory_space<vmem>>, vector<640x128xf32>
    %get3A_2 = arith.constant 0 : index
    %get3A_3 = arith.constant 0 : index
    %get3A_4 = vector.load %arg2[%get3A_2, %get3A_3] : memref<640x128xf32, #tpu.memory_space<vmem>>, vector<640x128xf32>
    %add3A = arith.addf %get3A_1, %get3A_4 : vector<640x128xf32>
    %get3A_5 = arith.constant 0 : index
    %get3A_6 = arith.constant 0 : index
    %get3A_7 = vector.load %arg3[%get3A_5, %get3A_6] : memref<640x128xf32, #tpu.memory_space<vmem>>, vector<640x128xf32>
    %add3A_8 = arith.addf %add3A, %get3A_7 : vector<640x128xf32>
    %get3A_9 = arith.constant 0 : index
    %get3A_10 = arith.constant 0 : index
    %get3A_11 = vector.load %arg4[%get3A_9, %get3A_10] : memref<128x128xf32, #tpu.memory_space<vmem>>, vector<128x128xf32>
    %dot_general3A = arith.constant dense<0.000000e+00> : vector<640x128xf32>
    %dot_general3A_12 = tpu.matmul %add3A_8, %get3A_11, %dot_general3A {dimension_numbers = #tpu.dot_dimension_numbers<[1], [0], [0], [1], [0, 0, 1, 1], [], []>, transpose_lhs_hint = false} : vector<640x128xf32>, vector<128x128xf32>, vector<640x128xf32> -> vector<640x128xf32>
    %get3A_13 = arith.constant 0 : index
    %get3A_14 = arith.constant 0 : index
    %get3A_15 = vector.load %arg5[%get3A_13, %get3A_14] : memref<1x128xf32, #tpu.memory_space<vmem>>, vector<1x128xf32>
    %add3A_16 = vector.broadcast %get3A_15 : vector<1x128xf32> to vector<640x128xf32>
    %add3A_17 = arith.addf %dot_general3A_12, %add3A_16 : vector<640x128xf32>
    %max3A = arith.constant 0.000000e+00 : f32
    %max3A_18 = vector.broadcast %max3A : f32 to vector<640x128xf32>
    %max3A_19 = arith.maximumf %add3A_17, %max3A_18 : vector<640x128xf32>
    %get3A_20 = arith.constant 0 : index
    %get3A_21 = arith.constant 0 : index
    %get3A_22 = vector.load %arg6[%get3A_20, %get3A_21] : memref<128x128xf32, #tpu.memory_space<vmem>>, vector<128x128xf32>
    %dot_general3A_23 = arith.constant dense<0.000000e+00> : vector<640x128xf32>
    %dot_general3A_24 = tpu.matmul %max3A_19, %get3A_22, %dot_general3A_23 {dimension_numbers = #tpu.dot_dimension_numbers<[1], [0], [0], [1], [0, 0, 1, 1], [], []>, transpose_lhs_hint = false} : vector<640x128xf32>, vector<128x128xf32>, vector<640x128xf32> -> vector<640x128xf32>
    %get3A_25 = arith.constant 0 : index
    %get3A_26 = arith.constant 0 : index
    %get3A_27 = vector.load %arg7[%get3A_25, %get3A_26] : memref<1x128xf32, #tpu.memory_space<vmem>>, vector<1x128xf32>
    %add3A_28 = vector.broadcast %get3A_27 : vector<1x128xf32> to vector<640x128xf32>
    %add3A_29 = arith.addf %dot_general3A_24, %add3A_28 : vector<640x128xf32>
    %get3A_30 = arith.constant 0 : index
    %get3A_31 = arith.constant 0 : index
    %get3A_32 = arith.constant 0 : index
    %get3A_33 = vector.load %arg8[%get3A_30, %get3A_31, %get3A_32] : memref<1x1x640xi32, #tpu.memory_space<vmem>>, vector<1x1x640xi32>
    %get3A_34 = vector.shape_cast %get3A_33 : vector<1x1x640xi32> to vector<640xi32>
    %broadcast_in_dim3A = vector.shape_cast %get3A_34 : vector<640xi32> to vector<640x1xi32>
    %iota3A = tpu.iota {dimensions = array<i32: 1>} : vector<640x64xi32>
    %eq3A = vector.broadcast %broadcast_in_dim3A : vector<640x1xi32> to vector<640x64xi32>
    %eq3A_35 = arith.cmpi eq, %eq3A, %iota3A : vector<640x64xi32>
    %convert_element_type3A = arith.extui %eq3A_35 : vector<640x64xi1> to vector<640x64xi32>
    %convert_element_type3A_36 = arith.sitofp %convert_element_type3A : vector<640x64xi32> to vector<640x64xf32>
    %dot_general3A_37 = arith.constant dense<0.000000e+00> : vector<64x128xf32>
    %dot_general3A_38 = tpu.matmul %convert_element_type3A_36, %add3A_29, %dot_general3A_37 {dimension_numbers = #tpu.dot_dimension_numbers<[0], [0], [1], [1], [0, 1, 1, 1], [], []>, transpose_lhs_hint = false} : vector<640x64xf32>, vector<640x128xf32>, vector<64x128xf32> -> vector<64x128xf32>
    %broadcast_in_dim3A_39 = arith.constant 1.000000e+00 : f32
    %broadcast_in_dim3A_40 = vector.broadcast %broadcast_in_dim3A_39 : f32 to vector<640x128xf32>
    %dot_general3A_41 = arith.constant dense<0.000000e+00> : vector<64x128xf32>
    %dot_general3A_42 = tpu.matmul %convert_element_type3A_36, %broadcast_in_dim3A_40, %dot_general3A_41 {dimension_numbers = #tpu.dot_dimension_numbers<[0], [0], [1], [1], [0, 1, 1, 1], [], []>, transpose_lhs_hint = false} : vector<640x64xf32>, vector<640x128xf32>, vector<64x128xf32> -> vector<64x128xf32>
    %eq3A_43 = arith.constant 0 : i32
    %eq3A_44 = arith.cmpi eq, %arg0, %eq3A_43 : i32
    %convert_element_type3A_45 = arith.extui %eq3A_44 : i1 to i32
    %cond3A = arith.constant 0 : i32
    %cond3A_46 = arith.cmpi ne, %convert_element_type3A_45, %cond3A : i32
    scf.if %cond3A_46 {
      %swap3A = arith.constant 0 : index
      %swap3A_56 = arith.constant 0 : index
      %swap3A_57 = vector.load %arg16[%swap3A, %swap3A_56] : memref<64x128xf32, #tpu.memory_space<vmem>>, vector<64x128xf32>
      tpu.vector_store %arg16[%swap3A, %swap3A_56], %dot_general3A_38 {strides = array<i32>} : memref<64x128xf32, #tpu.memory_space<vmem>>, vector<64x128xf32>,
      %swap3A_58 = arith.constant 0 : index
      %swap3A_59 = arith.constant 0 : index
      %swap3A_60 = vector.load %arg17[%swap3A_58, %swap3A_59] : memref<64x128xf32, #tpu.memory_space<vmem>>, vector<64x128xf32>
      tpu.vector_store %arg17[%swap3A_58, %swap3A_59], %dot_general3A_42 {strides = array<i32>} : memref<64x128xf32, #tpu.memory_space<vmem>>, vector<64x128xf32>,
    } else {
    }
    %gt3A = arith.constant 0 : i32
    %gt3A_47 = arith.cmpi sgt, %arg0, %gt3A : i32
    %convert_element_type3A_48 = arith.extui %gt3A_47 : i1 to i32
    %cond3A_49 = arith.constant 0 : i32
    %cond3A_50 = arith.cmpi ne, %convert_element_type3A_48, %cond3A_49 : i32
    scf.if %cond3A_50 {
      %get3A_56 = arith.constant 0 : index
      %get3A_57 = arith.constant 0 : index
      %get3A_58 = vector.load %arg16[%get3A_56, %get3A_57] : memref<64x128xf32, #tpu.memory_space<vmem>>, vector<64x128xf32>
      %add3A_59 = arith.addf %get3A_58, %dot_general3A_38 : vector<64x128xf32>
      %swap3A = arith.constant 0 : index
      %swap3A_60 = arith.constant 0 : index
      %swap3A_61 = vector.load %arg16[%swap3A, %swap3A_60] : memref<64x128xf32, #tpu.memory_space<vmem>>, vector<64x128xf32>
      tpu.vector_store %arg16[%swap3A, %swap3A_60], %add3A_59 {strides = array<i32>} : memref<64x128xf32, #tpu.memory_space<vmem>>, vector<64x128xf32>,
      %get3A_62 = arith.constant 0 : index
      %get3A_63 = arith.constant 0 : index
      %get3A_64 = vector.load %arg17[%get3A_62, %get3A_63] : memref<64x128xf32, #tpu.memory_space<vmem>>, vector<64x128xf32>
      %add3A_65 = arith.addf %get3A_64, %dot_general3A_42 : vector<64x128xf32>
      %swap3A_66 = arith.constant 0 : index
      %swap3A_67 = arith.constant 0 : index
      %swap3A_68 = vector.load %arg17[%swap3A_66, %swap3A_67] : memref<64x128xf32, #tpu.memory_space<vmem>>, vector<64x128xf32>
      tpu.vector_store %arg17[%swap3A_66, %swap3A_67], %add3A_65 {strides = array<i32>} : memref<64x128xf32, #tpu.memory_space<vmem>>, vector<64x128xf32>,
    } else {
    }
    %eq3A_51 = arith.constant 15 : i32
    %eq3A_52 = arith.cmpi eq, %arg0, %eq3A_51 : i32
    %convert_element_type3A_53 = arith.extui %eq3A_52 : i1 to i32
    %cond3A_54 = arith.constant 0 : i32
    %cond3A_55 = arith.cmpi ne, %convert_element_type3A_53, %cond3A_54 : i32
    scf.if %cond3A_55 {
      %get3A_56 = arith.constant 0 : index
      %get3A_57 = arith.constant 0 : index
      %get3A_58 = vector.load %arg16[%get3A_56, %get3A_57] : memref<64x128xf32, #tpu.memory_space<vmem>>, vector<64x128xf32>
      %get3A_59 = arith.constant 0 : index
      %get3A_60 = arith.constant 0 : index
      %get3A_61 = vector.load %arg17[%get3A_59, %get3A_60] : memref<64x128xf32, #tpu.memory_space<vmem>>, vector<64x128xf32>
      %max3A_62 = arith.constant 1.000000e+00 : f32
      %max3A_63 = vector.broadcast %max3A_62 : f32 to vector<64x128xf32>
      %max3A_64 = arith.maximumf %get3A_61, %max3A_63 : vector<64x128xf32>
      %div3A = arith.divf %get3A_58, %max3A_64 : vector<64x128xf32>
      %get3A_65 = arith.constant 0 : index
      %get3A_66 = arith.constant 0 : index
      %get3A_67 = vector.load %arg10[%get3A_65, %get3A_66] : memref<128x128xf32, #tpu.memory_space<vmem>>, vector<128x128xf32>
      %dot_general3A_68 = arith.constant dense<0.000000e+00> : vector<64x128xf32>
      %dot_general3A_69 = tpu.matmul %div3A, %get3A_67, %dot_general3A_68 {dimension_numbers = #tpu.dot_dimension_numbers<[1], [0], [0], [1], [0, 0, 1, 1], [], []>, transpose_lhs_hint = false} : vector<64x128xf32>, vector<128x128xf32>, vector<64x128xf32> -> vector<64x128xf32>
      %get3A_70 = arith.constant 0 : index
      %get3A_71 = arith.constant 0 : index
      %get3A_72 = vector.load %arg9[%get3A_70, %get3A_71] : memref<64x6xf32, #tpu.memory_space<vmem>>, vector<64x6xf32>
      %get3A_73 = arith.constant 0 : index
      %get3A_74 = arith.constant 0 : index
      %get3A_75 = vector.load %arg11[%get3A_73, %get3A_74] : memref<6x128xf32, #tpu.memory_space<vmem>>, vector<6x128xf32>
      %dot_general3A_76 = arith.constant dense<0.000000e+00> : vector<64x128xf32>
      %dot_general3A_77 = tpu.matmul %get3A_72, %get3A_75, %dot_general3A_76 {dimension_numbers = #tpu.dot_dimension_numbers<[1], [0], [0], [1], [0, 0, 1, 1], [], []>, transpose_lhs_hint = false} : vector<64x6xf32>, vector<6x128xf32>, vector<64x128xf32> -> vector<64x128xf32>
      %add3A_78 = arith.addf %dot_general3A_69, %dot_general3A_77 : vector<64x128xf32>
      %get3A_79 = arith.constant 0 : index
      %get3A_80 = arith.constant 0 : index
      %get3A_81 = vector.load %arg12[%get3A_79, %get3A_80] : memref<1x128xf32, #tpu.memory_space<vmem>>, vector<1x128xf32>
      %add3A_82 = vector.broadcast %get3A_81 : vector<1x128xf32> to vector<64x128xf32>
      %add3A_83 = arith.addf %add3A_78, %add3A_82 : vector<64x128xf32>
      %max3A_84 = arith.constant 0.000000e+00 : f32
      %max3A_85 = vector.broadcast %max3A_84 : f32 to vector<64x128xf32>
      %max3A_86 = arith.maximumf %add3A_83, %max3A_85 : vector<64x128xf32>
      %get3A_87 = arith.constant 0 : index
      %get3A_88 = arith.constant 0 : index
      %get3A_89 = vector.load %arg13[%get3A_87, %get3A_88] : memref<128x1xf32, #tpu.memory_space<vmem>>, vector<128x1xf32>
      %dot_general3A_90 = arith.constant dense<0.000000e+00> : vector<64x1xf32>
      %dot_general3A_91 = tpu.matmul %max3A_86, %get3A_89, %dot_general3A_90 {dimension_numbers = #tpu.dot_dimension_numbers<[1], [0], [0], [1], [0, 0, 1, 1], [], []>, transpose_lhs_hint = false} : vector<64x128xf32>, vector<128x1xf32>, vector<64x1xf32> -> vector<64x1xf32>
      %get3A_92 = arith.constant 0 : index
      %get3A_93 = arith.constant 0 : index
      %get3A_94 = vector.load %arg14[%get3A_92, %get3A_93] : memref<1x1xf32, #tpu.memory_space<vmem>>, vector<1x1xf32>
      %add3A_95 = vector.broadcast %get3A_94 : vector<1x1xf32> to vector<64x1xf32>
      %add3A_96 = arith.addf %dot_general3A_91, %add3A_95 : vector<64x1xf32>
      %swap3A = arith.constant 0 : index
      %swap3A_97 = arith.constant 0 : index
      %swap3A_98 = vector.load %arg15[%swap3A, %swap3A_97] : memref<64x1xf32, #tpu.memory_space<vmem>>, vector<64x1xf32>
      tpu.vector_store %arg15[%swap3A, %swap3A_97], %add3A_96 {strides = array<i32>} : memref<64x1xf32, #tpu.memory_space<vmem>>, vector<64x1xf32>,
    } else {
    }
    return
  }
  func.func @transform_0(%arg0: i32) -> (i32, i32) {
    %c0_i32 = arith.constant 0 : i32
    %c0_i32_0 = arith.constant 0 : i32
    return %arg0, %c0_i32 : i32, i32
  }
  func.func @transform_1(%arg0: i32) -> (i32, i32) {
    %c0_i32 = arith.constant 0 : i32
    %c0_i32_0 = arith.constant 0 : i32
    return %arg0, %c0_i32 : i32, i32
  }
  func.func @transform_2(%arg0: i32) -> (i32, i32) {
    %c0_i32 = arith.constant 0 : i32
    %c0_i32_0 = arith.constant 0 : i32
    return %arg0, %c0_i32 : i32, i32
  }
  func.func @transform_3(%arg0: i32) -> (i32, i32) {
    %c0_i32 = arith.constant 0 : i32
    %c0_i32_0 = arith.constant 0 : i32
    %c0_i32_1 = arith.constant 0 : i32
    return %c0_i32, %c0_i32_0 : i32, i32
  }
  func.func @transform_4(%arg0: i32) -> (i32, i32) {
    %c0_i32 = arith.constant 0 : i32
    %c0_i32_0 = arith.constant 0 : i32
    %c0_i32_1 = arith.constant 0 : i32
    return %c0_i32, %c0_i32_0 : i32, i32
  }
  func.func @transform_5(%arg0: i32) -> (i32, i32) {
    %c0_i32 = arith.constant 0 : i32
    %c0_i32_0 = arith.constant 0 : i32
    %c0_i32_1 = arith.constant 0 : i32
    return %c0_i32, %c0_i32_0 : i32, i32
  }
  func.func @transform_6(%arg0: i32) -> (i32, i32) {
    %c0_i32 = arith.constant 0 : i32
    %c0_i32_0 = arith.constant 0 : i32
    %c0_i32_1 = arith.constant 0 : i32
    return %c0_i32, %c0_i32_0 : i32, i32
  }
  func.func @transform_7(%arg0: i32) -> (i32, i32, i32) {
    %c0_i32 = arith.constant 0 : i32
    %c0_i32_0 = arith.constant 0 : i32
    %c0_i32_1 = arith.constant 0 : i32
    return %arg0, %c0_i32, %c0_i32_0 : i32, i32, i32
  }
  func.func @transform_8(%arg0: i32) -> (i32, i32) {
    %c0_i32 = arith.constant 0 : i32
    %c0_i32_0 = arith.constant 0 : i32
    %c0_i32_1 = arith.constant 0 : i32
    return %c0_i32, %c0_i32_0 : i32, i32
  }
  func.func @transform_9(%arg0: i32) -> (i32, i32) {
    %c0_i32 = arith.constant 0 : i32
    %c0_i32_0 = arith.constant 0 : i32
    %c0_i32_1 = arith.constant 0 : i32
    return %c0_i32, %c0_i32_0 : i32, i32
  }
  func.func @transform_10(%arg0: i32) -> (i32, i32) {
    %c0_i32 = arith.constant 0 : i32
    %c0_i32_0 = arith.constant 0 : i32
    %c0_i32_1 = arith.constant 0 : i32
    return %c0_i32, %c0_i32_0 : i32, i32
  }
  func.func @transform_11(%arg0: i32) -> (i32, i32) {
    %c0_i32 = arith.constant 0 : i32
    %c0_i32_0 = arith.constant 0 : i32
    %c0_i32_1 = arith.constant 0 : i32
    return %c0_i32, %c0_i32_0 : i32, i32
  }
  func.func @transform_12(%arg0: i32) -> (i32, i32) {
    %c0_i32 = arith.constant 0 : i32
    %c0_i32_0 = arith.constant 0 : i32
    %c0_i32_1 = arith.constant 0 : i32
    return %c0_i32, %c0_i32_0 : i32, i32
  }
  func.func @transform_13(%arg0: i32) -> (i32, i32) {
    %c0_i32 = arith.constant 0 : i32
    %c0_i32_0 = arith.constant 0 : i32
    %c0_i32_1 = arith.constant 0 : i32
    return %c0_i32, %c0_i32_0 : i32, i32
  }
  func.func @transform_14(%arg0: i32) -> (i32, i32) {
    %c0_i32 = arith.constant 0 : i32
    %c0_i32_0 = arith.constant 0 : i32
    %c0_i32_1 = arith.constant 0 : i32
    return %c0_i32, %c0_i32_0 : i32, i32
  }
}

</mosaic_0001>

<sc_bundles>
// kernel: kernel.6.cloned.1.call-start
scs
__scs_entry_jumppad:
0x0: {  	(pc) =	sbr.rel $0x88, $3  }
0x1: {  	(tag) =	ssettag $0x0;
	lr =	simm.s32 $0x1  }
0x2: {  	[smem:$0x3F91] =	sst lr;
	_ =	strace $0xD0000000  }
0x3: {  	_ = 	snop  }
0x4: {  	_ = 	snop  }
0x5: {  	_ = 	snop  }
0x6: {  	_ = 	snop  }
0x7: {  	_ = 	snop  }
__scs_overlays_trampoline_lowered:
0x8: {  	[smem:$0x3FA0] =	sst s0  }
0x9: {  	[smem:$0x3FA1] =	sst s1  }
0xa: {  	[smem:$0x3FA2] =	sst s2  }
0xb: {  	[smem:$0x3FA3] =	sst s3  }
0xc: {  	[smem:$0x3FA4] =	sst s4  }
0xd: {  	[smem:$0x3FA5] =	sst s5  }
0xe: {  	[smem:$0x3FA6] =	sst s6  }
0xf: {  	[smem:$0x3FA7] =	sst s7  }
0x10: {  	[smem:$0x3FA8] =	sst s8  }
0x11: {  	[smem:$0x3FA9] =	sst s9;
	s0 =	simm.s32 @!p0 $0x0  }
0x12: {  	s1 =	sld [smem:$0x3F8F];
	s0 =	simm.s32 @p0 $0x1  }
0x13: {  	[smem:$0x3FAA] =	sst s0;
	s0 =	simm.s32 @!p1 $0x0  }
0x14: {  	s2 =	sld [smem:$0x3F8E];
	s0 =	simm.s32 @p1 $0x1  }
0x15: {  	[smem:$0x3FAB] =	sst s0;
	s0 =	simm.s32 @!p2 $0x0  }
0x16: {  	s3 =	sld [smem:$0x3FDB];
	s0 =	simm.s32 @p2 $0x1  }
0x17: {  	s4 =	simm.s32 $0x1BF5;
	[smem:$0x3FAD] =	sst s0  }
0x18: {  	s0 =	sld [smem:$0x3F90];
	_ =	swait.ge [sflag:s4], $0x0  }
0x19: {  	s7 =	sld [smem:$0x3F91]  }
0x1a: {  	s8 =	sadd.s32 $0xFFFFE003, lr  }
0x1b: {  	s9 =	sadd.s32 $0xFFFFFEF7, lr;
	s5 =	simm.s32 $0xFFFFFFFF;
	p2 =	slt.u32 s8, $0xFFFFF086  }
0x1c: {  	p1 =	slt.u32 s9, $0xF7A;
	s5 =	simm.s32 @!p2 $0x0  }
0x1d: {  	s5 =	simm.s32 @p1 $0x1;
	p0 =	seq.s32 s7, s2  }
0x1e: {  	s7 =	smul.u32 @!p0 $0xF7A, s2;
	p2 =	seq.s32 @!p0 s5, $0x0  }
0x1f: {  	s9 =	smul.u32 $0xF7A, s1;
	s8 =	simm.s32 @!p0 $0x1BF5;
	p2 =	por !p2, p0  }
0x20: {  	[sflag:s8] =	ssyncset.s32 @!p0 $0xFFFFF086;
	s6 =	sadd.s32 @!p0 s3, s7;
	s7 =	simm.s32 @!p0 $0x108  }
0x21: {  	s3 =	sadd.s32 s3, s9;
	s6 =	sadd.s32 @!p0 $0x88, s6;
	s7 =	simm.s32 @p2 $0x1082  }
0x22: {  	[simem:s7], [sflag:s8] =	dma.local @!p0 [hbm:s6], $0xF7A  }
0x23: {  	s9 =	sor.u32 $0xD0000000, s2;
	s6 =	simm.s32 $0x108;
	_ =	swait.ge @!p0 [sflag:s8], $0x0  }
0x24: {  	s3 =	sadd.s32 $0x88, s3;
	s6 =	simm.s32 @!p1 $0x1082;
	[sflag:s4] =	ssyncset.s32 $0xFFFFF086  }
0x25: {  	[simem:s6], [sflag:s4] =	dma.local [hbm:s3], $0xF7A  }
0x26: {  	[smem:$0x3F91] =	sst s1;
	(tag) =	ssettag s2;
	_ =	strace s9  }
0x27: {  	s1 =	sld [smem:$0x3FA1]  }
0x28: {  	s2 =	sld [smem:$0x3FA2]  }
0x29: {  	s4 =	sld [smem:$0x3FA4]  }
0x2a: {  	p0 =	seq.s32 s5, $0x0;
	s5 =	sld [smem:$0x3FA5]  }
0x2b: {  	s6 =	sld [smem:$0x3FA6]  }
0x2c: {  	s7 =	sld [smem:$0x3FA7]  }
0x2d: {  	s3 =	simm.s32 $0x108;
	s8 =	sld [smem:$0x3FA8]  }
0x2e: {  	s3 =	simm.s32 @!p0 $0x1082;
	s9 =	sld [smem:$0x3FA9]  }
0x2f: {  	lr =	sadd.s32 s0, s3;
	s0 =	sld [smem:$0x3FA0]  }
0x30: {  	s3 =	sld [smem:$0x3FA3]  }
0x31: {  	[smem:$0x3FAC] =	sst s10  }
0x32: {  	s10 =	sld [smem:$0x3FAA];
	_ =	sdelay $0x3  }
0x33: {  	p0 =	seq.s32 s10, $0x1;
	s10 =	sld [smem:$0x3FAC];
	_ =	sdelay $0x3  }
0x34: {  	[smem:$0x3FAC] =	sst s10  }
0x35: {  	s10 =	sld [smem:$0x3FAB];
	_ =	sdelay $0x3  }
0x36: {  	p1 =	seq.s32 s10, $0x1;
	s10 =	sld [smem:$0x3FAC];
	_ =	sdelay $0x3  }
0x37: {  	[smem:$0x3FAC] =	sst s10  }
0x38: {  	s10 =	sld [smem:$0x3FAD]  }
0x39: {  	_ = 	snop;
	(pc) =	sbr.ind lr, $3  }
0x3a: {  	_ = 	snop  }
0x3b: {  	_ = 	snop  }
0x3c: {  	p2 =	seq.s32 s10, $0x1;
	s10 =	sld [smem:$0x3FAC]  }
0x3d: {  	_ =	shalt  }
0x3e: {  	_ =	shalt  }
0x3f: {  	_ =	shalt  }
0x40: {  	_ =	shalt  }
0x41: {  	_ =	shalt  }
0x42: {  	_ =	shalt  }
0x43: {  	_ =	shalt  }
0x44: {  	_ =	shalt  }
0x45: {  	_ =	shalt  }
0x46: {  	_ =	shalt  }
0x47: {  	_ =	shalt  }
0x48: {  	_ =	shalt  }
0x49: {  	_ =	shalt  }
0x4a: {  	_ =	shalt  }
0x4b: {  	_ =	shalt  }
0x4c: {  	_ =	shalt  }
0x4d: {  	_ =	shalt  }
0x4e: {  	_ =	shalt  }
0x4f: {  	_ =	shalt  }
0x50: {  	_ =	shalt  }
0x51: {  	_ =	shalt  }
0x52: {  	_ =	shalt  }
0x53: {  	_ =	shalt  }
0x54: {  	_ =	shalt  }
0x55: {  	_ =	shalt  }
0x56: {  	_ =	shalt  }
0x57: {  	_ =	shalt  }
0x58: {  	_ =	shalt  }
0x59: {  	_ =	shalt  }
0x5a: {  	_ =	shalt  }
0x5b: {  	_ =	shalt  }
0x5c: {  	_ =	shalt  }
0x5d: {  	_ =	shalt  }
0x5e: {  	_ =	shalt  }
0x5f: {  	_ =	shalt  }
0x60: {  	_ =	shalt  }
0x61: {  	_ =	shalt  }
0x62: {  	_ =	shalt  }
0x63: {  	_ =	shalt  }
0x64: {  	_ =	shalt  }
0x65: {  	_ =	shalt  }
0x66: {  	_ =	shalt  }
0x67: {  	_ =	shalt  }
0x68: {  	_ =	shalt  }
0x69: {  	_ =	shalt  }
0x6a: {  	_ =	shalt  }
0x6b: {  	_ =	shalt  }
0x6c: {  	_ =	shalt  }
0x6d: {  	_ =	shalt  }
0x6e: {  	_ =	shalt  }
0x6f: {  	_ =	shalt  }
0x70: {  	_ =	shalt  }
0x71: {  	_ =	shalt  }
0x72: {  	_ =	shalt  }
0x73: {  	_ =	shalt  }
0x74: {  	_ =	shalt  }
0x75: {  	_ =	shalt  }
0x76: {  	_ =	shalt  }
0x77: {  	_ =	shalt  }
0x78: {  	_ =	shalt  }
0x79: {  	_ =	shalt  }
0x7a: {  	_ =	shalt  }
0x7b: {  	_ =	shalt  }
0x7c: {  	_ =	shalt  }
0x7d: {  	_ =	shalt  }
0x7e: {  	_ =	shalt  }
0x7f: {  	_ =	shalt  }
0x80: {  	_ =	shalt  }
0x81: {  	_ =	shalt  }
0x82: {  	_ =	shalt  }
0x83: {  	_ =	shalt  }
0x84: {  	_ =	shalt  }
0x85: {  	_ =	shalt  }
0x86: {  	_ =	shalt  }
0x87: {  	_ =	shalt  }
.Lfunc_end0:
.L_simem_size_0:
called_computation_lowered:
.L_overlay_start_0:
0x88: {  	s2 =	sld [smem:$0x3FD9]  }
0x89: {  	s3 =	sld [smem:$0x3FFE];
	_ =	sdelay $0x1  }
0x8a: {  	s1 =	srdreg.scid  }
0x8b: {  	s0 =	sand.u32 $0x1, s1  }
0x8c: {  	s16 =	sshll.u32 s0, $0xA;
	s2 =	sadd.s32 s3, s2  }
0x8d: {  	s2 =	sadd.s32 s2, s16  }
0x8e: {  	[smem:$0x3FB8] =	sst s2  }
0x8f: {  	_ = 	snop  }
0x90: {  	(tm) =	ssettm $0x1  }
0x91: {  	s17 =	sld [smem:$0x3FFB];
	_ =	sdelay $0x3  }
0x92: {  	_ =	strace s17  }
0x93: {  	s2 =	sld [smem:$0x3FFC];
	_ =	sdelay $0x3  }
0x94: {  	_ =	strace s2  }
0x95: {  	s2 =	sld [smem:$0x3FFD];
	_ =	sdelay $0x3  }
0x96: {  	_ =	strace s2  }
0x97: {  	_ =	strace $0x8FFFFFFF  }
0x98: {  	s18 =	sld [smem:$0x3FDB];
	_ =	sdelay $0x1  }
0x99: {  	s19 =	simm.s32 $_scs_section_size  }
0x9a: {  	s4 =	simm.s32 $_size__tile_overlayer_lowered;
	s5 =	simm.s32 $_tile_overlayer_lowered  }
0x9b: {  	s22 =	simm.s32 $0x1BFF;
	s21 =	sshll.u32 s5, $0x1;
	s2 =	sadd.s32 s19, s18  }
0x9c: {  	s6 =	simm.s32 $0x0;
	s20 =	sshll.u32 s4, $0x1;
	s4 =	sadd.s32 s21, s2  }
0x9d: {  	[timem:s6], [sflag:s22] =	dma.local [hbm:s4], s20  }
0x9e: {  	_ =	swait.ge [sflag:s22], s20  }
0x9f: {  	s3 =	ssub.s32 $0x0, s20;
	[sflag:s22] =	ssyncset.done $0x0  }
0xa0: {  	[sflag:s22] =	ssyncadd.s32 s3;
	_ =	sdelay $0x1  }
0xa1: {  	s23 =	simm.s32 $0x1B8B  }
0xa2: {  	_ =	swait.ge [sflag:s23], $0x1  }
0xa3: {  	[sflag:s23] =	ssyncset.done $0x0  }
0xa4: {  	s25 =	simm.s32 $0x1B8E;
	s24 =	sld [smem:$0x3FFE];
	[sflag:s23] =	ssyncadd.s32 $0xFFFFFFFF  }
0xa5: {  	s26 =	simm.s32 $execute0_lowered;
	[smem:$0x3FD2] =	sst s25  }
0xa6: {  	s4 =	sshll.u32 s26, $0x1;
	_ =	strace $0x80000046;
	[dreg:$0x1] =	wrdreg $0xFFFFFFFF  }
0xa7: {  	s28 =	simm.s32 $_size_execute0_lowered;
	s2 =	sadd.s32 s2, s4;
	[dreg:$0x0] =	wrdreg $0x0  }
0xa8: {  	s4 =	sshll.u32 s28, $0x1;
	[dreg:$0x2] =	wrdreg s2  }
0xa9: {  	[dreg:$0x3] =	wrdreg s4  }
0xaa: {  	[dreg:$0x4] =	wrdreg $0xC0  }
0xab: {  	_ =	task [dreg:s6], $0x5FFFF  }
0xac: {  	[dreg:$0x1] =	wrdreg $0xFFFFFFFF  }
0xad: {  	[dreg:$0x0] =	wrdreg $0x60  }
0xae: {  	[dreg:$0x2] =	wrdreg s24  }
0xaf: {  	[dreg:$0x3] =	wrdreg $0xAA000  }
0xb0: {  	[dreg:$0x4] =	wrdreg $0x9  }
0xb1: {  	_ =	task.clear_ibuf [dreg:s6], $0x5FFFF;
	_ =	strace $0x90000046  }
0xb2: {  	s29 =	simm.s32 $0x9;
	_ =	strace $0x80000048  }
0xb3: {  	_ =	swait.ge [sflag:s29], $0x1  }
0xb4: {  	[sflag:s29] =	ssyncadd.s32 $0xFFFFFFFF  }
0xb5: {  	_ =	strace $0x90000048  }
0xb6: {  	_ =	sfence  }
0xb7: {  	s30 =	sld [smem:$0x0];
	_ =	sdelay $0x2  }
0xb8: {  	s31 =	sshll.u32 s1, $0xD;
	s1 =	sshrl.u32 s1, $0x2  }
0xb9: {  	s3 =	sand.u32 $0x4000, s31;
	s1 =	sadd.s32 s1, s30  }
0xba: {  	s0 =	sor.u32 s3, s0;
	s1 =	sshll.u32 s1, $0x11  }
0xbb: {  	s0 =	sor.u32 s1, s0  }
0xbc: {  	s0 =	sadd.s32 $0x8F2B, s0  }
0xbd: {  	[sflag:s0] =	ssyncadd.remote.s32 $0x1  }
0xbe: {  	_ =	sfence.sel $0xFFFF  }
0xbf: {  	[dreg:$0x0] =	wrdreg $0xFFFFFFFF;
	(pc) =	sbr.abs _section_cstart, $3  }
0xc0: {  	[dreg:$0x1] =	wrdreg $0xFFFFFFFF  }
0xc1: {  	_ =	task.clear_ibuf [dreg:s6], $0x2FFFF;
	_ =	strace $0x9FFFFFFF  }
0xc2: {  	(tm) =	ssettm $0x7FFFFFFF  }
0xc3: {  	_ =	shalt  }
tec
execute0_lowered:
.L_overlay_start_1:
0x0: {  	(tag) =	ssettag $0x1  }
0x1: {  	s0 =	srdreg.scid;
	s6 =	rddreg [dreg:$0x0]  }
0x2: {  	s2 =	rddreg [dreg:$0x1];
	s3 =	simm.s32 $0x0;
	s13 =	simm.s32 $0x2A00  }
0x3: {  	s14 =	simm.s32 $0x80;
	s15 =	simm.s32 $0x2800;
	s16 =	simm.s32 $0x2880  }
0x4: {  	s17 =	simm.s32 $0x6A00;
	s18 =	simm.s32 $0x1;
	s19 =	simm.s32 $0x2900  }
0x5: {  	s20 =	simm.s32 $0x2;
	s5 =	sand.u32 $0x1, s0;
	s0 =	stileid.u32  }
0x6: {  	s21 =	simm.s32 $0x2980;
	[smem:$0x7FF] =	sst s3;
	s8 =	smul.u32 $0x28000, s5  }
0x7: {  	s1 =	sshll.u32 s5, $0x4;
	s9 =	smul.u32 $0x50000, s0;
	s5 =	ssub.s32 $0x2, s5  }
0x8: {  	s23 =	smul.u32 $0x2800, s0;
	s24 =	sshll.u32 s0, $0x6;
	s4 =	sor.u32 s0, s1  }
0x9: {  	s1 =	rddreg [dreg:$0x2];
	_ =	strace $0x80000047;
	s30 =	sshrl.u32 s5, $0x1  }
0xa: {  	s7 =	smul.u32 $0x500, s4;
	s4 =	sadd.s32 $0xD200, s6;
	s11 =	sadd.s32 s8, s6  }
0xb: {  	s31 =	sshrl.u32 s9, $0x2;
	s12 =	ssub.s32 s5, s30;
	s22 =	sadd.s32 $0x35200, s11  }
0xc: {  	s11 =	smax.u32 s12, $0x1;
	s12 =	simm.s32 $0x3;
	s7 =	sadd.s32 s7, s6  }
0xd: {  	s6 =	sadd.s32 s31, s2;
	s22 =	sadd.s32 s23, s22;
	s23 =	sor.u32 $0x1C03, s24  }
0xe: {  	s24 =	simm.s32 $0x0;
	s5 =	sadd.s32 $0x3200, s7;
	s7 =	sadd.s32 $0x4000, s6  }
0xf: {  	v0 =	vimm.f32 $0.0e+00;
	s8 =	sadd.s32 $0x8000, s6;
	s9 =	sadd.s32 $0xC000, s6;
	s10 =	sadd.s32 $0x10000, s6  }
.LBB2_1:
0x10: {  	[tilespmem:s3], [sflag:$0x3] =	stream.linear.gather [hbm4b:s5+s3], $0x2780, $0x38;
	[tilespmem:$0x1EA00] =	vst v63  }
0x11: {  	_ =	swait.ge [sflag:s12], $0x2780  }
0x12: {  	[sflag:s12] =	ssyncset.done $0x0  }
0x13: {  	s25 =	simm.s32 $0x0;
	s26 =	simm.s32 $0x200;
	[sflag:s12] =	ssyncadd.s32 $0xFFFFD880  }
.LBB2_2:
0x14: {  	p0 =	sne.s32 s26, $0xFE00;
	[tilespmem:s25+$0x2A70] =	vst v0  }
0x15: {  	[tilespmem:s25+$0x2A00] =	vst v0  }
0x16: {  	[tilespmem:s25+$0x2A10] =	vst v0  }
.Ltmp0:
0x17: {  	[tilespmem:s25+$0x2A20] =	vst v0;
	(pc) =	sbr.rel @p0 .LBB2_2-.Ltmp0, $4  }
0x18: {  	[tilespmem:s25+$0x2A30] =	vst v0  }
0x19: {  	[tilespmem:s25+$0x2A40] =	vst v0  }
0x1a: {  	[tilespmem:s25+$0x2A50] =	vst v0  }
0x1b: {  	[tilespmem:s25+$0x2A60] =	vst v0;
	s25 =	sshra.s32 s26, $0x2;
	s26 =	sadd.s32 $0x200, s26  }
0x1c: {  	[tilespmem:s25+$0x2A70] =	vst v0  }
0x1d: {  	[tilespmem:s25+$0x2A00] =	vst v0  }
0x1e: {  	[tilespmem:s25+$0x2A10] =	vst v0  }
0x1f: {  	[tilespmem:s25+$0x2A20] =	vst v0  }
0x20: {  	[tilespmem:s25+$0x2A30] =	vst v0  }
0x21: {  	[tilespmem:s25+$0x2A40] =	vst v0  }
0x22: {  	[tilespmem:s25+$0x2A50] =	vst v0  }
0x23: {  	[tilespmem:s25+$0x2A60] =	vst v0  }
0x24: {  	[spmem:s6] =	stream.linear.scatter [tilespmem:s13], [sflag:$0x3], $0x4000, $0x38;
	[tilespmem:$0x1EA00] =	vst v63  }
0x25: {  	_ =	swait.ge [sflag:s12], $0x4000  }
0x26: {  	[sflag:s12] =	ssyncset.done $0x0  }
0x27: {  	[sflag:s12] =	ssyncadd.s32 $0xFFFFC000  }
0x28: {  	[spmem:s7] =	stream.linear.scatter [tilespmem:s13], [sflag:$0x3], $0x4000, $0x38;
	[tilespmem:$0x1EA00] =	vst v63  }
0x29: {  	_ =	swait.ge [sflag:s12], $0x4000  }
0x2a: {  	[sflag:s12] =	ssyncset.done $0x0  }
0x2b: {  	[sflag:s12] =	ssyncadd.s32 $0xFFFFC000  }
0x2c: {  	[spmem:s8] =	stream.linear.scatter [tilespmem:s13], [sflag:$0x3], $0x4000, $0x38;
	[tilespmem:$0x1EA00] =	vst v63  }
0x2d: {  	_ =	swait.ge [sflag:s12], $0x4000  }
0x2e: {  	[sflag:s12] =	ssyncset.done $0x0  }
0x2f: {  	[sflag:s12] =	ssyncadd.s32 $0xFFFFC000  }
0x30: {  	[spmem:s9] =	stream.linear.scatter [tilespmem:s13], [sflag:$0x3], $0x4000, $0x38;
	[tilespmem:$0x1EA00] =	vst v63  }
0x31: {  	_ =	swait.ge [sflag:s12], $0x4000  }
0x32: {  	[sflag:s12] =	ssyncset.done $0x0  }
0x33: {  	[sflag:s12] =	ssyncadd.s32 $0xFFFFC000  }
0x34: {  	[spmem:s10] =	stream.linear.scatter [tilespmem:s13], [sflag:$0x3], $0x4000, $0x38;
	[tilespmem:$0x1EA00] =	vst v63  }
0x35: {  	_ =	swait.ge [sflag:s12], $0x4000  }
0x36: {  	[sflag:s12] =	ssyncset.done $0x0  }
0x37: {  	[sflag:s12] =	ssyncadd.s32 $0xFFFFC000  }
0x38: {  	[bflag:$0x0] =	sbarrier.arrive $0xFFFF  }
0x39: {  	v1 =	vld [tilespmem:$0x0];
	_ =	sdelay $0x1  }
0x3a: {  	v2 =	vld [tilespmem:$0x10];
	_ =	sdelay $0x1  }
0x3b: {  	v3 =	vld [tilespmem:$0x20]  }
0x3c: {  	v4 =	vand.u32 $0xFFFF, v1  }
0x3d: {  	v62 =	vld [tilespmem:$0x30];
	v1 =	vshra.s32 v1, $0x10;
	[tilespmem:$0x2800] =	vst v4  }
0x3e: {  	[tilespmem:$0x2900] =	vst v1;
	v1 =	vand.u32 $0xFFFF, v2  }
0x3f: {  	[tilespmem:$0x2810] =	vst v1;
	v1 =	vshra.s32 v2, $0x10;
	v2 =	vld [tilespmem:$0x40]  }
0x40: {  	[tilespmem:$0x2910] =	vst v1;
	v1 =	vand.u32 $0xFFFF, v3  }
0x41: {  	[tilespmem:$0x2820] =	vst v1;
	v1 =	vshra.s32 v3, $0x10;
	v3 =	vld [tilespmem:$0x50]  }
0x42: {  	[tilespmem:$0x2920] =	vst v1;
	v1 =	vand.u32 $0xFFFF, v62  }
0x43: {  	v63 =	vld [tilespmem:$0x60];
	[tilespmem:$0x2830] =	vst v1;
	v1 =	vshra.s32 v62, $0x10  }
0x44: {  	[tilespmem:$0x2930] =	vst v1;
	v1 =	vand.u32 $0xFFFF, v2  }
0x45: {  	[tilespmem:$0x2840] =	vst v1;
	v1 =	vshra.s32 v2, $0x10;
	v2 =	vld [tilespmem:$0x70]  }
0x46: {  	[tilespmem:$0x2940] =	vst v1;
	v1 =	vand.u32 $0xFFFF, v3  }
0x47: {  	[tilespmem:$0x2850] =	vst v1;
	v1 =	vshra.s32 v3, $0x10  }
0x48: {  	[tilespmem:$0x2950] =	vst v1;
	v1 =	vand.u32 $0xFFFF, v63  }
0x49: {  	[tilespmem:$0x2860] =	vst v1;
	v1 =	vshra.s32 v63, $0x10  }
0x4a: {  	[tilespmem:$0x2960] =	vst v1;
	v1 =	vand.u32 $0xFFFF, v2  }
0x4b: {  	[tilespmem:$0x2870] =	vst v1;
	v1 =	vshra.s32 v2, $0x10  }
0x4c: {  	s25 =	simm.s32 $0x0;
	[tilespmem:$0x2970] =	vst v1  }
0x4d: {  	[tilespmem:s13], [sflag:$0x1] =	stream.indirect.gather [hbm4b:s4+s14], $0x80, s15, s14, $0xb8;
	[tilespmem:$0x1EA00] =	vst v63  }
0x4e: {  	v1 =	vld [tilespmem:s25+$0x80];
	_ =	sdelay $0x4  }
0x4f: {  	v2 =	vand.u32 $0xFFFF, v1  }
0x50: {  	v1 =	vshra.s32 v1, $0x10;
	[tilespmem:$0x2880] =	vst v2  }
0x51: {  	[tilespmem:$0x2980] =	vst v1  }
0x52: {  	v1 =	vld [tilespmem:s25+$0x90];
	_ =	sdelay $0x4  }
0x53: {  	v2 =	vand.u32 $0xFFFF, v1  }
0x54: {  	v1 =	vshra.s32 v1, $0x10;
	[tilespmem:$0x2890] =	vst v2  }
0x55: {  	[tilespmem:$0x2990] =	vst v1  }
0x56: {  	v1 =	vld [tilespmem:s25+$0xA0];
	_ =	sdelay $0x4  }
0x57: {  	v2 =	vand.u32 $0xFFFF, v1  }
0x58: {  	v1 =	vshra.s32 v1, $0x10;
	[tilespmem:$0x28A0] =	vst v2  }
0x59: {  	[tilespmem:$0x29A0] =	vst v1  }
0x5a: {  	v1 =	vld [tilespmem:s25+$0xB0];
	_ =	sdelay $0x4  }
0x5b: {  	v2 =	vand.u32 $0xFFFF, v1  }
0x5c: {  	v1 =	vshra.s32 v1, $0x10;
	[tilespmem:$0x28B0] =	vst v2  }
0x5d: {  	[tilespmem:$0x29B0] =	vst v1  }
0x5e: {  	v1 =	vld [tilespmem:s25+$0xC0];
	_ =	sdelay $0x4  }
0x5f: {  	v2 =	vand.u32 $0xFFFF, v1  }
0x60: {  	v1 =	vshra.s32 v1, $0x10;
	[tilespmem:$0x28C0] =	vst v2  }
0x61: {  	[tilespmem:$0x29C0] =	vst v1  }
0x62: {  	v1 =	vld [tilespmem:s25+$0xD0];
	_ =	sdelay $0x4  }
0x63: {  	v2 =	vand.u32 $0xFFFF, v1  }
0x64: {  	v1 =	vshra.s32 v1, $0x10;
	[tilespmem:$0x28D0] =	vst v2  }
0x65: {  	[tilespmem:$0x29D0] =	vst v1  }
0x66: {  	v1 =	vld [tilespmem:s25+$0xE0];
	_ =	sdelay $0x4  }
0x67: {  	v2 =	vand.u32 $0xFFFF, v1  }
0x68: {  	v1 =	vshra.s32 v1, $0x10;
	[tilespmem:$0x28E0] =	vst v2  }
0x69: {  	[tilespmem:$0x29E0] =	vst v1  }
0x6a: {  	v1 =	vld [tilespmem:s25+$0xF0];
	_ =	sdelay $0x4  }
0x6b: {  	v2 =	vand.u32 $0xFFFF, v1  }
0x6c: {  	v1 =	vshra.s32 v1, $0x10;
	[tilespmem:$0x28F0] =	vst v2  }
0x6d: {  	[tilespmem:$0x29F0] =	vst v1  }
0x6e: {  	[tilespmem:s17], [sflag:$0x2] =	stream.indirect.gather [hbm4b:s4+s14], $0x80, s16, s14, $0xb8;
	[tilespmem:$0x1EA00] =	vst v63  }
0x6f: {  	_ =	swait.ge [sflag:s18], $0x4000  }
0x70: {  	[sflag:s18] =	ssyncset.done $0x0  }
0x71: {  	[sflag:s18] =	ssyncadd.s32 $0xFFFFC000  }
0x72: {  	[spmem:s2] =	stream.indirect.scatter.add.f32 [tilespmem:s13], [sflag:$0x3], $0x80, s19, s14, $0xb8;
	[tilespmem:$0x1EA00] =	vst v63  }
0x73: {  	_ =	swait.ge [sflag:s12], $0x4000  }
0x74: {  	[sflag:s12] =	ssyncset.done $0x0  }
0x75: {  	[sflag:s12] =	ssyncadd.s32 $0xFFFFC000  }
0x76: {  	v1 =	vld [tilespmem:s25+$0x100];
	_ =	sdelay $0x4  }
0x77: {  	v2 =	vand.u32 $0xFFFF, v1  }
0x78: {  	v1 =	vshra.s32 v1, $0x10;
	[tilespmem:$0x2800] =	vst v2  }
0x79: {  	[tilespmem:$0x2900] =	vst v1  }
0x7a: {  	v1 =	vld [tilespmem:s25+$0x110];
	_ =	sdelay $0x4  }
0x7b: {  	v2 =	vand.u32 $0xFFFF, v1  }
0x7c: {  	v1 =	vshra.s32 v1, $0x10;
	[tilespmem:$0x2810] =	vst v2  }
0x7d: {  	[tilespmem:$0x2910] =	vst v1  }
0x7e: {  	v1 =	vld [tilespmem:s25+$0x120];
	_ =	sdelay $0x4  }
0x7f: {  	v2 =	vand.u32 $0xFFFF, v1  }
0x80: {  	v1 =	vshra.s32 v1, $0x10;
	[tilespmem:$0x2820] =	vst v2  }
0x81: {  	[tilespmem:$0x2920] =	vst v1  }
0x82: {  	v1 =	vld [tilespmem:s25+$0x130];
	_ =	sdelay $0x4  }
0x83: {  	v2 =	vand.u32 $0xFFFF, v1  }
0x84: {  	v1 =	vshra.s32 v1, $0x10;
	[tilespmem:$0x2830] =	vst v2  }
0x85: {  	[tilespmem:$0x2930] =	vst v1  }
0x86: {  	v1 =	vld [tilespmem:s25+$0x140];
	_ =	sdelay $0x4  }
0x87: {  	v2 =	vand.u32 $0xFFFF, v1  }
0x88: {  	v1 =	vshra.s32 v1, $0x10;
	[tilespmem:$0x2840] =	vst v2  }
0x89: {  	[tilespmem:$0x2940] =	vst v1  }
0x8a: {  	v1 =	vld [tilespmem:s25+$0x150];
	_ =	sdelay $0x4  }
0x8b: {  	v2 =	vand.u32 $0xFFFF, v1  }
0x8c: {  	v1 =	vshra.s32 v1, $0x10;
	[tilespmem:$0x2850] =	vst v2  }
0x8d: {  	[tilespmem:$0x2950] =	vst v1  }
0x8e: {  	v1 =	vld [tilespmem:s25+$0x160];
	_ =	sdelay $0x4  }
0x8f: {  	v2 =	vand.u32 $0xFFFF, v1  }
0x90: {  	s26 =	simm.s32 $0x400;
	v1 =	vshra.s32 v1, $0x10;
	[tilespmem:$0x2860] =	vst v2  }
.LBB2_4:
0x91: {  	p0 =	sne.s32 s26, $0x9800;
	[tilespmem:$0x2960] =	vst v1;
	s28 =	smov.u32 s26;
	s26 =	sadd.s32 $0x400, s26  }
0x92: {  	v1 =	vld [tilespmem:s25+$0x170];
	_ =	sdelay $0x4  }
0x93: {  	v2 =	vand.u32 $0xFFFF, v1;
	v1 =	vshra.s32 v1, $0x10  }
0x94: {  	[tilespmem:$0x2870] =	vst v2  }
0x95: {  	[tilespmem:$0x2970] =	vst v1  }
0x96: {  	[tilespmem:s13], [sflag:$0x1] =	stream.indirect.gather [hbm4b:s4+s14], $0x80, s15, s14, $0xb8;
	[tilespmem:$0x1EA00] =	vst v63  }
0x97: {  	_ =	swait.ge [sflag:s20], $0x4000  }
0x98: {  	[sflag:s20] =	ssyncset.done $0x0  }
0x99: {  	[sflag:s20] =	ssyncadd.s32 $0xFFFFC000  }
0x9a: {  	[spmem:s2] =	stream.indirect.scatter.add.f32 [tilespmem:s17], [sflag:$0x3], $0x80, s21, s14, $0xb8;
	[tilespmem:$0x1EA00] =	vst v63  }
0x9b: {  	_ =	swait.ge [sflag:s12], $0x4000  }
0x9c: {  	[sflag:s12] =	ssyncset.done $0x0  }
0x9d: {  	s25 =	sshra.s32 s28, $0x2;
	[sflag:s12] =	ssyncadd.s32 $0xFFFFC000  }
0x9e: {  	v1 =	vld [tilespmem:s25+$0x80];
	_ =	sdelay $0x4  }
0x9f: {  	v2 =	vand.u32 $0xFFFF, v1;
	v1 =	vshra.s32 v1, $0x10  }
0xa0: {  	[tilespmem:$0x2880] =	vst v2  }
0xa1: {  	[tilespmem:$0x2980] =	vst v1  }
0xa2: {  	v1 =	vld [tilespmem:s25+$0x90];
	_ =	sdelay $0x4  }
0xa3: {  	v2 =	vand.u32 $0xFFFF, v1;
	v1 =	vshra.s32 v1, $0x10  }
0xa4: {  	[tilespmem:$0x2890] =	vst v2  }
0xa5: {  	[tilespmem:$0x2990] =	vst v1  }
0xa6: {  	v1 =	vld [tilespmem:s25+$0xA0];
	_ =	sdelay $0x4  }
0xa7: {  	v2 =	vand.u32 $0xFFFF, v1;
	v1 =	vshra.s32 v1, $0x10  }
0xa8: {  	[tilespmem:$0x28A0] =	vst v2  }
0xa9: {  	[tilespmem:$0x29A0] =	vst v1  }
0xaa: {  	v1 =	vld [tilespmem:s25+$0xB0];
	_ =	sdelay $0x4  }
0xab: {  	v2 =	vand.u32 $0xFFFF, v1;
	v1 =	vshra.s32 v1, $0x10  }
0xac: {  	[tilespmem:$0x28B0] =	vst v2  }
0xad: {  	[tilespmem:$0x29B0] =	vst v1  }
0xae: {  	v1 =	vld [tilespmem:s25+$0xC0];
	_ =	sdelay $0x4  }
0xaf: {  	v2 =	vand.u32 $0xFFFF, v1;
	v1 =	vshra.s32 v1, $0x10  }
0xb0: {  	[tilespmem:$0x28C0] =	vst v2  }
0xb1: {  	[tilespmem:$0x29C0] =	vst v1  }
0xb2: {  	v1 =	vld [tilespmem:s25+$0xD0];
	_ =	sdelay $0x4  }
0xb3: {  	v2 =	vand.u32 $0xFFFF, v1;
	v1 =	vshra.s32 v1, $0x10  }
0xb4: {  	[tilespmem:$0x28D0] =	vst v2  }
0xb5: {  	[tilespmem:$0x29D0] =	vst v1  }
0xb6: {  	v1 =	vld [tilespmem:s25+$0xE0];
	_ =	sdelay $0x4  }
0xb7: {  	v2 =	vand.u32 $0xFFFF, v1;
	v1 =	vshra.s32 v1, $0x10  }
0xb8: {  	[tilespmem:$0x28E0] =	vst v2  }
0xb9: {  	[tilespmem:$0x29E0] =	vst v1  }
0xba: {  	v1 =	vld [tilespmem:s25+$0xF0];
	_ =	sdelay $0x4  }
0xbb: {  	v2 =	vand.u32 $0xFFFF, v1;
	v1 =	vshra.s32 v1, $0x10  }
0xbc: {  	[tilespmem:$0x28F0] =	vst v2  }
0xbd: {  	[tilespmem:$0x29F0] =	vst v1  }
0xbe: {  	[tilespmem:s17], [sflag:$0x2] =	stream.indirect.gather [hbm4b:s4+s14], $0x80, s16, s14, $0xb8;
	[tilespmem:$0x1EA00] =	vst v63  }
0xbf: {  	_ =	swait.ge [sflag:s18], $0x4000  }
0xc0: {  	[sflag:s18] =	ssyncset.done $0x0  }
0xc1: {  	[sflag:s18] =	ssyncadd.s32 $0xFFFFC000  }
0xc2: {  	[spmem:s2] =	stream.indirect.scatter.add.f32 [tilespmem:s13], [sflag:$0x3], $0x80, s19, s14, $0xb8;
	[tilespmem:$0x1EA00] =	vst v63  }
0xc3: {  	_ =	swait.ge [sflag:s12], $0x4000  }
0xc4: {  	[sflag:s12] =	ssyncset.done $0x0  }
0xc5: {  	[sflag:s12] =	ssyncadd.s32 $0xFFFFC000  }
0xc6: {  	v1 =	vld [tilespmem:s25+$0x100];
	_ =	sdelay $0x4  }
0xc7: {  	v2 =	vand.u32 $0xFFFF, v1;
	v1 =	vshra.s32 v1, $0x10  }
0xc8: {  	[tilespmem:$0x2800] =	vst v2  }
0xc9: {  	[tilespmem:$0x2900] =	vst v1  }
0xca: {  	v1 =	vld [tilespmem:s25+$0x110];
	_ =	sdelay $0x4  }
0xcb: {  	v2 =	vand.u32 $0xFFFF, v1;
	v1 =	vshra.s32 v1, $0x10  }
0xcc: {  	[tilespmem:$0x2810] =	vst v2  }
0xcd: {  	[tilespmem:$0x2910] =	vst v1  }
0xce: {  	v1 =	vld [tilespmem:s25+$0x120];
	_ =	sdelay $0x4  }
0xcf: {  	v2 =	vand.u32 $0xFFFF, v1;
	v1 =	vshra.s32 v1, $0x10  }
0xd0: {  	[tilespmem:$0x2820] =	vst v2  }
0xd1: {  	[tilespmem:$0x2920] =	vst v1  }
0xd2: {  	v1 =	vld [tilespmem:s25+$0x130];
	_ =	sdelay $0x4  }
0xd3: {  	v2 =	vand.u32 $0xFFFF, v1;
	v1 =	vshra.s32 v1, $0x10  }
0xd4: {  	[tilespmem:$0x2830] =	vst v2  }
0xd5: {  	[tilespmem:$0x2930] =	vst v1  }
0xd6: {  	v1 =	vld [tilespmem:s25+$0x140];
	_ =	sdelay $0x4  }
0xd7: {  	v2 =	vand.u32 $0xFFFF, v1;
	v1 =	vshra.s32 v1, $0x10  }
0xd8: {  	[tilespmem:$0x2840] =	vst v2  }
0xd9: {  	[tilespmem:$0x2940] =	vst v1  }
0xda: {  	v1 =	vld [tilespmem:s25+$0x150];
	_ =	sdelay $0x4  }
0xdb: {  	v2 =	vand.u32 $0xFFFF, v1;
	v1 =	vshra.s32 v1, $0x10  }
0xdc: {  	[tilespmem:$0x2850] =	vst v2  }
0xdd: {  	[tilespmem:$0x2950] =	vst v1  }
0xde: {  	v1 =	vld [tilespmem:s25+$0x160];
	_ =	sdelay $0x1  }
.Ltmp1:
0xdf: {  	(pc) =	sbr.rel @p0 .LBB2_4-.Ltmp1, $3  }
0xe0: {  	_ =	sdelay $0x1  }
0xe1: {  	v2 =	vand.u32 $0xFFFF, v1;
	v1 =	vshra.s32 v1, $0x10  }
0xe2: {  	[tilespmem:$0x2860] =	vst v2  }
0xe3: {  	[tilespmem:$0x2960] =	vst v1  }
0xe4: {  	v1 =	vld [tilespmem:s25+$0x170];
	_ =	sdelay $0x4  }
0xe5: {  	v2 =	vand.u32 $0xFFFF, v1  }
0xe6: {  	v1 =	vshra.s32 v1, $0x10;
	[tilespmem:$0x2870] =	vst v2  }
0xe7: {  	[tilespmem:$0x2970] =	vst v1  }
0xe8: {  	[tilespmem:s13], [sflag:$0x1] =	stream.indirect.gather [hbm4b:s4+s14], $0x80, s15, s14, $0xb8;
	[tilespmem:$0x1EA00] =	vst v63  }
0xe9: {  	_ =	swait.ge [sflag:s20], $0x4000  }
0xea: {  	[sflag:s20] =	ssyncset.done $0x0  }
0xeb: {  	[sflag:s20] =	ssyncadd.s32 $0xFFFFC000  }
0xec: {  	[spmem:s2] =	stream.indirect.scatter.add.f32 [tilespmem:s17], [sflag:$0x3], $0x80, s21, s14, $0xb8;
	[tilespmem:$0x1EA00] =	vst v63  }
0xed: {  	_ =	swait.ge [sflag:s12], $0x4000  }
0xee: {  	[sflag:s12] =	ssyncset.done $0x0  }
0xef: {  	[sflag:s12] =	ssyncadd.s32 $0xFFFFC000  }
0xf0: {  	_ =	swait.ge [sflag:s18], $0x4000  }
0xf1: {  	[sflag:s18] =	ssyncset.done $0x0  }
0xf2: {  	[sflag:s18] =	ssyncadd.s32 $0xFFFFC000  }
0xf3: {  	[spmem:s2] =	stream.indirect.scatter.add.f32 [tilespmem:s13], [sflag:$0x3], $0x80, s19, s14, $0xb8;
	[tilespmem:$0x1EA00] =	vst v63  }
0xf4: {  	_ =	swait.ge [sflag:s12], $0x4000  }
0xf5: {  	s24 =	sadd.s32 $0x1, s24;
	[sflag:s12] =	ssyncset.done $0x0  }
0xf6: {  	p0 =	sne.s32 s24, s11;
	[sflag:s12] =	ssyncadd.s32 $0xFFFFC000  }
.Ltmp2:
0xf7: {  	s31 =	sshrl.u32 s6, $0x3;
	[bflag:$0x0] =	sbarrier.arrive $0xFFFF;
	(pc) =	sbr.rel @p0 .LBB2_1-.Ltmp2, $4  }
0xf8: {  	[hbm:s22], [sflag:s23] =	dma.local [spmem:s31], $0x2800  }
0xf9: {  	_ =	swait.ge [sflag:s12], $0x2800  }
0xfa: {  	[sflag:s12] =	ssyncset.done $0x0  }
0xfb: {  	[sflag:s12] =	ssyncadd.s32 $0xFFFFD800  }
0xfc: {  	_ =	sfence.sel $0x180000  }
0xfd: {  	[bflag:$0x0] =	sbarrier.arrive $0xFFFF  }
0xfe: {  	p0 =	sne.s32 s0, $0x0;
	_ =	strace $0x90000047  }
0xff: {  	s0 =	sadd.s32 @!p0 $0x100000, s1;
	[bflag:$0x2] =	sbarrier.arrive $0xFFFF  }
0x100: {  	[sflag:s0] =	ssyncadd.tile.s32 @!p0 $0x1;
	_ =	shalt  }
.Lfunc_end2:
_tile_overlayer_lowered:
.L_overlay_start_2:
0x101: {  	(tag) =	ssettag $0x2  }
0x102: {  	s0 =	rddreg [dreg:$0x0];
	s2 =	stileid.u32  }
0x103: {  	s1 =	rddreg [dreg:$0x1];
	p0 =	sne.s32 s2, $0x0  }
0x104: {  	s3 =	rddreg [dreg:$0x2];
	[bflag:$0x3] =	sbarrier.arrive $0xFFFF;
	s2 =	simm.s32 @!p0 $0x1C03  }
0x105: {  	[timem:s3], [sflag:s2] =	dma.local @!p0 [hbm:s0], s1  }
0x106: {  	s0 =	simm.s32 @!p0 $0x3  }
0x107: {  	_ =	swait.ge @!p0 [sflag:s0], s1  }
0x108: {  	s1 =	ssub.s32 @!p0 $0x0, s1;
	[sflag:s0] =	ssyncset.done @!p0 $0x0  }
0x109: {  	[sflag:s0] =	ssyncadd.s32 @!p0 s1  }
0x10a: {  	[bflag:$0x3] =	sbarrier.arrive $0xFFFF  }
0x10b: {  	_ =	shalt  }

// kernel: kernel.9.cloned.1.call-start
scs
__scs_entry_jumppad:
0x0: {  	(pc) =	sbr.rel $0x88, $3  }
0x1: {  	(tag) =	ssettag $0x0;
	lr =	simm.s32 $0x1  }
0x2: {  	[smem:$0x3F91] =	sst lr;
	_ =	strace $0xD0000000  }
0x3: {  	_ = 	snop  }
0x4: {  	_ = 	snop  }
0x5: {  	_ = 	snop  }
0x6: {  	_ = 	snop  }
0x7: {  	_ = 	snop  }
__scs_overlays_trampoline_lowered:
0x8: {  	[smem:$0x3FA0] =	sst s0  }
0x9: {  	[smem:$0x3FA1] =	sst s1  }
0xa: {  	[smem:$0x3FA2] =	sst s2  }
0xb: {  	[smem:$0x3FA3] =	sst s3  }
0xc: {  	[smem:$0x3FA4] =	sst s4  }
0xd: {  	[smem:$0x3FA5] =	sst s5  }
0xe: {  	[smem:$0x3FA6] =	sst s6  }
0xf: {  	[smem:$0x3FA7] =	sst s7  }
0x10: {  	[smem:$0x3FA8] =	sst s8  }
0x11: {  	[smem:$0x3FA9] =	sst s9;
	s0 =	simm.s32 @!p0 $0x0  }
0x12: {  	s1 =	sld [smem:$0x3F8F];
	s0 =	simm.s32 @p0 $0x1  }
0x13: {  	[smem:$0x3FAA] =	sst s0;
	s0 =	simm.s32 @!p1 $0x0  }
0x14: {  	s2 =	sld [smem:$0x3F8E];
	s0 =	simm.s32 @p1 $0x1  }
0x15: {  	[smem:$0x3FAB] =	sst s0;
	s0 =	simm.s32 @!p2 $0x0  }
0x16: {  	s3 =	sld [smem:$0x3FDB];
	s0 =	simm.s32 @p2 $0x1  }
0x17: {  	s4 =	simm.s32 $0x1BF5;
	[smem:$0x3FAD] =	sst s0  }
0x18: {  	s0 =	sld [smem:$0x3F90];
	_ =	swait.ge [sflag:s4], $0x0  }
0x19: {  	s7 =	sld [smem:$0x3F91]  }
0x1a: {  	s8 =	sadd.s32 $0xFFFFE003, lr  }
0x1b: {  	s9 =	sadd.s32 $0xFFFFFEF7, lr;
	s5 =	simm.s32 $0xFFFFFFFF;
	p2 =	slt.u32 s8, $0xFFFFF086  }
0x1c: {  	p1 =	slt.u32 s9, $0xF7A;
	s5 =	simm.s32 @!p2 $0x0  }
0x1d: {  	s5 =	simm.s32 @p1 $0x1;
	p0 =	seq.s32 s7, s2  }
0x1e: {  	s7 =	smul.u32 @!p0 $0xF7A, s2;
	p2 =	seq.s32 @!p0 s5, $0x0  }
0x1f: {  	s9 =	smul.u32 $0xF7A, s1;
	s8 =	simm.s32 @!p0 $0x1BF5;
	p2 =	por !p2, p0  }
0x20: {  	[sflag:s8] =	ssyncset.s32 @!p0 $0xFFFFF086;
	s6 =	sadd.s32 @!p0 s3, s7;
	s7 =	simm.s32 @!p0 $0x108  }
0x21: {  	s3 =	sadd.s32 s3, s9;
	s6 =	sadd.s32 @!p0 $0x88, s6;
	s7 =	simm.s32 @p2 $0x1082  }
0x22: {  	[simem:s7], [sflag:s8] =	dma.local @!p0 [hbm:s6], $0xF7A  }
0x23: {  	s9 =	sor.u32 $0xD0000000, s2;
	s6 =	simm.s32 $0x108;
	_ =	swait.ge @!p0 [sflag:s8], $0x0  }
0x24: {  	s3 =	sadd.s32 $0x88, s3;
	s6 =	simm.s32 @!p1 $0x1082;
	[sflag:s4] =	ssyncset.s32 $0xFFFFF086  }
0x25: {  	[simem:s6], [sflag:s4] =	dma.local [hbm:s3], $0xF7A  }
0x26: {  	[smem:$0x3F91] =	sst s1;
	(tag) =	ssettag s2;
	_ =	strace s9  }
0x27: {  	s1 =	sld [smem:$0x3FA1]  }
0x28: {  	s2 =	sld [smem:$0x3FA2]  }
0x29: {  	s4 =	sld [smem:$0x3FA4]  }
0x2a: {  	p0 =	seq.s32 s5, $0x0;
	s5 =	sld [smem:$0x3FA5]  }
0x2b: {  	s6 =	sld [smem:$0x3FA6]  }
0x2c: {  	s7 =	sld [smem:$0x3FA7]  }
0x2d: {  	s3 =	simm.s32 $0x108;
	s8 =	sld [smem:$0x3FA8]  }
0x2e: {  	s3 =	simm.s32 @!p0 $0x1082;
	s9 =	sld [smem:$0x3FA9]  }
0x2f: {  	lr =	sadd.s32 s0, s3;
	s0 =	sld [smem:$0x3FA0]  }
0x30: {  	s3 =	sld [smem:$0x3FA3]  }
0x31: {  	[smem:$0x3FAC] =	sst s10  }
0x32: {  	s10 =	sld [smem:$0x3FAA];
	_ =	sdelay $0x3  }
0x33: {  	p0 =	seq.s32 s10, $0x1;
	s10 =	sld [smem:$0x3FAC];
	_ =	sdelay $0x3  }
0x34: {  	[smem:$0x3FAC] =	sst s10  }
0x35: {  	s10 =	sld [smem:$0x3FAB];
	_ =	sdelay $0x3  }
0x36: {  	p1 =	seq.s32 s10, $0x1;
	s10 =	sld [smem:$0x3FAC];
	_ =	sdelay $0x3  }
0x37: {  	[smem:$0x3FAC] =	sst s10  }
0x38: {  	s10 =	sld [smem:$0x3FAD]  }
0x39: {  	_ = 	snop;
	(pc) =	sbr.ind lr, $3  }
0x3a: {  	_ = 	snop  }
0x3b: {  	_ = 	snop  }
0x3c: {  	p2 =	seq.s32 s10, $0x1;
	s10 =	sld [smem:$0x3FAC]  }
0x3d: {  	_ =	shalt  }
0x3e: {  	_ =	shalt  }
0x3f: {  	_ =	shalt  }
0x40: {  	_ =	shalt  }
0x41: {  	_ =	shalt  }
0x42: {  	_ =	shalt  }
0x43: {  	_ =	shalt  }
0x44: {  	_ =	shalt  }
0x45: {  	_ =	shalt  }
0x46: {  	_ =	shalt  }
0x47: {  	_ =	shalt  }
0x48: {  	_ =	shalt  }
0x49: {  	_ =	shalt  }
0x4a: {  	_ =	shalt  }
0x4b: {  	_ =	shalt  }
0x4c: {  	_ =	shalt  }
0x4d: {  	_ =	shalt  }
0x4e: {  	_ =	shalt  }
0x4f: {  	_ =	shalt  }
0x50: {  	_ =	shalt  }
0x51: {  	_ =	shalt  }
0x52: {  	_ =	shalt  }
0x53: {  	_ =	shalt  }
0x54: {  	_ =	shalt  }
0x55: {  	_ =	shalt  }
0x56: {  	_ =	shalt  }
0x57: {  	_ =	shalt  }
0x58: {  	_ =	shalt  }
0x59: {  	_ =	shalt  }
0x5a: {  	_ =	shalt  }
0x5b: {  	_ =	shalt  }
0x5c: {  	_ =	shalt  }
0x5d: {  	_ =	shalt  }
0x5e: {  	_ =	shalt  }
0x5f: {  	_ =	shalt  }
0x60: {  	_ =	shalt  }
0x61: {  	_ =	shalt  }
0x62: {  	_ =	shalt  }
0x63: {  	_ =	shalt  }
0x64: {  	_ =	shalt  }
0x65: {  	_ =	shalt  }
0x66: {  	_ =	shalt  }
0x67: {  	_ =	shalt  }
0x68: {  	_ =	shalt  }
0x69: {  	_ =	shalt  }
0x6a: {  	_ =	shalt  }
0x6b: {  	_ =	shalt  }
0x6c: {  	_ =	shalt  }
0x6d: {  	_ =	shalt  }
0x6e: {  	_ =	shalt  }
0x6f: {  	_ =	shalt  }
0x70: {  	_ =	shalt  }
0x71: {  	_ =	shalt  }
0x72: {  	_ =	shalt  }
0x73: {  	_ =	shalt  }
0x74: {  	_ =	shalt  }
0x75: {  	_ =	shalt  }
0x76: {  	_ =	shalt  }
0x77: {  	_ =	shalt  }
0x78: {  	_ =	shalt  }
0x79: {  	_ =	shalt  }
0x7a: {  	_ =	shalt  }
0x7b: {  	_ =	shalt  }
0x7c: {  	_ =	shalt  }
0x7d: {  	_ =	shalt  }
0x7e: {  	_ =	shalt  }
0x7f: {  	_ =	shalt  }
0x80: {  	_ =	shalt  }
0x81: {  	_ =	shalt  }
0x82: {  	_ =	shalt  }
0x83: {  	_ =	shalt  }
0x84: {  	_ =	shalt  }
0x85: {  	_ =	shalt  }
0x86: {  	_ =	shalt  }
0x87: {  	_ =	shalt  }
.Lfunc_end0:
.L_simem_size_0:
called_computation.1_lowered:
.L_overlay_start_0:
0x88: {  	s2 =	sld [smem:$0x3FD9]  }
0x89: {  	s3 =	sld [smem:$0x3FFE];
	_ =	sdelay $0x1  }
0x8a: {  	s1 =	srdreg.scid  }
0x8b: {  	s0 =	sand.u32 $0x1, s1  }
0x8c: {  	s16 =	sshll.u32 s0, $0xA;
	s2 =	sadd.s32 s3, s2  }
0x8d: {  	s2 =	sadd.s32 s2, s16  }
0x8e: {  	[smem:$0x3FB8] =	sst s2  }
0x8f: {  	_ = 	snop  }
0x90: {  	(tm) =	ssettm $0x1  }
0x91: {  	s17 =	sld [smem:$0x3FFB];
	_ =	sdelay $0x3  }
0x92: {  	_ =	strace s17  }
0x93: {  	s2 =	sld [smem:$0x3FFC];
	_ =	sdelay $0x3  }
0x94: {  	_ =	strace s2  }
0x95: {  	s2 =	sld [smem:$0x3FFD];
	_ =	sdelay $0x3  }
0x96: {  	_ =	strace s2  }
0x97: {  	_ =	strace $0x8FFFFFFF  }
0x98: {  	s18 =	sld [smem:$0x3FDB];
	_ =	sdelay $0x1  }
0x99: {  	s19 =	simm.s32 $_scs_section_size  }
0x9a: {  	s4 =	simm.s32 $_size__tile_overlayer_lowered;
	s5 =	simm.s32 $_tile_overlayer_lowered  }
0x9b: {  	s22 =	simm.s32 $0x1BFF;
	s21 =	sshll.u32 s5, $0x1;
	s2 =	sadd.s32 s19, s18  }
0x9c: {  	s6 =	simm.s32 $0x0;
	s20 =	sshll.u32 s4, $0x1;
	s4 =	sadd.s32 s21, s2  }
0x9d: {  	[timem:s6], [sflag:s22] =	dma.local [hbm:s4], s20  }
0x9e: {  	_ =	swait.ge [sflag:s22], s20  }
0x9f: {  	s3 =	ssub.s32 $0x0, s20;
	[sflag:s22] =	ssyncset.done $0x0  }
0xa0: {  	[sflag:s22] =	ssyncadd.s32 s3;
	_ =	sdelay $0x1  }
0xa1: {  	s23 =	simm.s32 $0x1B8B  }
0xa2: {  	_ =	swait.ge [sflag:s23], $0x1  }
0xa3: {  	[sflag:s23] =	ssyncset.done $0x0  }
0xa4: {  	s25 =	simm.s32 $0x1B8E;
	s24 =	sld [smem:$0x3FFE];
	[sflag:s23] =	ssyncadd.s32 $0xFFFFFFFF  }
0xa5: {  	s26 =	simm.s32 $execute0_lowered;
	[smem:$0x3FD2] =	sst s25  }
0xa6: {  	s4 =	sshll.u32 s26, $0x1;
	_ =	strace $0x80000049;
	[dreg:$0x1] =	wrdreg $0xFFFFFFFF  }
0xa7: {  	s28 =	simm.s32 $_size_execute0_lowered;
	s2 =	sadd.s32 s2, s4;
	[dreg:$0x0] =	wrdreg $0x0  }
0xa8: {  	s4 =	sshll.u32 s28, $0x1;
	[dreg:$0x2] =	wrdreg s2  }
0xa9: {  	[dreg:$0x3] =	wrdreg s4  }
0xaa: {  	[dreg:$0x4] =	wrdreg $0xC0  }
0xab: {  	_ =	task [dreg:s6], $0x5FFFF  }
0xac: {  	[dreg:$0x1] =	wrdreg $0xFFFFFFFF  }
0xad: {  	[dreg:$0x0] =	wrdreg $0x60  }
0xae: {  	[dreg:$0x2] =	wrdreg s24  }
0xaf: {  	[dreg:$0x3] =	wrdreg $0xAA000  }
0xb0: {  	[dreg:$0x4] =	wrdreg $0x9  }
0xb1: {  	_ =	task.clear_ibuf [dreg:s6], $0x5FFFF;
	_ =	strace $0x90000049  }
0xb2: {  	s29 =	simm.s32 $0x9;
	_ =	strace $0x8000004B  }
0xb3: {  	_ =	swait.ge [sflag:s29], $0x1  }
0xb4: {  	[sflag:s29] =	ssyncadd.s32 $0xFFFFFFFF  }
0xb5: {  	_ =	strace $0x9000004B  }
0xb6: {  	_ =	sfence  }
0xb7: {  	s30 =	sld [smem:$0x0];
	_ =	sdelay $0x2  }
0xb8: {  	s31 =	sshll.u32 s1, $0xD;
	s1 =	sshrl.u32 s1, $0x2  }
0xb9: {  	s3 =	sand.u32 $0x4000, s31;
	s1 =	sadd.s32 s1, s30  }
0xba: {  	s0 =	sor.u32 s3, s0;
	s1 =	sshll.u32 s1, $0x11  }
0xbb: {  	s0 =	sor.u32 s1, s0  }
0xbc: {  	s0 =	sadd.s32 $0x8F2B, s0  }
0xbd: {  	[sflag:s0] =	ssyncadd.remote.s32 $0x1  }
0xbe: {  	_ =	sfence.sel $0xFFFF  }
0xbf: {  	[dreg:$0x0] =	wrdreg $0xFFFFFFFF;
	(pc) =	sbr.abs _section_cstart, $3  }
0xc0: {  	[dreg:$0x1] =	wrdreg $0xFFFFFFFF  }
0xc1: {  	_ =	task.clear_ibuf [dreg:s6], $0x2FFFF;
	_ =	strace $0x9FFFFFFF  }
0xc2: {  	(tm) =	ssettm $0x7FFFFFFF  }
0xc3: {  	_ =	shalt  }
tec
execute0_lowered:
.L_overlay_start_1:
0x0: {  	(tag) =	ssettag $0x1  }
0x1: {  	s0 =	srdreg.scid;
	s6 =	rddreg [dreg:$0x0]  }
0x2: {  	s2 =	rddreg [dreg:$0x1];
	s3 =	simm.s32 $0x0;
	s13 =	simm.s32 $0x2A00  }
0x3: {  	s14 =	simm.s32 $0x80;
	s15 =	simm.s32 $0x2800;
	s16 =	simm.s32 $0x2880  }
0x4: {  	s17 =	simm.s32 $0x6A00;
	s18 =	simm.s32 $0x1;
	s19 =	simm.s32 $0x2900  }
0x5: {  	s20 =	simm.s32 $0x2;
	s5 =	sand.u32 $0x1, s0;
	s0 =	stileid.u32  }
0x6: {  	s21 =	simm.s32 $0x2980;
	[smem:$0x7FF] =	sst s3;
	s8 =	smul.u32 $0x28000, s5  }
0x7: {  	s1 =	sshll.u32 s5, $0x4;
	s9 =	smul.u32 $0x50000, s0;
	s5 =	ssub.s32 $0x2, s5  }
0x8: {  	s23 =	smul.u32 $0x2800, s0;
	s24 =	sshll.u32 s0, $0x6;
	s4 =	sor.u32 s0, s1  }
0x9: {  	s1 =	rddreg [dreg:$0x2];
	_ =	strace $0x8000004A;
	s30 =	sshrl.u32 s5, $0x1  }
0xa: {  	s7 =	smul.u32 $0x500, s4;
	s4 =	sadd.s32 $0xD200, s6;
	s11 =	sadd.s32 s8, s6  }
0xb: {  	s31 =	sshrl.u32 s9, $0x2;
	s12 =	ssub.s32 s5, s30;
	s22 =	sadd.s32 $0x35200, s11  }
0xc: {  	s11 =	smax.u32 s12, $0x1;
	s12 =	simm.s32 $0x3;
	s7 =	sadd.s32 s7, s6  }
0xd: {  	s6 =	sadd.s32 s31, s2;
	s22 =	sadd.s32 s23, s22;
	s23 =	sor.u32 $0x1C03, s24  }
0xe: {  	s24 =	simm.s32 $0x0;
	s5 =	sadd.s32 $0x3200, s7;
	s7 =	sadd.s32 $0x4000, s6  }
0xf: {  	v0 =	vimm.f32 $0.0e+00;
	s8 =	sadd.s32 $0x8000, s6;
	s9 =	sadd.s32 $0xC000, s6;
	s10 =	sadd.s32 $0x10000, s6  }
.LBB2_1:
0x10: {  	[tilespmem:s3], [sflag:$0x3] =	stream.linear.gather [hbm4b:s5+s3], $0x2780, $0x38;
	[tilespmem:$0x1EA00] =	vst v63  }
0x11: {  	_ =	swait.ge [sflag:s12], $0x2780  }
0x12: {  	[sflag:s12] =	ssyncset.done $0x0  }
0x13: {  	s25 =	simm.s32 $0x0;
	s26 =	simm.s32 $0x200;
	[sflag:s12] =	ssyncadd.s32 $0xFFFFD880  }
.LBB2_2:
0x14: {  	p0 =	sne.s32 s26, $0xFE00;
	[tilespmem:s25+$0x2A70] =	vst v0  }
0x15: {  	[tilespmem:s25+$0x2A00] =	vst v0  }
0x16: {  	[tilespmem:s25+$0x2A10] =	vst v0  }
.Ltmp0:
0x17: {  	[tilespmem:s25+$0x2A20] =	vst v0;
	(pc) =	sbr.rel @p0 .LBB2_2-.Ltmp0, $4  }
0x18: {  	[tilespmem:s25+$0x2A30] =	vst v0  }
0x19: {  	[tilespmem:s25+$0x2A40] =	vst v0  }
0x1a: {  	[tilespmem:s25+$0x2A50] =	vst v0  }
0x1b: {  	[tilespmem:s25+$0x2A60] =	vst v0;
	s25 =	sshra.s32 s26, $0x2;
	s26 =	sadd.s32 $0x200, s26  }
0x1c: {  	[tilespmem:s25+$0x2A70] =	vst v0  }
0x1d: {  	[tilespmem:s25+$0x2A00] =	vst v0  }
0x1e: {  	[tilespmem:s25+$0x2A10] =	vst v0  }
0x1f: {  	[tilespmem:s25+$0x2A20] =	vst v0  }
0x20: {  	[tilespmem:s25+$0x2A30] =	vst v0  }
0x21: {  	[tilespmem:s25+$0x2A40] =	vst v0  }
0x22: {  	[tilespmem:s25+$0x2A50] =	vst v0  }
0x23: {  	[tilespmem:s25+$0x2A60] =	vst v0  }
0x24: {  	[spmem:s6] =	stream.linear.scatter [tilespmem:s13], [sflag:$0x3], $0x4000, $0x38;
	[tilespmem:$0x1EA00] =	vst v63  }
0x25: {  	_ =	swait.ge [sflag:s12], $0x4000  }
0x26: {  	[sflag:s12] =	ssyncset.done $0x0  }
0x27: {  	[sflag:s12] =	ssyncadd.s32 $0xFFFFC000  }
0x28: {  	[spmem:s7] =	stream.linear.scatter [tilespmem:s13], [sflag:$0x3], $0x4000, $0x38;
	[tilespmem:$0x1EA00] =	vst v63  }
0x29: {  	_ =	swait.ge [sflag:s12], $0x4000  }
0x2a: {  	[sflag:s12] =	ssyncset.done $0x0  }
0x2b: {  	[sflag:s12] =	ssyncadd.s32 $0xFFFFC000  }
0x2c: {  	[spmem:s8] =	stream.linear.scatter [tilespmem:s13], [sflag:$0x3], $0x4000, $0x38;
	[tilespmem:$0x1EA00] =	vst v63  }
0x2d: {  	_ =	swait.ge [sflag:s12], $0x4000  }
0x2e: {  	[sflag:s12] =	ssyncset.done $0x0  }
0x2f: {  	[sflag:s12] =	ssyncadd.s32 $0xFFFFC000  }
0x30: {  	[spmem:s9] =	stream.linear.scatter [tilespmem:s13], [sflag:$0x3], $0x4000, $0x38;
	[tilespmem:$0x1EA00] =	vst v63  }
0x31: {  	_ =	swait.ge [sflag:s12], $0x4000  }
0x32: {  	[sflag:s12] =	ssyncset.done $0x0  }
0x33: {  	[sflag:s12] =	ssyncadd.s32 $0xFFFFC000  }
0x34: {  	[spmem:s10] =	stream.linear.scatter [tilespmem:s13], [sflag:$0x3], $0x4000, $0x38;
	[tilespmem:$0x1EA00] =	vst v63  }
0x35: {  	_ =	swait.ge [sflag:s12], $0x4000  }
0x36: {  	[sflag:s12] =	ssyncset.done $0x0  }
0x37: {  	[sflag:s12] =	ssyncadd.s32 $0xFFFFC000  }
0x38: {  	[bflag:$0x0] =	sbarrier.arrive $0xFFFF  }
0x39: {  	v1 =	vld [tilespmem:$0x0];
	_ =	sdelay $0x1  }
0x3a: {  	v2 =	vld [tilespmem:$0x10];
	_ =	sdelay $0x1  }
0x3b: {  	v3 =	vld [tilespmem:$0x20]  }
0x3c: {  	v4 =	vand.u32 $0xFFFF, v1  }
0x3d: {  	v62 =	vld [tilespmem:$0x30];
	v1 =	vshra.s32 v1, $0x10;
	[tilespmem:$0x2800] =	vst v4  }
0x3e: {  	[tilespmem:$0x2900] =	vst v1;
	v1 =	vand.u32 $0xFFFF, v2  }
0x3f: {  	[tilespmem:$0x2810] =	vst v1;
	v1 =	vshra.s32 v2, $0x10;
	v2 =	vld [tilespmem:$0x40]  }
0x40: {  	[tilespmem:$0x2910] =	vst v1;
	v1 =	vand.u32 $0xFFFF, v3  }
0x41: {  	[tilespmem:$0x2820] =	vst v1;
	v1 =	vshra.s32 v3, $0x10;
	v3 =	vld [tilespmem:$0x50]  }
0x42: {  	[tilespmem:$0x2920] =	vst v1;
	v1 =	vand.u32 $0xFFFF, v62  }
0x43: {  	v63 =	vld [tilespmem:$0x60];
	[tilespmem:$0x2830] =	vst v1;
	v1 =	vshra.s32 v62, $0x10  }
0x44: {  	[tilespmem:$0x2930] =	vst v1;
	v1 =	vand.u32 $0xFFFF, v2  }
0x45: {  	[tilespmem:$0x2840] =	vst v1;
	v1 =	vshra.s32 v2, $0x10;
	v2 =	vld [tilespmem:$0x70]  }
0x46: {  	[tilespmem:$0x2940] =	vst v1;
	v1 =	vand.u32 $0xFFFF, v3  }
0x47: {  	[tilespmem:$0x2850] =	vst v1;
	v1 =	vshra.s32 v3, $0x10  }
0x48: {  	[tilespmem:$0x2950] =	vst v1;
	v1 =	vand.u32 $0xFFFF, v63  }
0x49: {  	[tilespmem:$0x2860] =	vst v1;
	v1 =	vshra.s32 v63, $0x10  }
0x4a: {  	[tilespmem:$0x2960] =	vst v1;
	v1 =	vand.u32 $0xFFFF, v2  }
0x4b: {  	[tilespmem:$0x2870] =	vst v1;
	v1 =	vshra.s32 v2, $0x10  }
0x4c: {  	s25 =	simm.s32 $0x0;
	[tilespmem:$0x2970] =	vst v1  }
0x4d: {  	[tilespmem:s13], [sflag:$0x1] =	stream.indirect.gather [hbm4b:s4+s14], $0x80, s15, s14, $0xb8;
	[tilespmem:$0x1EA00] =	vst v63  }
0x4e: {  	v1 =	vld [tilespmem:s25+$0x80];
	_ =	sdelay $0x4  }
0x4f: {  	v2 =	vand.u32 $0xFFFF, v1  }
0x50: {  	v1 =	vshra.s32 v1, $0x10;
	[tilespmem:$0x2880] =	vst v2  }
0x51: {  	[tilespmem:$0x2980] =	vst v1  }
0x52: {  	v1 =	vld [tilespmem:s25+$0x90];
	_ =	sdelay $0x4  }
0x53: {  	v2 =	vand.u32 $0xFFFF, v1  }
0x54: {  	v1 =	vshra.s32 v1, $0x10;
	[tilespmem:$0x2890] =	vst v2  }
0x55: {  	[tilespmem:$0x2990] =	vst v1  }
0x56: {  	v1 =	vld [tilespmem:s25+$0xA0];
	_ =	sdelay $0x4  }
0x57: {  	v2 =	vand.u32 $0xFFFF, v1  }
0x58: {  	v1 =	vshra.s32 v1, $0x10;
	[tilespmem:$0x28A0] =	vst v2  }
0x59: {  	[tilespmem:$0x29A0] =	vst v1  }
0x5a: {  	v1 =	vld [tilespmem:s25+$0xB0];
	_ =	sdelay $0x4  }
0x5b: {  	v2 =	vand.u32 $0xFFFF, v1  }
0x5c: {  	v1 =	vshra.s32 v1, $0x10;
	[tilespmem:$0x28B0] =	vst v2  }
0x5d: {  	[tilespmem:$0x29B0] =	vst v1  }
0x5e: {  	v1 =	vld [tilespmem:s25+$0xC0];
	_ =	sdelay $0x4  }
0x5f: {  	v2 =	vand.u32 $0xFFFF, v1  }
0x60: {  	v1 =	vshra.s32 v1, $0x10;
	[tilespmem:$0x28C0] =	vst v2  }
0x61: {  	[tilespmem:$0x29C0] =	vst v1  }
0x62: {  	v1 =	vld [tilespmem:s25+$0xD0];
	_ =	sdelay $0x4  }
0x63: {  	v2 =	vand.u32 $0xFFFF, v1  }
0x64: {  	v1 =	vshra.s32 v1, $0x10;
	[tilespmem:$0x28D0] =	vst v2  }
0x65: {  	[tilespmem:$0x29D0] =	vst v1  }
0x66: {  	v1 =	vld [tilespmem:s25+$0xE0];
	_ =	sdelay $0x4  }
0x67: {  	v2 =	vand.u32 $0xFFFF, v1  }
0x68: {  	v1 =	vshra.s32 v1, $0x10;
	[tilespmem:$0x28E0] =	vst v2  }
0x69: {  	[tilespmem:$0x29E0] =	vst v1  }
0x6a: {  	v1 =	vld [tilespmem:s25+$0xF0];
	_ =	sdelay $0x4  }
0x6b: {  	v2 =	vand.u32 $0xFFFF, v1  }
0x6c: {  	v1 =	vshra.s32 v1, $0x10;
	[tilespmem:$0x28F0] =	vst v2  }
0x6d: {  	[tilespmem:$0x29F0] =	vst v1  }
0x6e: {  	[tilespmem:s17], [sflag:$0x2] =	stream.indirect.gather [hbm4b:s4+s14], $0x80, s16, s14, $0xb8;
	[tilespmem:$0x1EA00] =	vst v63  }
0x6f: {  	_ =	swait.ge [sflag:s18], $0x4000  }
0x70: {  	[sflag:s18] =	ssyncset.done $0x0  }
0x71: {  	[sflag:s18] =	ssyncadd.s32 $0xFFFFC000  }
0x72: {  	[spmem:s2] =	stream.indirect.scatter.add.f32 [tilespmem:s13], [sflag:$0x3], $0x80, s19, s14, $0xb8;
	[tilespmem:$0x1EA00] =	vst v63  }
0x73: {  	_ =	swait.ge [sflag:s12], $0x4000  }
0x74: {  	[sflag:s12] =	ssyncset.done $0x0  }
0x75: {  	[sflag:s12] =	ssyncadd.s32 $0xFFFFC000  }
0x76: {  	v1 =	vld [tilespmem:s25+$0x100];
	_ =	sdelay $0x4  }
0x77: {  	v2 =	vand.u32 $0xFFFF, v1  }
0x78: {  	v1 =	vshra.s32 v1, $0x10;
	[tilespmem:$0x2800] =	vst v2  }
0x79: {  	[tilespmem:$0x2900] =	vst v1  }
0x7a: {  	v1 =	vld [tilespmem:s25+$0x110];
	_ =	sdelay $0x4  }
0x7b: {  	v2 =	vand.u32 $0xFFFF, v1  }
0x7c: {  	v1 =	vshra.s32 v1, $0x10;
	[tilespmem:$0x2810] =	vst v2  }
0x7d: {  	[tilespmem:$0x2910] =	vst v1  }
0x7e: {  	v1 =	vld [tilespmem:s25+$0x120];
	_ =	sdelay $0x4  }
0x7f: {  	v2 =	vand.u32 $0xFFFF, v1  }
0x80: {  	v1 =	vshra.s32 v1, $0x10;
	[tilespmem:$0x2820] =	vst v2  }
0x81: {  	[tilespmem:$0x2920] =	vst v1  }
0x82: {  	v1 =	vld [tilespmem:s25+$0x130];
	_ =	sdelay $0x4  }
0x83: {  	v2 =	vand.u32 $0xFFFF, v1  }
0x84: {  	v1 =	vshra.s32 v1, $0x10;
	[tilespmem:$0x2830] =	vst v2  }
0x85: {  	[tilespmem:$0x2930] =	vst v1  }
0x86: {  	v1 =	vld [tilespmem:s25+$0x140];
	_ =	sdelay $0x4  }
0x87: {  	v2 =	vand.u32 $0xFFFF, v1  }
0x88: {  	v1 =	vshra.s32 v1, $0x10;
	[tilespmem:$0x2840] =	vst v2  }
0x89: {  	[tilespmem:$0x2940] =	vst v1  }
0x8a: {  	v1 =	vld [tilespmem:s25+$0x150];
	_ =	sdelay $0x4  }
0x8b: {  	v2 =	vand.u32 $0xFFFF, v1  }
0x8c: {  	v1 =	vshra.s32 v1, $0x10;
	[tilespmem:$0x2850] =	vst v2  }
0x8d: {  	[tilespmem:$0x2950] =	vst v1  }
0x8e: {  	v1 =	vld [tilespmem:s25+$0x160];
	_ =	sdelay $0x4  }
0x8f: {  	v2 =	vand.u32 $0xFFFF, v1  }
0x90: {  	s26 =	simm.s32 $0x400;
	v1 =	vshra.s32 v1, $0x10;
	[tilespmem:$0x2860] =	vst v2  }
.LBB2_4:
0x91: {  	p0 =	sne.s32 s26, $0x9800;
	[tilespmem:$0x2960] =	vst v1;
	s28 =	smov.u32 s26;
	s26 =	sadd.s32 $0x400, s26  }
0x92: {  	v1 =	vld [tilespmem:s25+$0x170];
	_ =	sdelay $0x4  }
0x93: {  	v2 =	vand.u32 $0xFFFF, v1;
	v1 =	vshra.s32 v1, $0x10  }
0x94: {  	[tilespmem:$0x2870] =	vst v2  }
0x95: {  	[tilespmem:$0x2970] =	vst v1  }
0x96: {  	[tilespmem:s13], [sflag:$0x1] =	stream.indirect.gather [hbm4b:s4+s14], $0x80, s15, s14, $0xb8;
	[tilespmem:$0x1EA00] =	vst v63  }
0x97: {  	_ =	swait.ge [sflag:s20], $0x4000  }
0x98: {  	[sflag:s20] =	ssyncset.done $0x0  }
0x99: {  	[sflag:s20] =	ssyncadd.s32 $0xFFFFC000  }
0x9a: {  	[spmem:s2] =	stream.indirect.scatter.add.f32 [tilespmem:s17], [sflag:$0x3], $0x80, s21, s14, $0xb8;
	[tilespmem:$0x1EA00] =	vst v63  }
0x9b: {  	_ =	swait.ge [sflag:s12], $0x4000  }
0x9c: {  	[sflag:s12] =	ssyncset.done $0x0  }
0x9d: {  	s25 =	sshra.s32 s28, $0x2;
	[sflag:s12] =	ssyncadd.s32 $0xFFFFC000  }
0x9e: {  	v1 =	vld [tilespmem:s25+$0x80];
	_ =	sdelay $0x4  }
0x9f: {  	v2 =	vand.u32 $0xFFFF, v1;
	v1 =	vshra.s32 v1, $0x10  }
0xa0: {  	[tilespmem:$0x2880] =	vst v2  }
0xa1: {  	[tilespmem:$0x2980] =	vst v1  }
0xa2: {  	v1 =	vld [tilespmem:s25+$0x90];
	_ =	sdelay $0x4  }
0xa3: {  	v2 =	vand.u32 $0xFFFF, v1;
	v1 =	vshra.s32 v1, $0x10  }
0xa4: {  	[tilespmem:$0x2890] =	vst v2  }
0xa5: {  	[tilespmem:$0x2990] =	vst v1  }
0xa6: {  	v1 =	vld [tilespmem:s25+$0xA0];
	_ =	sdelay $0x4  }
0xa7: {  	v2 =	vand.u32 $0xFFFF, v1;
	v1 =	vshra.s32 v1, $0x10  }
0xa8: {  	[tilespmem:$0x28A0] =	vst v2  }
0xa9: {  	[tilespmem:$0x29A0] =	vst v1  }
0xaa: {  	v1 =	vld [tilespmem:s25+$0xB0];
	_ =	sdelay $0x4  }
0xab: {  	v2 =	vand.u32 $0xFFFF, v1;
	v1 =	vshra.s32 v1, $0x10  }
0xac: {  	[tilespmem:$0x28B0] =	vst v2  }
0xad: {  	[tilespmem:$0x29B0] =	vst v1  }
0xae: {  	v1 =	vld [tilespmem:s25+$0xC0];
	_ =	sdelay $0x4  }
0xaf: {  	v2 =	vand.u32 $0xFFFF, v1;
	v1 =	vshra.s32 v1, $0x10  }
0xb0: {  	[tilespmem:$0x28C0] =	vst v2  }
0xb1: {  	[tilespmem:$0x29C0] =	vst v1  }
0xb2: {  	v1 =	vld [tilespmem:s25+$0xD0];
	_ =	sdelay $0x4  }
0xb3: {  	v2 =	vand.u32 $0xFFFF, v1;
	v1 =	vshra.s32 v1, $0x10  }
0xb4: {  	[tilespmem:$0x28D0] =	vst v2  }
0xb5: {  	[tilespmem:$0x29D0] =	vst v1  }
0xb6: {  	v1 =	vld [tilespmem:s25+$0xE0];
	_ =	sdelay $0x4  }
0xb7: {  	v2 =	vand.u32 $0xFFFF, v1;
	v1 =	vshra.s32 v1, $0x10  }
0xb8: {  	[tilespmem:$0x28E0] =	vst v2  }
0xb9: {  	[tilespmem:$0x29E0] =	vst v1  }
0xba: {  	v1 =	vld [tilespmem:s25+$0xF0];
	_ =	sdelay $0x4  }
0xbb: {  	v2 =	vand.u32 $0xFFFF, v1;
	v1 =	vshra.s32 v1, $0x10  }
0xbc: {  	[tilespmem:$0x28F0] =	vst v2  }
0xbd: {  	[tilespmem:$0x29F0] =	vst v1  }
0xbe: {  	[tilespmem:s17], [sflag:$0x2] =	stream.indirect.gather [hbm4b:s4+s14], $0x80, s16, s14, $0xb8;
	[tilespmem:$0x1EA00] =	vst v63  }
0xbf: {  	_ =	swait.ge [sflag:s18], $0x4000  }
0xc0: {  	[sflag:s18] =	ssyncset.done $0x0  }
0xc1: {  	[sflag:s18] =	ssyncadd.s32 $0xFFFFC000  }
0xc2: {  	[spmem:s2] =	stream.indirect.scatter.add.f32 [tilespmem:s13], [sflag:$0x3], $0x80, s19, s14, $0xb8;
	[tilespmem:$0x1EA00] =	vst v63  }
0xc3: {  	_ =	swait.ge [sflag:s12], $0x4000  }
0xc4: {  	[sflag:s12] =	ssyncset.done $0x0  }
0xc5: {  	[sflag:s12] =	ssyncadd.s32 $0xFFFFC000  }
0xc6: {  	v1 =	vld [tilespmem:s25+$0x100];
	_ =	sdelay $0x4  }
0xc7: {  	v2 =	vand.u32 $0xFFFF, v1;
	v1 =	vshra.s32 v1, $0x10  }
0xc8: {  	[tilespmem:$0x2800] =	vst v2  }
0xc9: {  	[tilespmem:$0x2900] =	vst v1  }
0xca: {  	v1 =	vld [tilespmem:s25+$0x110];
	_ =	sdelay $0x4  }
0xcb: {  	v2 =	vand.u32 $0xFFFF, v1;
	v1 =	vshra.s32 v1, $0x10  }
0xcc: {  	[tilespmem:$0x2810] =	vst v2  }
0xcd: {  	[tilespmem:$0x2910] =	vst v1  }
0xce: {  	v1 =	vld [tilespmem:s25+$0x120];
	_ =	sdelay $0x4  }
0xcf: {  	v2 =	vand.u32 $0xFFFF, v1;
	v1 =	vshra.s32 v1, $0x10  }
0xd0: {  	[tilespmem:$0x2820] =	vst v2  }
0xd1: {  	[tilespmem:$0x2920] =	vst v1  }
0xd2: {  	v1 =	vld [tilespmem:s25+$0x130];
	_ =	sdelay $0x4  }
0xd3: {  	v2 =	vand.u32 $0xFFFF, v1;
	v1 =	vshra.s32 v1, $0x10  }
0xd4: {  	[tilespmem:$0x2830] =	vst v2  }
0xd5: {  	[tilespmem:$0x2930] =	vst v1  }
0xd6: {  	v1 =	vld [tilespmem:s25+$0x140];
	_ =	sdelay $0x4  }
0xd7: {  	v2 =	vand.u32 $0xFFFF, v1;
	v1 =	vshra.s32 v1, $0x10  }
0xd8: {  	[tilespmem:$0x2840] =	vst v2  }
0xd9: {  	[tilespmem:$0x2940] =	vst v1  }
0xda: {  	v1 =	vld [tilespmem:s25+$0x150];
	_ =	sdelay $0x4  }
0xdb: {  	v2 =	vand.u32 $0xFFFF, v1;
	v1 =	vshra.s32 v1, $0x10  }
0xdc: {  	[tilespmem:$0x2850] =	vst v2  }
0xdd: {  	[tilespmem:$0x2950] =	vst v1  }
0xde: {  	v1 =	vld [tilespmem:s25+$0x160];
	_ =	sdelay $0x1  }
.Ltmp1:
0xdf: {  	(pc) =	sbr.rel @p0 .LBB2_4-.Ltmp1, $3  }
0xe0: {  	_ =	sdelay $0x1  }
0xe1: {  	v2 =	vand.u32 $0xFFFF, v1;
	v1 =	vshra.s32 v1, $0x10  }
0xe2: {  	[tilespmem:$0x2860] =	vst v2  }
0xe3: {  	[tilespmem:$0x2960] =	vst v1  }
0xe4: {  	v1 =	vld [tilespmem:s25+$0x170];
	_ =	sdelay $0x4  }
0xe5: {  	v2 =	vand.u32 $0xFFFF, v1  }
0xe6: {  	v1 =	vshra.s32 v1, $0x10;
	[tilespmem:$0x2870] =	vst v2  }
0xe7: {  	[tilespmem:$0x2970] =	vst v1  }
0xe8: {  	[tilespmem:s13], [sflag:$0x1] =	stream.indirect.gather [hbm4b:s4+s14], $0x80, s15, s14, $0xb8;
	[tilespmem:$0x1EA00] =	vst v63  }
0xe9: {  	_ =	swait.ge [sflag:s20], $0x4000  }
0xea: {  	[sflag:s20] =	ssyncset.done $0x0  }
0xeb: {  	[sflag:s20] =	ssyncadd.s32 $0xFFFFC000  }
0xec: {  	[spmem:s2] =	stream.indirect.scatter.add.f32 [tilespmem:s17], [sflag:$0x3], $0x80, s21, s14, $0xb8;
	[tilespmem:$0x1EA00] =	vst v63  }
0xed: {  	_ =	swait.ge [sflag:s12], $0x4000  }
0xee: {  	[sflag:s12] =	ssyncset.done $0x0  }
0xef: {  	[sflag:s12] =	ssyncadd.s32 $0xFFFFC000  }
0xf0: {  	_ =	swait.ge [sflag:s18], $0x4000  }
0xf1: {  	[sflag:s18] =	ssyncset.done $0x0  }
0xf2: {  	[sflag:s18] =	ssyncadd.s32 $0xFFFFC000  }
0xf3: {  	[spmem:s2] =	stream.indirect.scatter.add.f32 [tilespmem:s13], [sflag:$0x3], $0x80, s19, s14, $0xb8;
	[tilespmem:$0x1EA00] =	vst v63  }
0xf4: {  	_ =	swait.ge [sflag:s12], $0x4000  }
0xf5: {  	s24 =	sadd.s32 $0x1, s24;
	[sflag:s12] =	ssyncset.done $0x0  }
0xf6: {  	p0 =	sne.s32 s24, s11;
	[sflag:s12] =	ssyncadd.s32 $0xFFFFC000  }
.Ltmp2:
0xf7: {  	s31 =	sshrl.u32 s6, $0x3;
	[bflag:$0x0] =	sbarrier.arrive $0xFFFF;
	(pc) =	sbr.rel @p0 .LBB2_1-.Ltmp2, $4  }
0xf8: {  	[hbm:s22], [sflag:s23] =	dma.local [spmem:s31], $0x2800  }
0xf9: {  	_ =	swait.ge [sflag:s12], $0x2800  }
0xfa: {  	[sflag:s12] =	ssyncset.done $0x0  }
0xfb: {  	[sflag:s12] =	ssyncadd.s32 $0xFFFFD800  }
0xfc: {  	_ =	sfence.sel $0x180000  }
0xfd: {  	[bflag:$0x0] =	sbarrier.arrive $0xFFFF  }
0xfe: {  	p0 =	sne.s32 s0, $0x0;
	_ =	strace $0x9000004A  }
0xff: {  	s0 =	sadd.s32 @!p0 $0x100000, s1;
	[bflag:$0x2] =	sbarrier.arrive $0xFFFF  }
0x100: {  	[sflag:s0] =	ssyncadd.tile.s32 @!p0 $0x1;
	_ =	shalt  }
.Lfunc_end2:
_tile_overlayer_lowered:
.L_overlay_start_2:
0x101: {  	(tag) =	ssettag $0x2  }
0x102: {  	s0 =	rddreg [dreg:$0x0];
	s2 =	stileid.u32  }
0x103: {  	s1 =	rddreg [dreg:$0x1];
	p0 =	sne.s32 s2, $0x0  }
0x104: {  	s3 =	rddreg [dreg:$0x2];
	[bflag:$0x3] =	sbarrier.arrive $0xFFFF;
	s2 =	simm.s32 @!p0 $0x1C03  }
0x105: {  	[timem:s3], [sflag:s2] =	dma.local @!p0 [hbm:s0], s1  }
0x106: {  	s0 =	simm.s32 @!p0 $0x3  }
0x107: {  	_ =	swait.ge @!p0 [sflag:s0], s1  }
0x108: {  	s1 =	ssub.s32 @!p0 $0x0, s1;
	[sflag:s0] =	ssyncset.done @!p0 $0x0  }
0x109: {  	[sflag:s0] =	ssyncadd.s32 @!p0 s1  }
0x10a: {  	[bflag:$0x3] =	sbarrier.arrive $0xFFFF  }
0x10b: {  	_ =	shalt  }

</sc_bundles>
